<compile_context>
chip_gen: v7x
topology: tpu7x:2x2x1
jax: 0.10.2.dev20260603
libtpu: 0.0.44.dev20260713+nightly
codegen_flags: <defaults>
</compile_context>

<pallas_src>
import jax
import jax.numpy as jnp
from jax import lax
from jax.experimental import pallas as pl
from jax.experimental.pallas import tpu as pltpu
from jax.experimental.pallas import tpu_sc as plsc

N = 10000
NP = 10240
E = 320000
FH = 128
NH = 2
NS = 16
EPT = E // NS
B = 128
NBUF = 4
NB = -(-EPT // (B * NBUF)) * NBUF
EPT_PAD = NB * B
PAD_ROW = N
RPT = NP // NS


def _scatter_kernel(h_hbm, src_hbm, dst_hbm, out_hbm, src_v, dst_v, *rest):
    cidx = lax.axis_index("c")
    sidx = lax.axis_index("s")
    rows = list(rest[:NBUF])
    zb = rest[NBUF]
    acc_sh = rest[NBUF + 1]
    gsem = list(rest[NBUF + 2:NBUF + 2 + NBUF])
    ssem = list(rest[NBUF + 2 + NBUF:])

    pltpu.sync_copy(src_hbm.at[sidx], src_v)
    pltpu.sync_copy(dst_hbm.at[sidx], dst_v)

    off = jnp.full((16,), NP, jnp.int32) * cidx

    def off_body(i, _):
        for j in range(B // 16):
            sl = pl.ds(j * 16, 16)
            src_v[i, sl] = src_v[i, sl] + off
        return 0

    lax.fori_loop(0, NB, off_body, 0)

    zeros32 = jnp.zeros((32,), jnp.bfloat16)

    def zero_body(i, _):
        for j in range(FH // 32):
            zb[i, pl.ds(j * 32, 32)] = zeros32
        return 0

    lax.fori_loop(0, B, zero_body, 0)
    for k in range(RPT // B):
        pltpu.sync_copy(zb, acc_sh.at[pl.ds(sidx * RPT + k * B, B)])
    plsc.subcore_barrier()

    for b in range(NBUF):
        pltpu.async_copy(h_hbm.at[src_v.at[b]], rows[b], gsem[b])

    def body(g, _):
        for b in range(NBUF):
            j = g * NBUF + b
            pltpu.make_async_copy(h_hbm.at[src_v.at[j]], rows[b],
                                  gsem[b]).wait()
            pltpu.async_copy(rows[b], acc_sh.at[dst_v.at[j]], ssem[b],
                             add=True)
            pltpu.make_async_copy(rows[b], acc_sh.at[dst_v.at[j]],
                                  ssem[b]).wait()
            pltpu.async_copy(h_hbm.at[src_v.at[j + NBUF]], rows[b],
                             gsem[b])
        return 0

    lax.fori_loop(0, NB // NBUF - 1, body, 0)
    for b in range(NBUF):
        j = NB - NBUF + b
        pltpu.make_async_copy(h_hbm.at[src_v.at[j]], rows[b],
                              gsem[b]).wait()
        pltpu.async_copy(rows[b], acc_sh.at[dst_v.at[j]], ssem[b],
                         add=True)
        pltpu.make_async_copy(rows[b], acc_sh.at[dst_v.at[j]],
                              ssem[b]).wait()
    plsc.subcore_barrier()

    pltpu.sync_copy(acc_sh.at[pl.ds(sidx * RPT, RPT)],
                    out_hbm.at[cidx, pl.ds(sidx * RPT, RPT)])


_scatter = pl.kernel(
    _scatter_kernel,
    out_type=jax.ShapeDtypeStruct((NH, NP, FH), jnp.bfloat16),
    mesh=plsc.VectorSubcoreMesh(core_axis_name="c", subcore_axis_name="s"),
    scratch_types=(
        [pltpu.VMEM((NB, B), jnp.int32),
         pltpu.VMEM((NB, B), jnp.int32)]
        + [pltpu.VMEM((B, FH), jnp.bfloat16) for _ in range(NBUF)]
        + [pltpu.VMEM((B, FH), jnp.bfloat16),
           pltpu.VMEM_SHARED((NP, FH), jnp.bfloat16)]
        + [pltpu.SemaphoreType.DMA for _ in range(2 * NBUF)]
    ),
    compiler_params=pltpu.CompilerParams(use_tc_tiling_on_sc=False),
)


def _mm1_body(x_ref, w_ref, out_ref):
    out_ref[...] = jnp.dot(x_ref[...], w_ref[...],
                         preferred_element_type=jnp.float32).astype(jnp.bfloat16)


def _mm_body(acc_ref, b_ref, w_ref, out_ref):
    g = jnp.concatenate(
        [jnp.maximum(acc_ref[c].astype(jnp.float32) + b_ref[c], 0.0)
         for c in range(NH)], axis=1)
    out_ref[...] = jnp.dot(g, w_ref[...],
                         preferred_element_type=jnp.float32).astype(jnp.bfloat16)


def _final_body(acc_ref, b_ref, out_ref):
    out_ref[...] = jnp.concatenate(
        [jnp.maximum(acc_ref[c].astype(jnp.float32) + b_ref[c], 0.0)
         for c in range(NH)], axis=1)


BN = 1024
NBLK = NP // BN


def _mm1(x_pad, W1h):
    return pl.pallas_call(
        _mm1_body,
        grid=(NH, NBLK),
        in_specs=[
            pl.BlockSpec((BN, 128), lambda c, i: (i, 0)),
            pl.BlockSpec((128, FH), lambda c, i: (0, c)),
        ],
        out_specs=pl.BlockSpec((BN, FH), lambda c, i: (c * NBLK + i, 0)),
        out_shape=jax.ShapeDtypeStruct((NH * NP, FH), jnp.bfloat16),
    )(x_pad, W1h)


def _mm(acc, b_prev, Wh):
    return pl.pallas_call(
        _mm_body,
        grid=(NH, NBLK),
        in_specs=[
            pl.BlockSpec((NH, BN, FH), lambda c, i: (0, i, 0)),
            pl.BlockSpec((NH, FH), lambda c, i: (0, 0)),
            pl.BlockSpec((NH * FH, FH), lambda c, i: (0, c)),
        ],
        out_specs=pl.BlockSpec((BN, FH), lambda c, i: (c * NBLK + i, 0)),
        out_shape=jax.ShapeDtypeStruct((NH * NP, FH), jnp.bfloat16),
    )(acc, b_prev, Wh)


FBN = 1000
FNBLK = N // FBN


def _final(acc, b_last):
    return pl.pallas_call(
        _final_body,
        grid=(FNBLK,),
        in_specs=[
            pl.BlockSpec((NH, FBN, FH), lambda i: (0, i, 0)),
            pl.BlockSpec((NH, FH), lambda i: (0, 0)),
        ],
        out_specs=pl.BlockSpec((FBN, NH * FH), lambda i: (i, 0)),
        out_shape=jax.ShapeDtypeStruct((N, NH * FH), jnp.float32),
    )(acc, b_last)


@jax.jit
def kernel(x, edge_index, W1, b1, W2, b2, W3, b3):
    src = edge_index[0]
    dst = edge_index[1]

    pad = EPT_PAD - EPT
    src_sl = jnp.pad(src.reshape(NS, EPT), ((0, 0), (0, pad)))
    dst_sl = jnp.pad(dst.reshape(NS, EPT), ((0, 0), (0, pad)),
                     constant_values=PAD_ROW)
    src3d = src_sl.reshape(NS, NB, B)
    dst3d = dst_sl.reshape(NS, NB, B)

    x_pad = jnp.pad(x, ((0, NP - N), (0, 0)))
    b1h = b1.reshape(NH, FH)
    b2h = b2.reshape(NH, FH)
    b3h = b3.reshape(NH, FH)
    h = _mm1(x_pad, W1)
    acc = _scatter(h, src3d, dst3d)
    h = _mm(acc, b1h, W2)
    acc = _scatter(h, src3d, dst3d)
    h = _mm(acc, b2h, W3)
    acc = _scatter(h, src3d, dst3d)
    return _final(acc, b3h)

# --- scband reference (transcript-rebuilt; emitter-appended) ---
"""Pipeline reference for scband-gnn-23794118820496 (READ-ONLY COPY).

The authoritative reference and input builder live on the scoring server;
editing this copy changes nothing except your own understanding.
"""

import jax, jax.numpy as jnp
import numpy as np

N_NODES = 10000
N_EDGES = 320000


def gcn_conv(x, W, b, src, dst, num_nodes):
    # PyG GCNConv with normalize=False (=> add_self_loops=False):
    # h = x @ W; out[v] = sum_{(u->v) in E} h[u]; out += bias
    h = x @ W
    msg = h[src]
    out = jax.ops.segment_sum(msg, dst, num_segments=num_nodes)
    return out + b


def setup_inputs(seed: int = 0) -> dict:
    key = jax.random.key(seed)
    ks = jax.random.split(key, 9)
    x = jax.random.normal(ks[0], (N_NODES, 128), dtype=jnp.float32)
    edge_index = jax.random.randint(ks[1], (2, N_EDGES), 0, N_NODES, dtype=jnp.int32)
    # Glorot-style init for the three GCNConv linear weights ([in, out] layout) + zero biases
    W1 = jax.random.normal(ks[2], (128, 256), dtype=jnp.float32) * (1.0 / np.sqrt(128))
    b1 = jnp.zeros((256,), dtype=jnp.float32)
    W2 = jax.random.normal(ks[3], (256, 256), dtype=jnp.float32) * (1.0 / np.sqrt(256))
    b2 = jnp.zeros((256,), dtype=jnp.float32)
    W3 = jax.random.normal(ks[4], (256, 256), dtype=jnp.float32) * (1.0 / np.sqrt(256))
    b3 = jnp.zeros((256,), dtype=jnp.float32)
    return {"x": x, "edge_index": edge_index, "W1": W1, "b1": b1, "W2": W2, "b2": b2, "W3": W3, "b3": b3}


def reference(x, edge_index, W1, b1, W2, b2, W3, b3):
    src = edge_index[0]
    dst = edge_index[1]
    h = gcn_conv(x, W1, b1, src, dst, N_NODES)
    h = jnp.maximum(h, 0.0)
    h = gcn_conv(h, W2, b2, src, dst, N_NODES)
    h = jnp.maximum(h, 0.0)
    h = gcn_conv(h, W3, b3, src, dst, N_NODES)
    return jnp.maximum(h, 0.0)

if __name__ == "__main__":
    import jax
    _d = setup_inputs()
    print(jax.jit(kernel)(*tuple(_d.values())))

</pallas_src>

<mosaic_0001>
#map = affine_map<(d0, d1) -> (0, 0)>
#map1 = affine_map<(d0, d1) -> (0, 0, 0)>
module attributes {stable_mosaic.version = 14 : i64} {
  func.func @_scatter_kernel(%arg0: i32, %arg1: i32, %arg2: memref<20480x128xbf16, #tpu.memory_space<hbm>>, %arg3: memref<16x160x128xi32, #tpu.memory_space<hbm>>, %arg4: memref<16x160x128xi32, #tpu.memory_space<hbm>>, %arg5: memref<2x10240x128xbf16, #tpu.memory_space<hbm>>, %arg6: memref<160x128xi32, #tpu.memory_space<vmem>>, %arg7: memref<160x128xi32, #tpu.memory_space<vmem>>, %arg8: memref<128x128xbf16, #tpu.memory_space<vmem>>, %arg9: memref<128x128xbf16, #tpu.memory_space<vmem>>, %arg10: memref<128x128xbf16, #tpu.memory_space<vmem>>, %arg11: memref<128x128xbf16, #tpu.memory_space<vmem>>, %arg12: memref<128x128xbf16, #tpu.memory_space<vmem>>, %arg13: memref<10240x128xbf16, #tpu.memory_space<vmem_shared>>, %arg14: memref<!tpu.dma_semaphore, #tpu.memory_space<semaphore_mem>>, %arg15: memref<!tpu.dma_semaphore, #tpu.memory_space<semaphore_mem>>, %arg16: memref<!tpu.dma_semaphore, #tpu.memory_space<semaphore_mem>>, %arg17: memref<!tpu.dma_semaphore, #tpu.memory_space<semaphore_mem>>, %arg18: memref<!tpu.dma_semaphore, #tpu.memory_space<semaphore_mem>>, %arg19: memref<!tpu.dma_semaphore, #tpu.memory_space<semaphore_mem>>, %arg20: memref<!tpu.dma_semaphore, #tpu.memory_space<semaphore_mem>>, %arg21: memref<!tpu.dma_semaphore, #tpu.memory_space<semaphore_mem>>) attributes {dimension_semantics = [#tpu.dimension_semantics<core_parallel>, #tpu.dimension_semantics<subcore_parallel>], iteration_bounds = array<i64: 2, 16>, scalar_prefetch = 0 : i64, scratch_operands = 16 : i64, tpu.core_type = #tpu.core_type<sc_vector_subcore>, window_params = [{transform_indices = #map}, {transform_indices = #map1}, {transform_indices = #map1}, {transform_indices = #map1}]} {
    "tpu.region"() ({
      %run_scoped3A = tpu.sem_alloc : memref<!tpu.dma_semaphore, #tpu.memory_space<semaphore_mem>>
      %dma_start3A_158 = arith.constant 0 : i32
      %dma_start3A_159 = arith.constant 0 : i32
      %dma_start3A_160 = tpu.memref_slice %arg3[%arg1, %dma_start3A_158, %dma_start3A_159] : memref<16x160x128xi32, #tpu.memory_space<hbm>> -> memref<1x160x128xi32, #tpu.memory_space<hbm>>
      %dma_start3A_161 = tpu.memref_squeeze %dma_start3A_160 : memref<1x160x128xi32, #tpu.memory_space<hbm>> -> memref<160x128xi32, #tpu.memory_space<hbm>>
      %dma_start3A_162 = arith.constant 0 : i32
      %dma_start3A_163 = arith.constant 0 : i32
      %dma_start3A_164 = tpu.memref_slice %arg3[%arg1, %dma_start3A_162, %dma_start3A_163] : memref<16x160x128xi32, #tpu.memory_space<hbm>> -> memref<1x160x128xi32, #tpu.memory_space<hbm>>
      %dma_start3A_165 = tpu.memref_squeeze %dma_start3A_164 : memref<1x160x128xi32, #tpu.memory_space<hbm>> -> memref<160x128xi32, #tpu.memory_space<hbm>>
      tpu.enqueue_dma source(%dma_start3A_165 : memref<160x128xi32, #tpu.memory_space<hbm>>) target(%arg6 : memref<160x128xi32, #tpu.memory_space<vmem>>) target_semaphore(%run_scoped3A : memref<!tpu.dma_semaphore, #tpu.memory_space<semaphore_mem>>)
      %dma_wait3A_166 = arith.constant 0 : i32
      %dma_wait3A_167 = arith.constant 0 : i32
      %dma_wait3A_168 = tpu.memref_slice %arg3[%arg1, %dma_wait3A_166, %dma_wait3A_167] : memref<16x160x128xi32, #tpu.memory_space<hbm>> -> memref<1x160x128xi32, #tpu.memory_space<hbm>>
      %dma_wait3A_169 = tpu.memref_squeeze %dma_wait3A_168 : memref<1x160x128xi32, #tpu.memory_space<hbm>> -> memref<160x128xi32, #tpu.memory_space<hbm>>
      %dma_wait3A_170 = arith.constant 0 : i32
      %dma_wait3A_171 = arith.constant 0 : i32
      %dma_wait3A_172 = tpu.memref_slice %arg3[%arg1, %dma_wait3A_170, %dma_wait3A_171] : memref<16x160x128xi32, #tpu.memory_space<hbm>> -> memref<1x160x128xi32, #tpu.memory_space<hbm>>
      %dma_wait3A_173 = tpu.memref_squeeze %dma_wait3A_172 : memref<1x160x128xi32, #tpu.memory_space<hbm>> -> memref<160x128xi32, #tpu.memory_space<hbm>>
      tpu.wait_dma2 semaphore(%run_scoped3A : memref<!tpu.dma_semaphore, #tpu.memory_space<semaphore_mem>>) src(%dma_wait3A_173 : memref<160x128xi32, #tpu.memory_space<hbm>>) dst(%arg6 : memref<160x128xi32, #tpu.memory_space<vmem>>)
      tpu.yield
    }) : () -> ()
    "tpu.region"() ({
      %run_scoped3A = tpu.sem_alloc : memref<!tpu.dma_semaphore, #tpu.memory_space<semaphore_mem>>
      %dma_start3A_158 = arith.constant 0 : i32
      %dma_start3A_159 = arith.constant 0 : i32
      %dma_start3A_160 = tpu.memref_slice %arg4[%arg1, %dma_start3A_158, %dma_start3A_159] : memref<16x160x128xi32, #tpu.memory_space<hbm>> -> memref<1x160x128xi32, #tpu.memory_space<hbm>>
      %dma_start3A_161 = tpu.memref_squeeze %dma_start3A_160 : memref<1x160x128xi32, #tpu.memory_space<hbm>> -> memref<160x128xi32, #tpu.memory_space<hbm>>
      %dma_start3A_162 = arith.constant 0 : i32
      %dma_start3A_163 = arith.constant 0 : i32
      %dma_start3A_164 = tpu.memref_slice %arg4[%arg1, %dma_start3A_162, %dma_start3A_163] : memref<16x160x128xi32, #tpu.memory_space<hbm>> -> memref<1x160x128xi32, #tpu.memory_space<hbm>>
      %dma_start3A_165 = tpu.memref_squeeze %dma_start3A_164 : memref<1x160x128xi32, #tpu.memory_space<hbm>> -> memref<160x128xi32, #tpu.memory_space<hbm>>
      tpu.enqueue_dma source(%dma_start3A_165 : memref<160x128xi32, #tpu.memory_space<hbm>>) target(%arg7 : memref<160x128xi32, #tpu.memory_space<vmem>>) target_semaphore(%run_scoped3A : memref<!tpu.dma_semaphore, #tpu.memory_space<semaphore_mem>>)
      %dma_wait3A_166 = arith.constant 0 : i32
      %dma_wait3A_167 = arith.constant 0 : i32
      %dma_wait3A_168 = tpu.memref_slice %arg4[%arg1, %dma_wait3A_166, %dma_wait3A_167] : memref<16x160x128xi32, #tpu.memory_space<hbm>> -> memref<1x160x128xi32, #tpu.memory_space<hbm>>
      %dma_wait3A_169 = tpu.memref_squeeze %dma_wait3A_168 : memref<1x160x128xi32, #tpu.memory_space<hbm>> -> memref<160x128xi32, #tpu.memory_space<hbm>>
      %dma_wait3A_170 = arith.constant 0 : i32
      %dma_wait3A_171 = arith.constant 0 : i32
      %dma_wait3A_172 = tpu.memref_slice %arg4[%arg1, %dma_wait3A_170, %dma_wait3A_171] : memref<16x160x128xi32, #tpu.memory_space<hbm>> -> memref<1x160x128xi32, #tpu.memory_space<hbm>>
      %dma_wait3A_173 = tpu.memref_squeeze %dma_wait3A_172 : memref<1x160x128xi32, #tpu.memory_space<hbm>> -> memref<160x128xi32, #tpu.memory_space<hbm>>
      tpu.wait_dma2 semaphore(%run_scoped3A : memref<!tpu.dma_semaphore, #tpu.memory_space<semaphore_mem>>) src(%dma_wait3A_173 : memref<160x128xi32, #tpu.memory_space<hbm>>) dst(%arg7 : memref<160x128xi32, #tpu.memory_space<vmem>>)
      tpu.yield
    }) : () -> ()
    %broadcast_in_dim3A = arith.constant 10240 : i32
    %broadcast_in_dim3A_0 = vector.broadcast %broadcast_in_dim3A : i32 to vector<16xi32>
    %mul3A = vector.broadcast %arg0 : i32 to vector<16xi32>
    %mul3A_1 = arith.muli %broadcast_in_dim3A_0, %mul3A : vector<16xi32>
    %scan3A = arith.constant 0 : i32
    %scan3A_2 = arith.constant 0 : i32
    %scan3A_3 = arith.constant 160 : i32
    %scan3A_4 = arith.addi %scan3A_2, %scan3A_3 : i32
    %scan3A_5 = arith.constant 1 : i32
    %scan3A_6 = scf.for %scan3A_158 = %scan3A_2 to %scan3A_4 step %scan3A_5 iter_args(%scan3A_159 = %scan3A) -> (i32)  : i32 {
      %get3A = arith.index_cast %scan3A_158 : i32 to index
      %get3A_160 = arith.constant 0 : index
      %get3A_161 = tpu.vector_load %arg6[%get3A, %get3A_160] {strides = array<i32>} : memref<160x128xi32, #tpu.memory_space<vmem>>, vector<1x16xi32>,
      %get3A_162 = vector.shape_cast %get3A_161 : vector<1x16xi32> to vector<16xi32>
      %add3A_163 = arith.addi %get3A_162, %mul3A_1 : vector<16xi32>
      %swap3A = arith.index_cast %scan3A_158 : i32 to index
      %swap3A_164 = arith.constant 0 : index
      %swap3A_165 = tpu.vector_load %arg6[%swap3A, %swap3A_164] {strides = array<i32>} : memref<160x128xi32, #tpu.memory_space<vmem>>, vector<1x16xi32>,
      %swap3A_166 = vector.shape_cast %swap3A_165 : vector<1x16xi32> to vector<16xi32>
      %swap3A_167 = vector.shape_cast %add3A_163 : vector<16xi32> to vector<1x16xi32>
      tpu.vector_store %arg6[%swap3A, %swap3A_164], %swap3A_167 {strides = array<i32>} : memref<160x128xi32, #tpu.memory_space<vmem>>, vector<1x16xi32>,
      %get3A_168 = arith.index_cast %scan3A_158 : i32 to index
      %get3A_169 = arith.constant 16 : index
      %get3A_170 = tpu.vector_load %arg6[%get3A_168, %get3A_169] {strides = array<i32>} : memref<160x128xi32, #tpu.memory_space<vmem>>, vector<1x16xi32>,
      %get3A_171 = vector.shape_cast %get3A_170 : vector<1x16xi32> to vector<16xi32>
      %add3A_172 = arith.addi %get3A_171, %mul3A_1 : vector<16xi32>
      %swap3A_173 = arith.index_cast %scan3A_158 : i32 to index
      %swap3A_174 = arith.constant 16 : index
      %swap3A_175 = tpu.vector_load %arg6[%swap3A_173, %swap3A_174] {strides = array<i32>} : memref<160x128xi32, #tpu.memory_space<vmem>>, vector<1x16xi32>,
      %swap3A_176 = vector.shape_cast %swap3A_175 : vector<1x16xi32> to vector<16xi32>
      %swap3A_177 = vector.shape_cast %add3A_172 : vector<16xi32> to vector<1x16xi32>
      tpu.vector_store %arg6[%swap3A_173, %swap3A_174], %swap3A_177 {strides = array<i32>} : memref<160x128xi32, #tpu.memory_space<vmem>>, vector<1x16xi32>,
      %get3A_178 = arith.index_cast %scan3A_158 : i32 to index
      %get3A_179 = arith.constant 32 : index
      %get3A_180 = tpu.vector_load %arg6[%get3A_178, %get3A_179] {strides = array<i32>} : memref<160x128xi32, #tpu.memory_space<vmem>>, vector<1x16xi32>,
      %get3A_181 = vector.shape_cast %get3A_180 : vector<1x16xi32> to vector<16xi32>
      %add3A_182 = arith.addi %get3A_181, %mul3A_1 : vector<16xi32>
      %swap3A_183 = arith.index_cast %scan3A_158 : i32 to index
      %swap3A_184 = arith.constant 32 : index
      %swap3A_185 = tpu.vector_load %arg6[%swap3A_183, %swap3A_184] {strides = array<i32>} : memref<160x128xi32, #tpu.memory_space<vmem>>, vector<1x16xi32>,
      %swap3A_186 = vector.shape_cast %swap3A_185 : vector<1x16xi32> to vector<16xi32>
      %swap3A_187 = vector.shape_cast %add3A_182 : vector<16xi32> to vector<1x16xi32>
      tpu.vector_store %arg6[%swap3A_183, %swap3A_184], %swap3A_187 {strides = array<i32>} : memref<160x128xi32, #tpu.memory_space<vmem>>, vector<1x16xi32>,
      %get3A_188 = arith.index_cast %scan3A_158 : i32 to index
      %get3A_189 = arith.constant 48 : index
      %get3A_190 = tpu.vector_load %arg6[%get3A_188, %get3A_189] {strides = array<i32>} : memref<160x128xi32, #tpu.memory_space<vmem>>, vector<1x16xi32>,
      %get3A_191 = vector.shape_cast %get3A_190 : vector<1x16xi32> to vector<16xi32>
      %add3A_192 = arith.addi %get3A_191, %mul3A_1 : vector<16xi32>
      %swap3A_193 = arith.index_cast %scan3A_158 : i32 to index
      %swap3A_194 = arith.constant 48 : index
      %swap3A_195 = tpu.vector_load %arg6[%swap3A_193, %swap3A_194] {strides = array<i32>} : memref<160x128xi32, #tpu.memory_space<vmem>>, vector<1x16xi32>,
      %swap3A_196 = vector.shape_cast %swap3A_195 : vector<1x16xi32> to vector<16xi32>
      %swap3A_197 = vector.shape_cast %add3A_192 : vector<16xi32> to vector<1x16xi32>
      tpu.vector_store %arg6[%swap3A_193, %swap3A_194], %swap3A_197 {strides = array<i32>} : memref<160x128xi32, #tpu.memory_space<vmem>>, vector<1x16xi32>,
      %get3A_198 = arith.index_cast %scan3A_158 : i32 to index
      %get3A_199 = arith.constant 64 : index
      %get3A_200 = tpu.vector_load %arg6[%get3A_198, %get3A_199] {strides = array<i32>} : memref<160x128xi32, #tpu.memory_space<vmem>>, vector<1x16xi32>,
      %get3A_201 = vector.shape_cast %get3A_200 : vector<1x16xi32> to vector<16xi32>
      %add3A_202 = arith.addi %get3A_201, %mul3A_1 : vector<16xi32>
      %swap3A_203 = arith.index_cast %scan3A_158 : i32 to index
      %swap3A_204 = arith.constant 64 : index
      %swap3A_205 = tpu.vector_load %arg6[%swap3A_203, %swap3A_204] {strides = array<i32>} : memref<160x128xi32, #tpu.memory_space<vmem>>, vector<1x16xi32>,
      %swap3A_206 = vector.shape_cast %swap3A_205 : vector<1x16xi32> to vector<16xi32>
      %swap3A_207 = vector.shape_cast %add3A_202 : vector<16xi32> to vector<1x16xi32>
      tpu.vector_store %arg6[%swap3A_203, %swap3A_204], %swap3A_207 {strides = array<i32>} : memref<160x128xi32, #tpu.memory_space<vmem>>, vector<1x16xi32>,
      %get3A_208 = arith.index_cast %scan3A_158 : i32 to index
      %get3A_209 = arith.constant 80 : index
      %get3A_210 = tpu.vector_load %arg6[%get3A_208, %get3A_209] {strides = array<i32>} : memref<160x128xi32, #tpu.memory_space<vmem>>, vector<1x16xi32>,
      %get3A_211 = vector.shape_cast %get3A_210 : vector<1x16xi32> to vector<16xi32>
      %add3A_212 = arith.addi %get3A_211, %mul3A_1 : vector<16xi32>
      %swap3A_213 = arith.index_cast %scan3A_158 : i32 to index
      %swap3A_214 = arith.constant 80 : index
      %swap3A_215 = tpu.vector_load %arg6[%swap3A_213, %swap3A_214] {strides = array<i32>} : memref<160x128xi32, #tpu.memory_space<vmem>>, vector<1x16xi32>,
      %swap3A_216 = vector.shape_cast %swap3A_215 : vector<1x16xi32> to vector<16xi32>
      %swap3A_217 = vector.shape_cast %add3A_212 : vector<16xi32> to vector<1x16xi32>
      tpu.vector_store %arg6[%swap3A_213, %swap3A_214], %swap3A_217 {strides = array<i32>} : memref<160x128xi32, #tpu.memory_space<vmem>>, vector<1x16xi32>,
      %get3A_218 = arith.index_cast %scan3A_158 : i32 to index
      %get3A_219 = arith.constant 96 : index
      %get3A_220 = tpu.vector_load %arg6[%get3A_218, %get3A_219] {strides = array<i32>} : memref<160x128xi32, #tpu.memory_space<vmem>>, vector<1x16xi32>,
      %get3A_221 = vector.shape_cast %get3A_220 : vector<1x16xi32> to vector<16xi32>
      %add3A_222 = arith.addi %get3A_221, %mul3A_1 : vector<16xi32>
      %swap3A_223 = arith.index_cast %scan3A_158 : i32 to index
      %swap3A_224 = arith.constant 96 : index
      %swap3A_225 = tpu.vector_load %arg6[%swap3A_223, %swap3A_224] {strides = array<i32>} : memref<160x128xi32, #tpu.memory_space<vmem>>, vector<1x16xi32>,
      %swap3A_226 = vector.shape_cast %swap3A_225 : vector<1x16xi32> to vector<16xi32>
      %swap3A_227 = vector.shape_cast %add3A_222 : vector<16xi32> to vector<1x16xi32>
      tpu.vector_store %arg6[%swap3A_223, %swap3A_224], %swap3A_227 {strides = array<i32>} : memref<160x128xi32, #tpu.memory_space<vmem>>, vector<1x16xi32>,
      %get3A_228 = arith.index_cast %scan3A_158 : i32 to index
      %get3A_229 = arith.constant 112 : index
      %get3A_230 = tpu.vector_load %arg6[%get3A_228, %get3A_229] {strides = array<i32>} : memref<160x128xi32, #tpu.memory_space<vmem>>, vector<1x16xi32>,
      %get3A_231 = vector.shape_cast %get3A_230 : vector<1x16xi32> to vector<16xi32>
      %add3A_232 = arith.addi %get3A_231, %mul3A_1 : vector<16xi32>
      %swap3A_233 = arith.index_cast %scan3A_158 : i32 to index
      %swap3A_234 = arith.constant 112 : index
      %swap3A_235 = tpu.vector_load %arg6[%swap3A_233, %swap3A_234] {strides = array<i32>} : memref<160x128xi32, #tpu.memory_space<vmem>>, vector<1x16xi32>,
      %swap3A_236 = vector.shape_cast %swap3A_235 : vector<1x16xi32> to vector<16xi32>
      %swap3A_237 = vector.shape_cast %add3A_232 : vector<16xi32> to vector<1x16xi32>
      tpu.vector_store %arg6[%swap3A_233, %swap3A_234], %swap3A_237 {strides = array<i32>} : memref<160x128xi32, #tpu.memory_space<vmem>>, vector<1x16xi32>,
      %scan3A_238 = arith.constant 0 : i32
      scf.yield %scan3A_238 : i32
    }
    %scan3A_7 = arith.constant 160 : i32
    %broadcast_in_dim3A_8 = arith.constant 0.000000e+00 : bf16
    %broadcast_in_dim3A_9 = vector.broadcast %broadcast_in_dim3A_8 : bf16 to vector<32xbf16>
    %scan3A_10 = arith.constant 0 : i32
    %scan3A_11 = arith.constant 0 : i32
    %scan3A_12 = arith.constant 128 : i32
    %scan3A_13 = arith.addi %scan3A_11, %scan3A_12 : i32
    %scan3A_14 = arith.constant 1 : i32
    %scan3A_15 = scf.for %scan3A_158 = %scan3A_11 to %scan3A_13 step %scan3A_14 iter_args(%scan3A_159 = %scan3A_10) -> (i32)  : i32 {
      %swap3A = arith.index_cast %scan3A_158 : i32 to index
      %swap3A_160 = arith.constant 0 : index
      %swap3A_161 = tpu.vector_load %arg12[%swap3A, %swap3A_160] {strides = array<i32>} : memref<128x128xbf16, #tpu.memory_space<vmem>>, vector<1x32xbf16>,
      %swap3A_162 = vector.shape_cast %swap3A_161 : vector<1x32xbf16> to vector<32xbf16>
      %swap3A_163 = vector.shape_cast %broadcast_in_dim3A_9 : vector<32xbf16> to vector<1x32xbf16>
      tpu.vector_store %arg12[%swap3A, %swap3A_160], %swap3A_163 {strides = array<i32>} : memref<128x128xbf16, #tpu.memory_space<vmem>>, vector<1x32xbf16>,
      %swap3A_164 = arith.index_cast %scan3A_158 : i32 to index
      %swap3A_165 = arith.constant 32 : index
      %swap3A_166 = tpu.vector_load %arg12[%swap3A_164, %swap3A_165] {strides = array<i32>} : memref<128x128xbf16, #tpu.memory_space<vmem>>, vector<1x32xbf16>,
      %swap3A_167 = vector.shape_cast %swap3A_166 : vector<1x32xbf16> to vector<32xbf16>
      %swap3A_168 = vector.shape_cast %broadcast_in_dim3A_9 : vector<32xbf16> to vector<1x32xbf16>
      tpu.vector_store %arg12[%swap3A_164, %swap3A_165], %swap3A_168 {strides = array<i32>} : memref<128x128xbf16, #tpu.memory_space<vmem>>, vector<1x32xbf16>,
      %swap3A_169 = arith.index_cast %scan3A_158 : i32 to index
      %swap3A_170 = arith.constant 64 : index
      %swap3A_171 = tpu.vector_load %arg12[%swap3A_169, %swap3A_170] {strides = array<i32>} : memref<128x128xbf16, #tpu.memory_space<vmem>>, vector<1x32xbf16>,
      %swap3A_172 = vector.shape_cast %swap3A_171 : vector<1x32xbf16> to vector<32xbf16>
      %swap3A_173 = vector.shape_cast %broadcast_in_dim3A_9 : vector<32xbf16> to vector<1x32xbf16>
      tpu.vector_store %arg12[%swap3A_169, %swap3A_170], %swap3A_173 {strides = array<i32>} : memref<128x128xbf16, #tpu.memory_space<vmem>>, vector<1x32xbf16>,
      %swap3A_174 = arith.index_cast %scan3A_158 : i32 to index
      %swap3A_175 = arith.constant 96 : index
      %swap3A_176 = tpu.vector_load %arg12[%swap3A_174, %swap3A_175] {strides = array<i32>} : memref<128x128xbf16, #tpu.memory_space<vmem>>, vector<1x32xbf16>,
      %swap3A_177 = vector.shape_cast %swap3A_176 : vector<1x32xbf16> to vector<32xbf16>
      %swap3A_178 = vector.shape_cast %broadcast_in_dim3A_9 : vector<32xbf16> to vector<1x32xbf16>
      tpu.vector_store %arg12[%swap3A_174, %swap3A_175], %swap3A_178 {strides = array<i32>} : memref<128x128xbf16, #tpu.memory_space<vmem>>, vector<1x32xbf16>,
      %scan3A_179 = arith.constant 0 : i32
      scf.yield %scan3A_179 : i32
    }
    %scan3A_16 = arith.constant 128 : i32
    %mul3A_17 = arith.constant 640 : i32
    %mul3A_18 = arith.muli %arg1, %mul3A_17 : i32
    %add3A = arith.constant 0 : i32
    %add3A_19 = arith.addi %mul3A_18, %add3A : i32
    "tpu.region"() ({
      %run_scoped3A = tpu.sem_alloc : memref<!tpu.dma_semaphore, #tpu.memory_space<semaphore_mem>>
      %dma_start3A_158 = arith.constant 0 : i32
      %dma_start3A_159 = tpu.memref_slice %arg13[%add3A_19, %dma_start3A_158] : memref<10240x128xbf16, #tpu.memory_space<vmem_shared>> -> memref<128x128xbf16, #tpu.memory_space<vmem_shared>>
      %dma_start3A_160 = arith.constant 0 : i32
      %dma_start3A_161 = tpu.memref_slice %arg13[%add3A_19, %dma_start3A_160] : memref<10240x128xbf16, #tpu.memory_space<vmem_shared>> -> memref<128x128xbf16, #tpu.memory_space<vmem_shared>>
      tpu.enqueue_dma source(%arg12 : memref<128x128xbf16, #tpu.memory_space<vmem>>) target(%dma_start3A_161 : memref<128x128xbf16, #tpu.memory_space<vmem_shared>>) target_semaphore(%run_scoped3A : memref<!tpu.dma_semaphore, #tpu.memory_space<semaphore_mem>>)
      %dma_wait3A_162 = arith.constant 0 : i32
      %dma_wait3A_163 = tpu.memref_slice %arg13[%add3A_19, %dma_wait3A_162] : memref<10240x128xbf16, #tpu.memory_space<vmem_shared>> -> memref<128x128xbf16, #tpu.memory_space<vmem_shared>>
      %dma_wait3A_164 = arith.constant 0 : i32
      %dma_wait3A_165 = tpu.memref_slice %arg13[%add3A_19, %dma_wait3A_164] : memref<10240x128xbf16, #tpu.memory_space<vmem_shared>> -> memref<128x128xbf16, #tpu.memory_space<vmem_shared>>
      tpu.wait_dma2 semaphore(%run_scoped3A : memref<!tpu.dma_semaphore, #tpu.memory_space<semaphore_mem>>) src(%arg12 : memref<128x128xbf16, #tpu.memory_space<vmem>>) dst(%dma_wait3A_165 : memref<128x128xbf16, #tpu.memory_space<vmem_shared>>)
      tpu.yield
    }) : () -> ()
    %mul3A_20 = arith.constant 640 : i32
    %mul3A_21 = arith.muli %arg1, %mul3A_20 : i32
    %add3A_22 = arith.constant 128 : i32
    %add3A_23 = arith.addi %mul3A_21, %add3A_22 : i32
    "tpu.region"() ({
      %run_scoped3A = tpu.sem_alloc : memref<!tpu.dma_semaphore, #tpu.memory_space<semaphore_mem>>
      %dma_start3A_158 = arith.constant 0 : i32
      %dma_start3A_159 = tpu.memref_slice %arg13[%add3A_23, %dma_start3A_158] : memref<10240x128xbf16, #tpu.memory_space<vmem_shared>> -> memref<128x128xbf16, #tpu.memory_space<vmem_shared>>
      %dma_start3A_160 = arith.constant 0 : i32
      %dma_start3A_161 = tpu.memref_slice %arg13[%add3A_23, %dma_start3A_160] : memref<10240x128xbf16, #tpu.memory_space<vmem_shared>> -> memref<128x128xbf16, #tpu.memory_space<vmem_shared>>
      tpu.enqueue_dma source(%arg12 : memref<128x128xbf16, #tpu.memory_space<vmem>>) target(%dma_start3A_161 : memref<128x128xbf16, #tpu.memory_space<vmem_shared>>) target_semaphore(%run_scoped3A : memref<!tpu.dma_semaphore, #tpu.memory_space<semaphore_mem>>)
      %dma_wait3A_162 = arith.constant 0 : i32
      %dma_wait3A_163 = tpu.memref_slice %arg13[%add3A_23, %dma_wait3A_162] : memref<10240x128xbf16, #tpu.memory_space<vmem_shared>> -> memref<128x128xbf16, #tpu.memory_space<vmem_shared>>
      %dma_wait3A_164 = arith.constant 0 : i32
      %dma_wait3A_165 = tpu.memref_slice %arg13[%add3A_23, %dma_wait3A_164] : memref<10240x128xbf16, #tpu.memory_space<vmem_shared>> -> memref<128x128xbf16, #tpu.memory_space<vmem_shared>>
      tpu.wait_dma2 semaphore(%run_scoped3A : memref<!tpu.dma_semaphore, #tpu.memory_space<semaphore_mem>>) src(%arg12 : memref<128x128xbf16, #tpu.memory_space<vmem>>) dst(%dma_wait3A_165 : memref<128x128xbf16, #tpu.memory_space<vmem_shared>>)
      tpu.yield
    }) : () -> ()
    %mul3A_24 = arith.constant 640 : i32
    %mul3A_25 = arith.muli %arg1, %mul3A_24 : i32
    %add3A_26 = arith.constant 256 : i32
    %add3A_27 = arith.addi %mul3A_25, %add3A_26 : i32
    "tpu.region"() ({
      %run_scoped3A = tpu.sem_alloc : memref<!tpu.dma_semaphore, #tpu.memory_space<semaphore_mem>>
      %dma_start3A_158 = arith.constant 0 : i32
      %dma_start3A_159 = tpu.memref_slice %arg13[%add3A_27, %dma_start3A_158] : memref<10240x128xbf16, #tpu.memory_space<vmem_shared>> -> memref<128x128xbf16, #tpu.memory_space<vmem_shared>>
      %dma_start3A_160 = arith.constant 0 : i32
      %dma_start3A_161 = tpu.memref_slice %arg13[%add3A_27, %dma_start3A_160] : memref<10240x128xbf16, #tpu.memory_space<vmem_shared>> -> memref<128x128xbf16, #tpu.memory_space<vmem_shared>>
      tpu.enqueue_dma source(%arg12 : memref<128x128xbf16, #tpu.memory_space<vmem>>) target(%dma_start3A_161 : memref<128x128xbf16, #tpu.memory_space<vmem_shared>>) target_semaphore(%run_scoped3A : memref<!tpu.dma_semaphore, #tpu.memory_space<semaphore_mem>>)
      %dma_wait3A_162 = arith.constant 0 : i32
      %dma_wait3A_163 = tpu.memref_slice %arg13[%add3A_27, %dma_wait3A_162] : memref<10240x128xbf16, #tpu.memory_space<vmem_shared>> -> memref<128x128xbf16, #tpu.memory_space<vmem_shared>>
      %dma_wait3A_164 = arith.constant 0 : i32
      %dma_wait3A_165 = tpu.memref_slice %arg13[%add3A_27, %dma_wait3A_164] : memref<10240x128xbf16, #tpu.memory_space<vmem_shared>> -> memref<128x128xbf16, #tpu.memory_space<vmem_shared>>
      tpu.wait_dma2 semaphore(%run_scoped3A : memref<!tpu.dma_semaphore, #tpu.memory_space<semaphore_mem>>) src(%arg12 : memref<128x128xbf16, #tpu.memory_space<vmem>>) dst(%dma_wait3A_165 : memref<128x128xbf16, #tpu.memory_space<vmem_shared>>)
      tpu.yield
    }) : () -> ()
    %mul3A_28 = arith.constant 640 : i32
    %mul3A_29 = arith.muli %arg1, %mul3A_28 : i32
    %add3A_30 = arith.constant 384 : i32
    %add3A_31 = arith.addi %mul3A_29, %add3A_30 : i32
    "tpu.region"() ({
      %run_scoped3A = tpu.sem_alloc : memref<!tpu.dma_semaphore, #tpu.memory_space<semaphore_mem>>
      %dma_start3A_158 = arith.constant 0 : i32
      %dma_start3A_159 = tpu.memref_slice %arg13[%add3A_31, %dma_start3A_158] : memref<10240x128xbf16, #tpu.memory_space<vmem_shared>> -> memref<128x128xbf16, #tpu.memory_space<vmem_shared>>
      %dma_start3A_160 = arith.constant 0 : i32
      %dma_start3A_161 = tpu.memref_slice %arg13[%add3A_31, %dma_start3A_160] : memref<10240x128xbf16, #tpu.memory_space<vmem_shared>> -> memref<128x128xbf16, #tpu.memory_space<vmem_shared>>
      tpu.enqueue_dma source(%arg12 : memref<128x128xbf16, #tpu.memory_space<vmem>>) target(%dma_start3A_161 : memref<128x128xbf16, #tpu.memory_space<vmem_shared>>) target_semaphore(%run_scoped3A : memref<!tpu.dma_semaphore, #tpu.memory_space<semaphore_mem>>)
      %dma_wait3A_162 = arith.constant 0 : i32
      %dma_wait3A_163 = tpu.memref_slice %arg13[%add3A_31, %dma_wait3A_162] : memref<10240x128xbf16, #tpu.memory_space<vmem_shared>> -> memref<128x128xbf16, #tpu.memory_space<vmem_shared>>
      %dma_wait3A_164 = arith.constant 0 : i32
      %dma_wait3A_165 = tpu.memref_slice %arg13[%add3A_31, %dma_wait3A_164] : memref<10240x128xbf16, #tpu.memory_space<vmem_shared>> -> memref<128x128xbf16, #tpu.memory_space<vmem_shared>>
      tpu.wait_dma2 semaphore(%run_scoped3A : memref<!tpu.dma_semaphore, #tpu.memory_space<semaphore_mem>>) src(%arg12 : memref<128x128xbf16, #tpu.memory_space<vmem>>) dst(%dma_wait3A_165 : memref<128x128xbf16, #tpu.memory_space<vmem_shared>>)
      tpu.yield
    }) : () -> ()
    %mul3A_32 = arith.constant 640 : i32
    %mul3A_33 = arith.muli %arg1, %mul3A_32 : i32
    %add3A_34 = arith.constant 512 : i32
    %add3A_35 = arith.addi %mul3A_33, %add3A_34 : i32
    "tpu.region"() ({
      %run_scoped3A = tpu.sem_alloc : memref<!tpu.dma_semaphore, #tpu.memory_space<semaphore_mem>>
      %dma_start3A_158 = arith.constant 0 : i32
      %dma_start3A_159 = tpu.memref_slice %arg13[%add3A_35, %dma_start3A_158] : memref<10240x128xbf16, #tpu.memory_space<vmem_shared>> -> memref<128x128xbf16, #tpu.memory_space<vmem_shared>>
      %dma_start3A_160 = arith.constant 0 : i32
      %dma_start3A_161 = tpu.memref_slice %arg13[%add3A_35, %dma_start3A_160] : memref<10240x128xbf16, #tpu.memory_space<vmem_shared>> -> memref<128x128xbf16, #tpu.memory_space<vmem_shared>>
      tpu.enqueue_dma source(%arg12 : memref<128x128xbf16, #tpu.memory_space<vmem>>) target(%dma_start3A_161 : memref<128x128xbf16, #tpu.memory_space<vmem_shared>>) target_semaphore(%run_scoped3A : memref<!tpu.dma_semaphore, #tpu.memory_space<semaphore_mem>>)
      %dma_wait3A_162 = arith.constant 0 : i32
      %dma_wait3A_163 = tpu.memref_slice %arg13[%add3A_35, %dma_wait3A_162] : memref<10240x128xbf16, #tpu.memory_space<vmem_shared>> -> memref<128x128xbf16, #tpu.memory_space<vmem_shared>>
      %dma_wait3A_164 = arith.constant 0 : i32
      %dma_wait3A_165 = tpu.memref_slice %arg13[%add3A_35, %dma_wait3A_164] : memref<10240x128xbf16, #tpu.memory_space<vmem_shared>> -> memref<128x128xbf16, #tpu.memory_space<vmem_shared>>
      tpu.wait_dma2 semaphore(%run_scoped3A : memref<!tpu.dma_semaphore, #tpu.memory_space<semaphore_mem>>) src(%arg12 : memref<128x128xbf16, #tpu.memory_space<vmem>>) dst(%dma_wait3A_165 : memref<128x128xbf16, #tpu.memory_space<vmem_shared>>)
      tpu.yield
    }) : () -> ()
    %barrier3A = arith.constant 0 : index
    tpu.barrier barrier_id(%barrier3A)
    %dma_start3A = arith.constant 0 : i32
    %dma_start3A_36 = arith.constant 0 : i32
    %dma_start3A_37 = tpu.memref_slice %arg6[%dma_start3A, %dma_start3A_36] : memref<160x128xi32, #tpu.memory_space<vmem>> -> memref<1x128xi32, #tpu.memory_space<vmem>>
    %dma_start3A_38 = tpu.memref_squeeze %dma_start3A_37 : memref<1x128xi32, #tpu.memory_space<vmem>> -> memref<128xi32, #tpu.memory_space<vmem>>
    %dma_start3A_39 = arith.constant 0 : i32
    %dma_start3A_40 = arith.constant 0 : i32
    %dma_start3A_41 = tpu.memref_slice %arg2[%dma_start3A_39, %dma_start3A_40] : memref<20480x128xbf16, #tpu.memory_space<hbm>> -> memref<20480x128xbf16, #tpu.memory_space<hbm>>
    tpu.enqueue_indirect_dma source(%dma_start3A_41 : memref<20480x128xbf16, #tpu.memory_space<hbm>>) target(%arg8 : memref<128x128xbf16, #tpu.memory_space<vmem>>) offsets(%dma_start3A_38 : memref<128xi32, #tpu.memory_space<vmem>>) semaphore(%arg14 : memref<!tpu.dma_semaphore, #tpu.memory_space<semaphore_mem>>)
    %dma_start3A_42 = arith.constant 1 : i32
    %dma_start3A_43 = arith.constant 0 : i32
    %dma_start3A_44 = tpu.memref_slice %arg6[%dma_start3A_42, %dma_start3A_43] : memref<160x128xi32, #tpu.memory_space<vmem>> -> memref<1x128xi32, #tpu.memory_space<vmem>>
    %dma_start3A_45 = tpu.memref_squeeze %dma_start3A_44 : memref<1x128xi32, #tpu.memory_space<vmem>> -> memref<128xi32, #tpu.memory_space<vmem>>
    %dma_start3A_46 = arith.constant 0 : i32
    %dma_start3A_47 = arith.constant 0 : i32
    %dma_start3A_48 = tpu.memref_slice %arg2[%dma_start3A_46, %dma_start3A_47] : memref<20480x128xbf16, #tpu.memory_space<hbm>> -> memref<20480x128xbf16, #tpu.memory_space<hbm>>
    tpu.enqueue_indirect_dma source(%dma_start3A_48 : memref<20480x128xbf16, #tpu.memory_space<hbm>>) target(%arg9 : memref<128x128xbf16, #tpu.memory_space<vmem>>) offsets(%dma_start3A_45 : memref<128xi32, #tpu.memory_space<vmem>>) semaphore(%arg15 : memref<!tpu.dma_semaphore, #tpu.memory_space<semaphore_mem>>)
    %dma_start3A_49 = arith.constant 2 : i32
    %dma_start3A_50 = arith.constant 0 : i32
    %dma_start3A_51 = tpu.memref_slice %arg6[%dma_start3A_49, %dma_start3A_50] : memref<160x128xi32, #tpu.memory_space<vmem>> -> memref<1x128xi32, #tpu.memory_space<vmem>>
    %dma_start3A_52 = tpu.memref_squeeze %dma_start3A_51 : memref<1x128xi32, #tpu.memory_space<vmem>> -> memref<128xi32, #tpu.memory_space<vmem>>
    %dma_start3A_53 = arith.constant 0 : i32
    %dma_start3A_54 = arith.constant 0 : i32
    %dma_start3A_55 = tpu.memref_slice %arg2[%dma_start3A_53, %dma_start3A_54] : memref<20480x128xbf16, #tpu.memory_space<hbm>> -> memref<20480x128xbf16, #tpu.memory_space<hbm>>
    tpu.enqueue_indirect_dma source(%dma_start3A_55 : memref<20480x128xbf16, #tpu.memory_space<hbm>>) target(%arg10 : memref<128x128xbf16, #tpu.memory_space<vmem>>) offsets(%dma_start3A_52 : memref<128xi32, #tpu.memory_space<vmem>>) semaphore(%arg16 : memref<!tpu.dma_semaphore, #tpu.memory_space<semaphore_mem>>)
    %dma_start3A_56 = arith.constant 3 : i32
    %dma_start3A_57 = arith.constant 0 : i32
    %dma_start3A_58 = tpu.memref_slice %arg6[%dma_start3A_56, %dma_start3A_57] : memref<160x128xi32, #tpu.memory_space<vmem>> -> memref<1x128xi32, #tpu.memory_space<vmem>>
    %dma_start3A_59 = tpu.memref_squeeze %dma_start3A_58 : memref<1x128xi32, #tpu.memory_space<vmem>> -> memref<128xi32, #tpu.memory_space<vmem>>
    %dma_start3A_60 = arith.constant 0 : i32
    %dma_start3A_61 = arith.constant 0 : i32
    %dma_start3A_62 = tpu.memref_slice %arg2[%dma_start3A_60, %dma_start3A_61] : memref<20480x128xbf16, #tpu.memory_space<hbm>> -> memref<20480x128xbf16, #tpu.memory_space<hbm>>
    tpu.enqueue_indirect_dma source(%dma_start3A_62 : memref<20480x128xbf16, #tpu.memory_space<hbm>>) target(%arg11 : memref<128x128xbf16, #tpu.memory_space<vmem>>) offsets(%dma_start3A_59 : memref<128xi32, #tpu.memory_space<vmem>>) semaphore(%arg17 : memref<!tpu.dma_semaphore, #tpu.memory_space<semaphore_mem>>)
    %scan3A_63 = arith.constant 0 : i32
    %scan3A_64 = arith.constant 0 : i32
    %scan3A_65 = arith.constant 39 : i32
    %scan3A_66 = arith.addi %scan3A_64, %scan3A_65 : i32
    %scan3A_67 = arith.constant 1 : i32
    %scan3A_68 = scf.for %scan3A_158 = %scan3A_64 to %scan3A_66 step %scan3A_67 iter_args(%scan3A_159 = %scan3A_63) -> (i32)  : i32 {
      %mul3A_160 = arith.constant 4 : i32
      %mul3A_161 = arith.muli %scan3A_158, %mul3A_160 : i32
      %add3A_162 = arith.constant 0 : i32
      %add3A_163 = arith.addi %mul3A_161, %add3A_162 : i32
      %dma_wait3A_164 = arith.constant 0 : i32
      %dma_wait3A_165 = tpu.memref_slice %arg6[%add3A_163, %dma_wait3A_164] : memref<160x128xi32, #tpu.memory_space<vmem>> -> memref<1x128xi32, #tpu.memory_space<vmem>>
      %dma_wait3A_166 = tpu.memref_squeeze %dma_wait3A_165 : memref<1x128xi32, #tpu.memory_space<vmem>> -> memref<128xi32, #tpu.memory_space<vmem>>
      %dma_wait3A_167 = arith.constant 0 : i32
      %dma_wait3A_168 = arith.constant 0 : i32
      %dma_wait3A_169 = tpu.memref_slice %arg2[%dma_wait3A_167, %dma_wait3A_168] : memref<20480x128xbf16, #tpu.memory_space<hbm>> -> memref<20480x128xbf16, #tpu.memory_space<hbm>>
      tpu.wait_indirect_dma semaphore(%arg14 : memref<!tpu.dma_semaphore, #tpu.memory_space<semaphore_mem>>) src(%dma_wait3A_169 : memref<20480x128xbf16, #tpu.memory_space<hbm>>) dst(%arg8 : memref<128x128xbf16, #tpu.memory_space<vmem>>)
      %dma_start3A_170 = arith.constant 0 : i32
      %dma_start3A_171 = tpu.memref_slice %arg7[%add3A_163, %dma_start3A_170] : memref<160x128xi32, #tpu.memory_space<vmem>> -> memref<1x128xi32, #tpu.memory_space<vmem>>
      %dma_start3A_172 = tpu.memref_squeeze %dma_start3A_171 : memref<1x128xi32, #tpu.memory_space<vmem>> -> memref<128xi32, #tpu.memory_space<vmem>>
      %dma_start3A_173 = arith.constant 0 : i32
      %dma_start3A_174 = arith.constant 0 : i32
      %dma_start3A_175 = tpu.memref_slice %arg13[%dma_start3A_173, %dma_start3A_174] : memref<10240x128xbf16, #tpu.memory_space<vmem_shared>> -> memref<10240x128xbf16, #tpu.memory_space<vmem_shared>>
      tpu.enqueue_indirect_dma source(%arg8 : memref<128x128xbf16, #tpu.memory_space<vmem>>) target(%dma_start3A_175 : memref<10240x128xbf16, #tpu.memory_space<vmem_shared>>) offsets(%dma_start3A_172 : memref<128xi32, #tpu.memory_space<vmem>>) semaphore(%arg18 : memref<!tpu.dma_semaphore, #tpu.memory_space<semaphore_mem>>) {add = true}
      %dma_wait3A_176 = arith.constant 0 : i32
      %dma_wait3A_177 = tpu.memref_slice %arg7[%add3A_163, %dma_wait3A_176] : memref<160x128xi32, #tpu.memory_space<vmem>> -> memref<1x128xi32, #tpu.memory_space<vmem>>
      %dma_wait3A_178 = tpu.memref_squeeze %dma_wait3A_177 : memref<1x128xi32, #tpu.memory_space<vmem>> -> memref<128xi32, #tpu.memory_space<vmem>>
      %dma_wait3A_179 = arith.constant 0 : i32
      %dma_wait3A_180 = arith.constant 0 : i32
      %dma_wait3A_181 = tpu.memref_slice %arg13[%dma_wait3A_179, %dma_wait3A_180] : memref<10240x128xbf16, #tpu.memory_space<vmem_shared>> -> memref<10240x128xbf16, #tpu.memory_space<vmem_shared>>
      tpu.wait_indirect_dma semaphore(%arg18 : memref<!tpu.dma_semaphore, #tpu.memory_space<semaphore_mem>>) src(%arg8 : memref<128x128xbf16, #tpu.memory_space<vmem>>) dst(%dma_wait3A_181 : memref<10240x128xbf16, #tpu.memory_space<vmem_shared>>)
      %add3A_182 = arith.constant 4 : i32
      %add3A_183 = arith.addi %add3A_163, %add3A_182 : i32
      %dma_start3A_184 = arith.constant 0 : i32
      %dma_start3A_185 = tpu.memref_slice %arg6[%add3A_183, %dma_start3A_184] : memref<160x128xi32, #tpu.memory_space<vmem>> -> memref<1x128xi32, #tpu.memory_space<vmem>>
      %dma_start3A_186 = tpu.memref_squeeze %dma_start3A_185 : memref<1x128xi32, #tpu.memory_space<vmem>> -> memref<128xi32, #tpu.memory_space<vmem>>
      %dma_start3A_187 = arith.constant 0 : i32
      %dma_start3A_188 = arith.constant 0 : i32
      %dma_start3A_189 = tpu.memref_slice %arg2[%dma_start3A_187, %dma_start3A_188] : memref<20480x128xbf16, #tpu.memory_space<hbm>> -> memref<20480x128xbf16, #tpu.memory_space<hbm>>
      tpu.enqueue_indirect_dma source(%dma_start3A_189 : memref<20480x128xbf16, #tpu.memory_space<hbm>>) target(%arg8 : memref<128x128xbf16, #tpu.memory_space<vmem>>) offsets(%dma_start3A_186 : memref<128xi32, #tpu.memory_space<vmem>>) semaphore(%arg14 : memref<!tpu.dma_semaphore, #tpu.memory_space<semaphore_mem>>)
      %mul3A_190 = arith.constant 4 : i32
      %mul3A_191 = arith.muli %scan3A_158, %mul3A_190 : i32
      %add3A_192 = arith.constant 1 : i32
      %add3A_193 = arith.addi %mul3A_191, %add3A_192 : i32
      %dma_wait3A_194 = arith.constant 0 : i32
      %dma_wait3A_195 = tpu.memref_slice %arg6[%add3A_193, %dma_wait3A_194] : memref<160x128xi32, #tpu.memory_space<vmem>> -> memref<1x128xi32, #tpu.memory_space<vmem>>
      %dma_wait3A_196 = tpu.memref_squeeze %dma_wait3A_195 : memref<1x128xi32, #tpu.memory_space<vmem>> -> memref<128xi32, #tpu.memory_space<vmem>>
      %dma_wait3A_197 = arith.constant 0 : i32
      %dma_wait3A_198 = arith.constant 0 : i32
      %dma_wait3A_199 = tpu.memref_slice %arg2[%dma_wait3A_197, %dma_wait3A_198] : memref<20480x128xbf16, #tpu.memory_space<hbm>> -> memref<20480x128xbf16, #tpu.memory_space<hbm>>
      tpu.wait_indirect_dma semaphore(%arg15 : memref<!tpu.dma_semaphore, #tpu.memory_space<semaphore_mem>>) src(%dma_wait3A_199 : memref<20480x128xbf16, #tpu.memory_space<hbm>>) dst(%arg9 : memref<128x128xbf16, #tpu.memory_space<vmem>>)
      %dma_start3A_200 = arith.constant 0 : i32
      %dma_start3A_201 = tpu.memref_slice %arg7[%add3A_193, %dma_start3A_200] : memref<160x128xi32, #tpu.memory_space<vmem>> -> memref<1x128xi32, #tpu.memory_space<vmem>>
      %dma_start3A_202 = tpu.memref_squeeze %dma_start3A_201 : memref<1x128xi32, #tpu.memory_space<vmem>> -> memref<128xi32, #tpu.memory_space<vmem>>
      %dma_start3A_203 = arith.constant 0 : i32
      %dma_start3A_204 = arith.constant 0 : i32
      %dma_start3A_205 = tpu.memref_slice %arg13[%dma_start3A_203, %dma_start3A_204] : memref<10240x128xbf16, #tpu.memory_space<vmem_shared>> -> memref<10240x128xbf16, #tpu.memory_space<vmem_shared>>
      tpu.enqueue_indirect_dma source(%arg9 : memref<128x128xbf16, #tpu.memory_space<vmem>>) target(%dma_start3A_205 : memref<10240x128xbf16, #tpu.memory_space<vmem_shared>>) offsets(%dma_start3A_202 : memref<128xi32, #tpu.memory_space<vmem>>) semaphore(%arg19 : memref<!tpu.dma_semaphore, #tpu.memory_space<semaphore_mem>>) {add = true}
      %dma_wait3A_206 = arith.constant 0 : i32
      %dma_wait3A_207 = tpu.memref_slice %arg7[%add3A_193, %dma_wait3A_206] : memref<160x128xi32, #tpu.memory_space<vmem>> -> memref<1x128xi32, #tpu.memory_space<vmem>>
      %dma_wait3A_208 = tpu.memref_squeeze %dma_wait3A_207 : memref<1x128xi32, #tpu.memory_space<vmem>> -> memref<128xi32, #tpu.memory_space<vmem>>
      %dma_wait3A_209 = arith.constant 0 : i32
      %dma_wait3A_210 = arith.constant 0 : i32
      %dma_wait3A_211 = tpu.memref_slice %arg13[%dma_wait3A_209, %dma_wait3A_210] : memref<10240x128xbf16, #tpu.memory_space<vmem_shared>> -> memref<10240x128xbf16, #tpu.memory_space<vmem_shared>>
      tpu.wait_indirect_dma semaphore(%arg19 : memref<!tpu.dma_semaphore, #tpu.memory_space<semaphore_mem>>) src(%arg9 : memref<128x128xbf16, #tpu.memory_space<vmem>>) dst(%dma_wait3A_211 : memref<10240x128xbf16, #tpu.memory_space<vmem_shared>>)
      %add3A_212 = arith.constant 4 : i32
      %add3A_213 = arith.addi %add3A_193, %add3A_212 : i32
      %dma_start3A_214 = arith.constant 0 : i32
      %dma_start3A_215 = tpu.memref_slice %arg6[%add3A_213, %dma_start3A_214] : memref<160x128xi32, #tpu.memory_space<vmem>> -> memref<1x128xi32, #tpu.memory_space<vmem>>
      %dma_start3A_216 = tpu.memref_squeeze %dma_start3A_215 : memref<1x128xi32, #tpu.memory_space<vmem>> -> memref<128xi32, #tpu.memory_space<vmem>>
      %dma_start3A_217 = arith.constant 0 : i32
      %dma_start3A_218 = arith.constant 0 : i32
      %dma_start3A_219 = tpu.memref_slice %arg2[%dma_start3A_217, %dma_start3A_218] : memref<20480x128xbf16, #tpu.memory_space<hbm>> -> memref<20480x128xbf16, #tpu.memory_space<hbm>>
      tpu.enqueue_indirect_dma source(%dma_start3A_219 : memref<20480x128xbf16, #tpu.memory_space<hbm>>) target(%arg9 : memref<128x128xbf16, #tpu.memory_space<vmem>>) offsets(%dma_start3A_216 : memref<128xi32, #tpu.memory_space<vmem>>) semaphore(%arg15 : memref<!tpu.dma_semaphore, #tpu.memory_space<semaphore_mem>>)
      %mul3A_220 = arith.constant 4 : i32
      %mul3A_221 = arith.muli %scan3A_158, %mul3A_220 : i32
      %add3A_222 = arith.constant 2 : i32
      %add3A_223 = arith.addi %mul3A_221, %add3A_222 : i32
      %dma_wait3A_224 = arith.constant 0 : i32
      %dma_wait3A_225 = tpu.memref_slice %arg6[%add3A_223, %dma_wait3A_224] : memref<160x128xi32, #tpu.memory_space<vmem>> -> memref<1x128xi32, #tpu.memory_space<vmem>>
      %dma_wait3A_226 = tpu.memref_squeeze %dma_wait3A_225 : memref<1x128xi32, #tpu.memory_space<vmem>> -> memref<128xi32, #tpu.memory_space<vmem>>
      %dma_wait3A_227 = arith.constant 0 : i32
      %dma_wait3A_228 = arith.constant 0 : i32
      %dma_wait3A_229 = tpu.memref_slice %arg2[%dma_wait3A_227, %dma_wait3A_228] : memref<20480x128xbf16, #tpu.memory_space<hbm>> -> memref<20480x128xbf16, #tpu.memory_space<hbm>>
      tpu.wait_indirect_dma semaphore(%arg16 : memref<!tpu.dma_semaphore, #tpu.memory_space<semaphore_mem>>) src(%dma_wait3A_229 : memref<20480x128xbf16, #tpu.memory_space<hbm>>) dst(%arg10 : memref<128x128xbf16, #tpu.memory_space<vmem>>)
      %dma_start3A_230 = arith.constant 0 : i32
      %dma_start3A_231 = tpu.memref_slice %arg7[%add3A_223, %dma_start3A_230] : memref<160x128xi32, #tpu.memory_space<vmem>> -> memref<1x128xi32, #tpu.memory_space<vmem>>
      %dma_start3A_232 = tpu.memref_squeeze %dma_start3A_231 : memref<1x128xi32, #tpu.memory_space<vmem>> -> memref<128xi32, #tpu.memory_space<vmem>>
      %dma_start3A_233 = arith.constant 0 : i32
      %dma_start3A_234 = arith.constant 0 : i32
      %dma_start3A_235 = tpu.memref_slice %arg13[%dma_start3A_233, %dma_start3A_234] : memref<10240x128xbf16, #tpu.memory_space<vmem_shared>> -> memref<10240x128xbf16, #tpu.memory_space<vmem_shared>>
      tpu.enqueue_indirect_dma source(%arg10 : memref<128x128xbf16, #tpu.memory_space<vmem>>) target(%dma_start3A_235 : memref<10240x128xbf16, #tpu.memory_space<vmem_shared>>) offsets(%dma_start3A_232 : memref<128xi32, #tpu.memory_space<vmem>>) semaphore(%arg20 : memref<!tpu.dma_semaphore, #tpu.memory_space<semaphore_mem>>) {add = true}
      %dma_wait3A_236 = arith.constant 0 : i32
      %dma_wait3A_237 = tpu.memref_slice %arg7[%add3A_223, %dma_wait3A_236] : memref<160x128xi32, #tpu.memory_space<vmem>> -> memref<1x128xi32, #tpu.memory_space<vmem>>
      %dma_wait3A_238 = tpu.memref_squeeze %dma_wait3A_237 : memref<1x128xi32, #tpu.memory_space<vmem>> -> memref<128xi32, #tpu.memory_space<vmem>>
      %dma_wait3A_239 = arith.constant 0 : i32
      %dma_wait3A_240 = arith.constant 0 : i32
      %dma_wait3A_241 = tpu.memref_slice %arg13[%dma_wait3A_239, %dma_wait3A_240] : memref<10240x128xbf16, #tpu.memory_space<vmem_shared>> -> memref<10240x128xbf16, #tpu.memory_space<vmem_shared>>
      tpu.wait_indirect_dma semaphore(%arg20 : memref<!tpu.dma_semaphore, #tpu.memory_space<semaphore_mem>>) src(%arg10 : memref<128x128xbf16, #tpu.memory_space<vmem>>) dst(%dma_wait3A_241 : memref<10240x128xbf16, #tpu.memory_space<vmem_shared>>)
      %add3A_242 = arith.constant 4 : i32
      %add3A_243 = arith.addi %add3A_223, %add3A_242 : i32
      %dma_start3A_244 = arith.constant 0 : i32
      %dma_start3A_245 = tpu.memref_slice %arg6[%add3A_243, %dma_start3A_244] : memref<160x128xi32, #tpu.memory_space<vmem>> -> memref<1x128xi32, #tpu.memory_space<vmem>>
      %dma_start3A_246 = tpu.memref_squeeze %dma_start3A_245 : memref<1x128xi32, #tpu.memory_space<vmem>> -> memref<128xi32, #tpu.memory_space<vmem>>
      %dma_start3A_247 = arith.constant 0 : i32
      %dma_start3A_248 = arith.constant 0 : i32
      %dma_start3A_249 = tpu.memref_slice %arg2[%dma_start3A_247, %dma_start3A_248] : memref<20480x128xbf16, #tpu.memory_space<hbm>> -> memref<20480x128xbf16, #tpu.memory_space<hbm>>
      tpu.enqueue_indirect_dma source(%dma_start3A_249 : memref<20480x128xbf16, #tpu.memory_space<hbm>>) target(%arg10 : memref<128x128xbf16, #tpu.memory_space<vmem>>) offsets(%dma_start3A_246 : memref<128xi32, #tpu.memory_space<vmem>>) semaphore(%arg16 : memref<!tpu.dma_semaphore, #tpu.memory_space<semaphore_mem>>)
      %mul3A_250 = arith.constant 4 : i32
      %mul3A_251 = arith.muli %scan3A_158, %mul3A_250 : i32
      %add3A_252 = arith.constant 3 : i32
      %add3A_253 = arith.addi %mul3A_251, %add3A_252 : i32
      %dma_wait3A_254 = arith.constant 0 : i32
      %dma_wait3A_255 = tpu.memref_slice %arg6[%add3A_253, %dma_wait3A_254] : memref<160x128xi32, #tpu.memory_space<vmem>> -> memref<1x128xi32, #tpu.memory_space<vmem>>
      %dma_wait3A_256 = tpu.memref_squeeze %dma_wait3A_255 : memref<1x128xi32, #tpu.memory_space<vmem>> -> memref<128xi32, #tpu.memory_space<vmem>>
      %dma_wait3A_257 = arith.constant 0 : i32
      %dma_wait3A_258 = arith.constant 0 : i32
      %dma_wait3A_259 = tpu.memref_slice %arg2[%dma_wait3A_257, %dma_wait3A_258] : memref<20480x128xbf16, #tpu.memory_space<hbm>> -> memref<20480x128xbf16, #tpu.memory_space<hbm>>
      tpu.wait_indirect_dma semaphore(%arg17 : memref<!tpu.dma_semaphore, #tpu.memory_space<semaphore_mem>>) src(%dma_wait3A_259 : memref<20480x128xbf16, #tpu.memory_space<hbm>>) dst(%arg11 : memref<128x128xbf16, #tpu.memory_space<vmem>>)
      %dma_start3A_260 = arith.constant 0 : i32
      %dma_start3A_261 = tpu.memref_slice %arg7[%add3A_253, %dma_start3A_260] : memref<160x128xi32, #tpu.memory_space<vmem>> -> memref<1x128xi32, #tpu.memory_space<vmem>>
      %dma_start3A_262 = tpu.memref_squeeze %dma_start3A_261 : memref<1x128xi32, #tpu.memory_space<vmem>> -> memref<128xi32, #tpu.memory_space<vmem>>
      %dma_start3A_263 = arith.constant 0 : i32
      %dma_start3A_264 = arith.constant 0 : i32
      %dma_start3A_265 = tpu.memref_slice %arg13[%dma_start3A_263, %dma_start3A_264] : memref<10240x128xbf16, #tpu.memory_space<vmem_shared>> -> memref<10240x128xbf16, #tpu.memory_space<vmem_shared>>
      tpu.enqueue_indirect_dma source(%arg11 : memref<128x128xbf16, #tpu.memory_space<vmem>>) target(%dma_start3A_265 : memref<10240x128xbf16, #tpu.memory_space<vmem_shared>>) offsets(%dma_start3A_262 : memref<128xi32, #tpu.memory_space<vmem>>) semaphore(%arg21 : memref<!tpu.dma_semaphore, #tpu.memory_space<semaphore_mem>>) {add = true}
      %dma_wait3A_266 = arith.constant 0 : i32
      %dma_wait3A_267 = tpu.memref_slice %arg7[%add3A_253, %dma_wait3A_266] : memref<160x128xi32, #tpu.memory_space<vmem>> -> memref<1x128xi32, #tpu.memory_space<vmem>>
      %dma_wait3A_268 = tpu.memref_squeeze %dma_wait3A_267 : memref<1x128xi32, #tpu.memory_space<vmem>> -> memref<128xi32, #tpu.memory_space<vmem>>
      %dma_wait3A_269 = arith.constant 0 : i32
      %dma_wait3A_270 = arith.constant 0 : i32
      %dma_wait3A_271 = tpu.memref_slice %arg13[%dma_wait3A_269, %dma_wait3A_270] : memref<10240x128xbf16, #tpu.memory_space<vmem_shared>> -> memref<10240x128xbf16, #tpu.memory_space<vmem_shared>>
      tpu.wait_indirect_dma semaphore(%arg21 : memref<!tpu.dma_semaphore, #tpu.memory_space<semaphore_mem>>) src(%arg11 : memref<128x128xbf16, #tpu.memory_space<vmem>>) dst(%dma_wait3A_271 : memref<10240x128xbf16, #tpu.memory_space<vmem_shared>>)
      %add3A_272 = arith.constant 4 : i32
      %add3A_273 = arith.addi %add3A_253, %add3A_272 : i32
      %dma_start3A_274 = arith.constant 0 : i32
      %dma_start3A_275 = tpu.memref_slice %arg6[%add3A_273, %dma_start3A_274] : memref<160x128xi32, #tpu.memory_space<vmem>> -> memref<1x128xi32, #tpu.memory_space<vmem>>
      %dma_start3A_276 = tpu.memref_squeeze %dma_start3A_275 : memref<1x128xi32, #tpu.memory_space<vmem>> -> memref<128xi32, #tpu.memory_space<vmem>>
      %dma_start3A_277 = arith.constant 0 : i32
      %dma_start3A_278 = arith.constant 0 : i32
      %dma_start3A_279 = tpu.memref_slice %arg2[%dma_start3A_277, %dma_start3A_278] : memref<20480x128xbf16, #tpu.memory_space<hbm>> -> memref<20480x128xbf16, #tpu.memory_space<hbm>>
      tpu.enqueue_indirect_dma source(%dma_start3A_279 : memref<20480x128xbf16, #tpu.memory_space<hbm>>) target(%arg11 : memref<128x128xbf16, #tpu.memory_space<vmem>>) offsets(%dma_start3A_276 : memref<128xi32, #tpu.memory_space<vmem>>) semaphore(%arg17 : memref<!tpu.dma_semaphore, #tpu.memory_space<semaphore_mem>>)
      %scan3A_280 = arith.constant 0 : i32
      scf.yield %scan3A_280 : i32
    }
    %scan3A_69 = arith.constant 39 : i32
    %dma_wait3A = arith.constant 156 : i32
    %dma_wait3A_70 = arith.constant 0 : i32
    %dma_wait3A_71 = tpu.memref_slice %arg6[%dma_wait3A, %dma_wait3A_70] : memref<160x128xi32, #tpu.memory_space<vmem>> -> memref<1x128xi32, #tpu.memory_space<vmem>>
    %dma_wait3A_72 = tpu.memref_squeeze %dma_wait3A_71 : memref<1x128xi32, #tpu.memory_space<vmem>> -> memref<128xi32, #tpu.memory_space<vmem>>
    %dma_wait3A_73 = arith.constant 0 : i32
    %dma_wait3A_74 = arith.constant 0 : i32
    %dma_wait3A_75 = tpu.memref_slice %arg2[%dma_wait3A_73, %dma_wait3A_74] : memref<20480x128xbf16, #tpu.memory_space<hbm>> -> memref<20480x128xbf16, #tpu.memory_space<hbm>>
    tpu.wait_indirect_dma semaphore(%arg14 : memref<!tpu.dma_semaphore, #tpu.memory_space<semaphore_mem>>) src(%dma_wait3A_75 : memref<20480x128xbf16, #tpu.memory_space<hbm>>) dst(%arg8 : memref<128x128xbf16, #tpu.memory_space<vmem>>)
    %dma_start3A_76 = arith.constant 156 : i32
    %dma_start3A_77 = arith.constant 0 : i32
    %dma_start3A_78 = tpu.memref_slice %arg7[%dma_start3A_76, %dma_start3A_77] : memref<160x128xi32, #tpu.memory_space<vmem>> -> memref<1x128xi32, #tpu.memory_space<vmem>>
    %dma_start3A_79 = tpu.memref_squeeze %dma_start3A_78 : memref<1x128xi32, #tpu.memory_space<vmem>> -> memref<128xi32, #tpu.memory_space<vmem>>
    %dma_start3A_80 = arith.constant 0 : i32
    %dma_start3A_81 = arith.constant 0 : i32
    %dma_start3A_82 = tpu.memref_slice %arg13[%dma_start3A_80, %dma_start3A_81] : memref<10240x128xbf16, #tpu.memory_space<vmem_shared>> -> memref<10240x128xbf16, #tpu.memory_space<vmem_shared>>
    tpu.enqueue_indirect_dma source(%arg8 : memref<128x128xbf16, #tpu.memory_space<vmem>>) target(%dma_start3A_82 : memref<10240x128xbf16, #tpu.memory_space<vmem_shared>>) offsets(%dma_start3A_79 : memref<128xi32, #tpu.memory_space<vmem>>) semaphore(%arg18 : memref<!tpu.dma_semaphore, #tpu.memory_space<semaphore_mem>>) {add = true}
    %dma_wait3A_83 = arith.constant 156 : i32
    %dma_wait3A_84 = arith.constant 0 : i32
    %dma_wait3A_85 = tpu.memref_slice %arg7[%dma_wait3A_83, %dma_wait3A_84] : memref<160x128xi32, #tpu.memory_space<vmem>> -> memref<1x128xi32, #tpu.memory_space<vmem>>
    %dma_wait3A_86 = tpu.memref_squeeze %dma_wait3A_85 : memref<1x128xi32, #tpu.memory_space<vmem>> -> memref<128xi32, #tpu.memory_space<vmem>>
    %dma_wait3A_87 = arith.constant 0 : i32
    %dma_wait3A_88 = arith.constant 0 : i32
    %dma_wait3A_89 = tpu.memref_slice %arg13[%dma_wait3A_87, %dma_wait3A_88] : memref<10240x128xbf16, #tpu.memory_space<vmem_shared>> -> memref<10240x128xbf16, #tpu.memory_space<vmem_shared>>
    tpu.wait_indirect_dma semaphore(%arg18 : memref<!tpu.dma_semaphore, #tpu.memory_space<semaphore_mem>>) src(%arg8 : memref<128x128xbf16, #tpu.memory_space<vmem>>) dst(%dma_wait3A_89 : memref<10240x128xbf16, #tpu.memory_space<vmem_shared>>)
    %dma_wait3A_90 = arith.constant 157 : i32
    %dma_wait3A_91 = arith.constant 0 : i32
    %dma_wait3A_92 = tpu.memref_slice %arg6[%dma_wait3A_90, %dma_wait3A_91] : memref<160x128xi32, #tpu.memory_space<vmem>> -> memref<1x128xi32, #tpu.memory_space<vmem>>
    %dma_wait3A_93 = tpu.memref_squeeze %dma_wait3A_92 : memref<1x128xi32, #tpu.memory_space<vmem>> -> memref<128xi32, #tpu.memory_space<vmem>>
    %dma_wait3A_94 = arith.constant 0 : i32
    %dma_wait3A_95 = arith.constant 0 : i32
    %dma_wait3A_96 = tpu.memref_slice %arg2[%dma_wait3A_94, %dma_wait3A_95] : memref<20480x128xbf16, #tpu.memory_space<hbm>> -> memref<20480x128xbf16, #tpu.memory_space<hbm>>
    tpu.wait_indirect_dma semaphore(%arg15 : memref<!tpu.dma_semaphore, #tpu.memory_space<semaphore_mem>>) src(%dma_wait3A_96 : memref<20480x128xbf16, #tpu.memory_space<hbm>>) dst(%arg9 : memref<128x128xbf16, #tpu.memory_space<vmem>>)
    %dma_start3A_97 = arith.constant 157 : i32
    %dma_start3A_98 = arith.constant 0 : i32
    %dma_start3A_99 = tpu.memref_slice %arg7[%dma_start3A_97, %dma_start3A_98] : memref<160x128xi32, #tpu.memory_space<vmem>> -> memref<1x128xi32, #tpu.memory_space<vmem>>
    %dma_start3A_100 = tpu.memref_squeeze %dma_start3A_99 : memref<1x128xi32, #tpu.memory_space<vmem>> -> memref<128xi32, #tpu.memory_space<vmem>>
    %dma_start3A_101 = arith.constant 0 : i32
    %dma_start3A_102 = arith.constant 0 : i32
    %dma_start3A_103 = tpu.memref_slice %arg13[%dma_start3A_101, %dma_start3A_102] : memref<10240x128xbf16, #tpu.memory_space<vmem_shared>> -> memref<10240x128xbf16, #tpu.memory_space<vmem_shared>>
    tpu.enqueue_indirect_dma source(%arg9 : memref<128x128xbf16, #tpu.memory_space<vmem>>) target(%dma_start3A_103 : memref<10240x128xbf16, #tpu.memory_space<vmem_shared>>) offsets(%dma_start3A_100 : memref<128xi32, #tpu.memory_space<vmem>>) semaphore(%arg19 : memref<!tpu.dma_semaphore, #tpu.memory_space<semaphore_mem>>) {add = true}
    %dma_wait3A_104 = arith.constant 157 : i32
    %dma_wait3A_105 = arith.constant 0 : i32
    %dma_wait3A_106 = tpu.memref_slice %arg7[%dma_wait3A_104, %dma_wait3A_105] : memref<160x128xi32, #tpu.memory_space<vmem>> -> memref<1x128xi32, #tpu.memory_space<vmem>>
    %dma_wait3A_107 = tpu.memref_squeeze %dma_wait3A_106 : memref<1x128xi32, #tpu.memory_space<vmem>> -> memref<128xi32, #tpu.memory_space<vmem>>
    %dma_wait3A_108 = arith.constant 0 : i32
    %dma_wait3A_109 = arith.constant 0 : i32
    %dma_wait3A_110 = tpu.memref_slice %arg13[%dma_wait3A_108, %dma_wait3A_109] : memref<10240x128xbf16, #tpu.memory_space<vmem_shared>> -> memref<10240x128xbf16, #tpu.memory_space<vmem_shared>>
    tpu.wait_indirect_dma semaphore(%arg19 : memref<!tpu.dma_semaphore, #tpu.memory_space<semaphore_mem>>) src(%arg9 : memref<128x128xbf16, #tpu.memory_space<vmem>>) dst(%dma_wait3A_110 : memref<10240x128xbf16, #tpu.memory_space<vmem_shared>>)
    %dma_wait3A_111 = arith.constant 158 : i32
    %dma_wait3A_112 = arith.constant 0 : i32
    %dma_wait3A_113 = tpu.memref_slice %arg6[%dma_wait3A_111, %dma_wait3A_112] : memref<160x128xi32, #tpu.memory_space<vmem>> -> memref<1x128xi32, #tpu.memory_space<vmem>>
    %dma_wait3A_114 = tpu.memref_squeeze %dma_wait3A_113 : memref<1x128xi32, #tpu.memory_space<vmem>> -> memref<128xi32, #tpu.memory_space<vmem>>
    %dma_wait3A_115 = arith.constant 0 : i32
    %dma_wait3A_116 = arith.constant 0 : i32
    %dma_wait3A_117 = tpu.memref_slice %arg2[%dma_wait3A_115, %dma_wait3A_116] : memref<20480x128xbf16, #tpu.memory_space<hbm>> -> memref<20480x128xbf16, #tpu.memory_space<hbm>>
    tpu.wait_indirect_dma semaphore(%arg16 : memref<!tpu.dma_semaphore, #tpu.memory_space<semaphore_mem>>) src(%dma_wait3A_117 : memref<20480x128xbf16, #tpu.memory_space<hbm>>) dst(%arg10 : memref<128x128xbf16, #tpu.memory_space<vmem>>)
    %dma_start3A_118 = arith.constant 158 : i32
    %dma_start3A_119 = arith.constant 0 : i32
    %dma_start3A_120 = tpu.memref_slice %arg7[%dma_start3A_118, %dma_start3A_119] : memref<160x128xi32, #tpu.memory_space<vmem>> -> memref<1x128xi32, #tpu.memory_space<vmem>>
    %dma_start3A_121 = tpu.memref_squeeze %dma_start3A_120 : memref<1x128xi32, #tpu.memory_space<vmem>> -> memref<128xi32, #tpu.memory_space<vmem>>
    %dma_start3A_122 = arith.constant 0 : i32
    %dma_start3A_123 = arith.constant 0 : i32
    %dma_start3A_124 = tpu.memref_slice %arg13[%dma_start3A_122, %dma_start3A_123] : memref<10240x128xbf16, #tpu.memory_space<vmem_shared>> -> memref<10240x128xbf16, #tpu.memory_space<vmem_shared>>
    tpu.enqueue_indirect_dma source(%arg10 : memref<128x128xbf16, #tpu.memory_space<vmem>>) target(%dma_start3A_124 : memref<10240x128xbf16, #tpu.memory_space<vmem_shared>>) offsets(%dma_start3A_121 : memref<128xi32, #tpu.memory_space<vmem>>) semaphore(%arg20 : memref<!tpu.dma_semaphore, #tpu.memory_space<semaphore_mem>>) {add = true}
    %dma_wait3A_125 = arith.constant 158 : i32
    %dma_wait3A_126 = arith.constant 0 : i32
    %dma_wait3A_127 = tpu.memref_slice %arg7[%dma_wait3A_125, %dma_wait3A_126] : memref<160x128xi32, #tpu.memory_space<vmem>> -> memref<1x128xi32, #tpu.memory_space<vmem>>
    %dma_wait3A_128 = tpu.memref_squeeze %dma_wait3A_127 : memref<1x128xi32, #tpu.memory_space<vmem>> -> memref<128xi32, #tpu.memory_space<vmem>>
    %dma_wait3A_129 = arith.constant 0 : i32
    %dma_wait3A_130 = arith.constant 0 : i32
    %dma_wait3A_131 = tpu.memref_slice %arg13[%dma_wait3A_129, %dma_wait3A_130] : memref<10240x128xbf16, #tpu.memory_space<vmem_shared>> -> memref<10240x128xbf16, #tpu.memory_space<vmem_shared>>
    tpu.wait_indirect_dma semaphore(%arg20 : memref<!tpu.dma_semaphore, #tpu.memory_space<semaphore_mem>>) src(%arg10 : memref<128x128xbf16, #tpu.memory_space<vmem>>) dst(%dma_wait3A_131 : memref<10240x128xbf16, #tpu.memory_space<vmem_shared>>)
    %dma_wait3A_132 = arith.constant 159 : i32
    %dma_wait3A_133 = arith.constant 0 : i32
    %dma_wait3A_134 = tpu.memref_slice %arg6[%dma_wait3A_132, %dma_wait3A_133] : memref<160x128xi32, #tpu.memory_space<vmem>> -> memref<1x128xi32, #tpu.memory_space<vmem>>
    %dma_wait3A_135 = tpu.memref_squeeze %dma_wait3A_134 : memref<1x128xi32, #tpu.memory_space<vmem>> -> memref<128xi32, #tpu.memory_space<vmem>>
    %dma_wait3A_136 = arith.constant 0 : i32
    %dma_wait3A_137 = arith.constant 0 : i32
    %dma_wait3A_138 = tpu.memref_slice %arg2[%dma_wait3A_136, %dma_wait3A_137] : memref<20480x128xbf16, #tpu.memory_space<hbm>> -> memref<20480x128xbf16, #tpu.memory_space<hbm>>
    tpu.wait_indirect_dma semaphore(%arg17 : memref<!tpu.dma_semaphore, #tpu.memory_space<semaphore_mem>>) src(%dma_wait3A_138 : memref<20480x128xbf16, #tpu.memory_space<hbm>>) dst(%arg11 : memref<128x128xbf16, #tpu.memory_space<vmem>>)
    %dma_start3A_139 = arith.constant 159 : i32
    %dma_start3A_140 = arith.constant 0 : i32
    %dma_start3A_141 = tpu.memref_slice %arg7[%dma_start3A_139, %dma_start3A_140] : memref<160x128xi32, #tpu.memory_space<vmem>> -> memref<1x128xi32, #tpu.memory_space<vmem>>
    %dma_start3A_142 = tpu.memref_squeeze %dma_start3A_141 : memref<1x128xi32, #tpu.memory_space<vmem>> -> memref<128xi32, #tpu.memory_space<vmem>>
    %dma_start3A_143 = arith.constant 0 : i32
    %dma_start3A_144 = arith.constant 0 : i32
    %dma_start3A_145 = tpu.memref_slice %arg13[%dma_start3A_143, %dma_start3A_144] : memref<10240x128xbf16, #tpu.memory_space<vmem_shared>> -> memref<10240x128xbf16, #tpu.memory_space<vmem_shared>>
    tpu.enqueue_indirect_dma source(%arg11 : memref<128x128xbf16, #tpu.memory_space<vmem>>) target(%dma_start3A_145 : memref<10240x128xbf16, #tpu.memory_space<vmem_shared>>) offsets(%dma_start3A_142 : memref<128xi32, #tpu.memory_space<vmem>>) semaphore(%arg21 : memref<!tpu.dma_semaphore, #tpu.memory_space<semaphore_mem>>) {add = true}
    %dma_wait3A_146 = arith.constant 159 : i32
    %dma_wait3A_147 = arith.constant 0 : i32
    %dma_wait3A_148 = tpu.memref_slice %arg7[%dma_wait3A_146, %dma_wait3A_147] : memref<160x128xi32, #tpu.memory_space<vmem>> -> memref<1x128xi32, #tpu.memory_space<vmem>>
    %dma_wait3A_149 = tpu.memref_squeeze %dma_wait3A_148 : memref<1x128xi32, #tpu.memory_space<vmem>> -> memref<128xi32, #tpu.memory_space<vmem>>
    %dma_wait3A_150 = arith.constant 0 : i32
    %dma_wait3A_151 = arith.constant 0 : i32
    %dma_wait3A_152 = tpu.memref_slice %arg13[%dma_wait3A_150, %dma_wait3A_151] : memref<10240x128xbf16, #tpu.memory_space<vmem_shared>> -> memref<10240x128xbf16, #tpu.memory_space<vmem_shared>>
    tpu.wait_indirect_dma semaphore(%arg21 : memref<!tpu.dma_semaphore, #tpu.memory_space<semaphore_mem>>) src(%arg11 : memref<128x128xbf16, #tpu.memory_space<vmem>>) dst(%dma_wait3A_152 : memref<10240x128xbf16, #tpu.memory_space<vmem_shared>>)
    %barrier3A_153 = arith.constant 0 : index
    tpu.barrier barrier_id(%barrier3A_153)
    %mul3A_154 = arith.constant 640 : i32
    %mul3A_155 = arith.muli %arg1, %mul3A_154 : i32
    %mul3A_156 = arith.constant 640 : i32
    %mul3A_157 = arith.muli %arg1, %mul3A_156 : i32
    "tpu.region"() ({
      %run_scoped3A = tpu.sem_alloc : memref<!tpu.dma_semaphore, #tpu.memory_space<semaphore_mem>>
      %dma_start3A_158 = arith.constant 0 : i32
      %dma_start3A_159 = tpu.memref_slice %arg5[%arg0, %mul3A_157, %dma_start3A_158] : memref<2x10240x128xbf16, #tpu.memory_space<hbm>> -> memref<1x640x128xbf16, #tpu.memory_space<hbm>>
      %dma_start3A_160 = tpu.memref_squeeze %dma_start3A_159 : memref<1x640x128xbf16, #tpu.memory_space<hbm>> -> memref<640x128xbf16, #tpu.memory_space<hbm>>
      %dma_start3A_161 = arith.constant 0 : i32
      %dma_start3A_162 = tpu.memref_slice %arg13[%mul3A_155, %dma_start3A_161] : memref<10240x128xbf16, #tpu.memory_space<vmem_shared>> -> memref<640x128xbf16, #tpu.memory_space<vmem_shared>>
      tpu.enqueue_dma source(%dma_start3A_162 : memref<640x128xbf16, #tpu.memory_space<vmem_shared>>) target(%dma_start3A_160 : memref<640x128xbf16, #tpu.memory_space<hbm>>) target_semaphore(%run_scoped3A : memref<!tpu.dma_semaphore, #tpu.memory_space<semaphore_mem>>)
      %dma_wait3A_163 = arith.constant 0 : i32
      %dma_wait3A_164 = tpu.memref_slice %arg5[%arg0, %mul3A_157, %dma_wait3A_163] : memref<2x10240x128xbf16, #tpu.memory_space<hbm>> -> memref<1x640x128xbf16, #tpu.memory_space<hbm>>
      %dma_wait3A_165 = tpu.memref_squeeze %dma_wait3A_164 : memref<1x640x128xbf16, #tpu.memory_space<hbm>> -> memref<640x128xbf16, #tpu.memory_space<hbm>>
      %dma_wait3A_166 = arith.constant 0 : i32
      %dma_wait3A_167 = tpu.memref_slice %arg13[%mul3A_155, %dma_wait3A_166] : memref<10240x128xbf16, #tpu.memory_space<vmem_shared>> -> memref<640x128xbf16, #tpu.memory_space<vmem_shared>>
      tpu.wait_dma2 semaphore(%run_scoped3A : memref<!tpu.dma_semaphore, #tpu.memory_space<semaphore_mem>>) src(%dma_wait3A_167 : memref<640x128xbf16, #tpu.memory_space<vmem_shared>>) dst(%dma_wait3A_165 : memref<640x128xbf16, #tpu.memory_space<hbm>>)
      tpu.yield
    }) : () -> ()
    return
  }
}

#map = affine_map<(d0, d1) -> (0, 0)>
#map1 = affine_map<(d0, d1) -> (0, 0, 0)>
module attributes {stable_mosaic.version = 14 : i64} {
  func.func @_scatter_kernel(%arg0: i32, %arg1: i32, %arg2: memref<20480x128xbf16, #tpu.memory_space<hbm>>, %arg3: memref<16x160x128xi32, #tpu.memory_space<hbm>>, %arg4: memref<16x160x128xi32, #tpu.memory_space<hbm>>, %arg5: memref<2x10240x128xbf16, #tpu.memory_space<hbm>>, %arg6: memref<160x128xi32, #tpu.memory_space<vmem>>, %arg7: memref<160x128xi32, #tpu.memory_space<vmem>>, %arg8: memref<128x128xbf16, #tpu.memory_space<vmem>>, %arg9: memref<128x128xbf16, #tpu.memory_space<vmem>>, %arg10: memref<128x128xbf16, #tpu.memory_space<vmem>>, %arg11: memref<128x128xbf16, #tpu.memory_space<vmem>>, %arg12: memref<128x128xbf16, #tpu.memory_space<vmem>>, %arg13: memref<10240x128xbf16, #tpu.memory_space<vmem_shared>>, %arg14: memref<!tpu.dma_semaphore, #tpu.memory_space<semaphore_mem>>, %arg15: memref<!tpu.dma_semaphore, #tpu.memory_space<semaphore_mem>>, %arg16: memref<!tpu.dma_semaphore, #tpu.memory_space<semaphore_mem>>, %arg17: memref<!tpu.dma_semaphore, #tpu.memory_space<semaphore_mem>>, %arg18: memref<!tpu.dma_semaphore, #tpu.memory_space<semaphore_mem>>, %arg19: memref<!tpu.dma_semaphore, #tpu.memory_space<semaphore_mem>>, %arg20: memref<!tpu.dma_semaphore, #tpu.memory_space<semaphore_mem>>, %arg21: memref<!tpu.dma_semaphore, #tpu.memory_space<semaphore_mem>>) attributes {dimension_semantics = [#tpu.dimension_semantics<core_parallel>, #tpu.dimension_semantics<subcore_parallel>], iteration_bounds = array<i64: 2, 16>, scalar_prefetch = 0 : i64, scratch_operands = 16 : i64, tpu.core_type = #tpu.core_type<sc_vector_subcore>, window_params = [{transform_indices = #map}, {transform_indices = #map1}, {transform_indices = #map1}, {transform_indices = #map1}]} {
    "tpu.region"() ({
      %run_scoped3A = tpu.sem_alloc : memref<!tpu.dma_semaphore, #tpu.memory_space<semaphore_mem>>
      %dma_start3A_158 = arith.constant 0 : i32
      %dma_start3A_159 = arith.constant 0 : i32
      %dma_start3A_160 = tpu.memref_slice %arg3[%arg1, %dma_start3A_158, %dma_start3A_159] : memref<16x160x128xi32, #tpu.memory_space<hbm>> -> memref<1x160x128xi32, #tpu.memory_space<hbm>>
      %dma_start3A_161 = tpu.memref_squeeze %dma_start3A_160 : memref<1x160x128xi32, #tpu.memory_space<hbm>> -> memref<160x128xi32, #tpu.memory_space<hbm>>
      %dma_start3A_162 = arith.constant 0 : i32
      %dma_start3A_163 = arith.constant 0 : i32
      %dma_start3A_164 = tpu.memref_slice %arg3[%arg1, %dma_start3A_162, %dma_start3A_163] : memref<16x160x128xi32, #tpu.memory_space<hbm>> -> memref<1x160x128xi32, #tpu.memory_space<hbm>>
      %dma_start3A_165 = tpu.memref_squeeze %dma_start3A_164 : memref<1x160x128xi32, #tpu.memory_space<hbm>> -> memref<160x128xi32, #tpu.memory_space<hbm>>
      tpu.enqueue_dma source(%dma_start3A_165 : memref<160x128xi32, #tpu.memory_space<hbm>>) target(%arg6 : memref<160x128xi32, #tpu.memory_space<vmem>>) target_semaphore(%run_scoped3A : memref<!tpu.dma_semaphore, #tpu.memory_space<semaphore_mem>>)
      %dma_wait3A_166 = arith.constant 0 : i32
      %dma_wait3A_167 = arith.constant 0 : i32
      %dma_wait3A_168 = tpu.memref_slice %arg3[%arg1, %dma_wait3A_166, %dma_wait3A_167] : memref<16x160x128xi32, #tpu.memory_space<hbm>> -> memref<1x160x128xi32, #tpu.memory_space<hbm>>
      %dma_wait3A_169 = tpu.memref_squeeze %dma_wait3A_168 : memref<1x160x128xi32, #tpu.memory_space<hbm>> -> memref<160x128xi32, #tpu.memory_space<hbm>>
      %dma_wait3A_170 = arith.constant 0 : i32
      %dma_wait3A_171 = arith.constant 0 : i32
      %dma_wait3A_172 = tpu.memref_slice %arg3[%arg1, %dma_wait3A_170, %dma_wait3A_171] : memref<16x160x128xi32, #tpu.memory_space<hbm>> -> memref<1x160x128xi32, #tpu.memory_space<hbm>>
      %dma_wait3A_173 = tpu.memref_squeeze %dma_wait3A_172 : memref<1x160x128xi32, #tpu.memory_space<hbm>> -> memref<160x128xi32, #tpu.memory_space<hbm>>
      tpu.wait_dma2 semaphore(%run_scoped3A : memref<!tpu.dma_semaphore, #tpu.memory_space<semaphore_mem>>) src(%dma_wait3A_173 : memref<160x128xi32, #tpu.memory_space<hbm>>) dst(%arg6 : memref<160x128xi32, #tpu.memory_space<vmem>>)
      tpu.yield
    }) : () -> ()
    "tpu.region"() ({
      %run_scoped3A = tpu.sem_alloc : memref<!tpu.dma_semaphore, #tpu.memory_space<semaphore_mem>>
      %dma_start3A_158 = arith.constant 0 : i32
      %dma_start3A_159 = arith.constant 0 : i32
      %dma_start3A_160 = tpu.memref_slice %arg4[%arg1, %dma_start3A_158, %dma_start3A_159] : memref<16x160x128xi32, #tpu.memory_space<hbm>> -> memref<1x160x128xi32, #tpu.memory_space<hbm>>
      %dma_start3A_161 = tpu.memref_squeeze %dma_start3A_160 : memref<1x160x128xi32, #tpu.memory_space<hbm>> -> memref<160x128xi32, #tpu.memory_space<hbm>>
      %dma_start3A_162 = arith.constant 0 : i32
      %dma_start3A_163 = arith.constant 0 : i32
      %dma_start3A_164 = tpu.memref_slice %arg4[%arg1, %dma_start3A_162, %dma_start3A_163] : memref<16x160x128xi32, #tpu.memory_space<hbm>> -> memref<1x160x128xi32, #tpu.memory_space<hbm>>
      %dma_start3A_165 = tpu.memref_squeeze %dma_start3A_164 : memref<1x160x128xi32, #tpu.memory_space<hbm>> -> memref<160x128xi32, #tpu.memory_space<hbm>>
      tpu.enqueue_dma source(%dma_start3A_165 : memref<160x128xi32, #tpu.memory_space<hbm>>) target(%arg7 : memref<160x128xi32, #tpu.memory_space<vmem>>) target_semaphore(%run_scoped3A : memref<!tpu.dma_semaphore, #tpu.memory_space<semaphore_mem>>)
      %dma_wait3A_166 = arith.constant 0 : i32
      %dma_wait3A_167 = arith.constant 0 : i32
      %dma_wait3A_168 = tpu.memref_slice %arg4[%arg1, %dma_wait3A_166, %dma_wait3A_167] : memref<16x160x128xi32, #tpu.memory_space<hbm>> -> memref<1x160x128xi32, #tpu.memory_space<hbm>>
      %dma_wait3A_169 = tpu.memref_squeeze %dma_wait3A_168 : memref<1x160x128xi32, #tpu.memory_space<hbm>> -> memref<160x128xi32, #tpu.memory_space<hbm>>
      %dma_wait3A_170 = arith.constant 0 : i32
      %dma_wait3A_171 = arith.constant 0 : i32
      %dma_wait3A_172 = tpu.memref_slice %arg4[%arg1, %dma_wait3A_170, %dma_wait3A_171] : memref<16x160x128xi32, #tpu.memory_space<hbm>> -> memref<1x160x128xi32, #tpu.memory_space<hbm>>
      %dma_wait3A_173 = tpu.memref_squeeze %dma_wait3A_172 : memref<1x160x128xi32, #tpu.memory_space<hbm>> -> memref<160x128xi32, #tpu.memory_space<hbm>>
      tpu.wait_dma2 semaphore(%run_scoped3A : memref<!tpu.dma_semaphore, #tpu.memory_space<semaphore_mem>>) src(%dma_wait3A_173 : memref<160x128xi32, #tpu.memory_space<hbm>>) dst(%arg7 : memref<160x128xi32, #tpu.memory_space<vmem>>)
      tpu.yield
    }) : () -> ()
    %broadcast_in_dim3A = arith.constant 10240 : i32
    %broadcast_in_dim3A_0 = vector.broadcast %broadcast_in_dim3A : i32 to vector<16xi32>
    %mul3A = vector.broadcast %arg0 : i32 to vector<16xi32>
    %mul3A_1 = arith.muli %broadcast_in_dim3A_0, %mul3A : vector<16xi32>
    %scan3A = arith.constant 0 : i32
    %scan3A_2 = arith.constant 0 : i32
    %scan3A_3 = arith.constant 160 : i32
    %scan3A_4 = arith.addi %scan3A_2, %scan3A_3 : i32
    %scan3A_5 = arith.constant 1 : i32
    %scan3A_6 = scf.for %scan3A_158 = %scan3A_2 to %scan3A_4 step %scan3A_5 iter_args(%scan3A_159 = %scan3A) -> (i32)  : i32 {
      %get3A = arith.index_cast %scan3A_158 : i32 to index
      %get3A_160 = arith.constant 0 : index
      %get3A_161 = tpu.vector_load %arg6[%get3A, %get3A_160] {strides = array<i32>} : memref<160x128xi32, #tpu.memory_space<vmem>>, vector<1x16xi32>,
      %get3A_162 = vector.shape_cast %get3A_161 : vector<1x16xi32> to vector<16xi32>
      %add3A_163 = arith.addi %get3A_162, %mul3A_1 : vector<16xi32>
      %swap3A = arith.index_cast %scan3A_158 : i32 to index
      %swap3A_164 = arith.constant 0 : index
      %swap3A_165 = tpu.vector_load %arg6[%swap3A, %swap3A_164] {strides = array<i32>} : memref<160x128xi32, #tpu.memory_space<vmem>>, vector<1x16xi32>,
      %swap3A_166 = vector.shape_cast %swap3A_165 : vector<1x16xi32> to vector<16xi32>
      %swap3A_167 = vector.shape_cast %add3A_163 : vector<16xi32> to vector<1x16xi32>
      tpu.vector_store %arg6[%swap3A, %swap3A_164], %swap3A_167 {strides = array<i32>} : memref<160x128xi32, #tpu.memory_space<vmem>>, vector<1x16xi32>,
      %get3A_168 = arith.index_cast %scan3A_158 : i32 to index
      %get3A_169 = arith.constant 16 : index
      %get3A_170 = tpu.vector_load %arg6[%get3A_168, %get3A_169] {strides = array<i32>} : memref<160x128xi32, #tpu.memory_space<vmem>>, vector<1x16xi32>,
      %get3A_171 = vector.shape_cast %get3A_170 : vector<1x16xi32> to vector<16xi32>
      %add3A_172 = arith.addi %get3A_171, %mul3A_1 : vector<16xi32>
      %swap3A_173 = arith.index_cast %scan3A_158 : i32 to index
      %swap3A_174 = arith.constant 16 : index
      %swap3A_175 = tpu.vector_load %arg6[%swap3A_173, %swap3A_174] {strides = array<i32>} : memref<160x128xi32, #tpu.memory_space<vmem>>, vector<1x16xi32>,
      %swap3A_176 = vector.shape_cast %swap3A_175 : vector<1x16xi32> to vector<16xi32>
      %swap3A_177 = vector.shape_cast %add3A_172 : vector<16xi32> to vector<1x16xi32>
      tpu.vector_store %arg6[%swap3A_173, %swap3A_174], %swap3A_177 {strides = array<i32>} : memref<160x128xi32, #tpu.memory_space<vmem>>, vector<1x16xi32>,
      %get3A_178 = arith.index_cast %scan3A_158 : i32 to index
      %get3A_179 = arith.constant 32 : index
      %get3A_180 = tpu.vector_load %arg6[%get3A_178, %get3A_179] {strides = array<i32>} : memref<160x128xi32, #tpu.memory_space<vmem>>, vector<1x16xi32>,
      %get3A_181 = vector.shape_cast %get3A_180 : vector<1x16xi32> to vector<16xi32>
      %add3A_182 = arith.addi %get3A_181, %mul3A_1 : vector<16xi32>
      %swap3A_183 = arith.index_cast %scan3A_158 : i32 to index
      %swap3A_184 = arith.constant 32 : index
      %swap3A_185 = tpu.vector_load %arg6[%swap3A_183, %swap3A_184] {strides = array<i32>} : memref<160x128xi32, #tpu.memory_space<vmem>>, vector<1x16xi32>,
      %swap3A_186 = vector.shape_cast %swap3A_185 : vector<1x16xi32> to vector<16xi32>
      %swap3A_187 = vector.shape_cast %add3A_182 : vector<16xi32> to vector<1x16xi32>
      tpu.vector_store %arg6[%swap3A_183, %swap3A_184], %swap3A_187 {strides = array<i32>} : memref<160x128xi32, #tpu.memory_space<vmem>>, vector<1x16xi32>,
      %get3A_188 = arith.index_cast %scan3A_158 : i32 to index
      %get3A_189 = arith.constant 48 : index
      %get3A_190 = tpu.vector_load %arg6[%get3A_188, %get3A_189] {strides = array<i32>} : memref<160x128xi32, #tpu.memory_space<vmem>>, vector<1x16xi32>,
      %get3A_191 = vector.shape_cast %get3A_190 : vector<1x16xi32> to vector<16xi32>
      %add3A_192 = arith.addi %get3A_191, %mul3A_1 : vector<16xi32>
      %swap3A_193 = arith.index_cast %scan3A_158 : i32 to index
      %swap3A_194 = arith.constant 48 : index
      %swap3A_195 = tpu.vector_load %arg6[%swap3A_193, %swap3A_194] {strides = array<i32>} : memref<160x128xi32, #tpu.memory_space<vmem>>, vector<1x16xi32>,
      %swap3A_196 = vector.shape_cast %swap3A_195 : vector<1x16xi32> to vector<16xi32>
      %swap3A_197 = vector.shape_cast %add3A_192 : vector<16xi32> to vector<1x16xi32>
      tpu.vector_store %arg6[%swap3A_193, %swap3A_194], %swap3A_197 {strides = array<i32>} : memref<160x128xi32, #tpu.memory_space<vmem>>, vector<1x16xi32>,
      %get3A_198 = arith.index_cast %scan3A_158 : i32 to index
      %get3A_199 = arith.constant 64 : index
      %get3A_200 = tpu.vector_load %arg6[%get3A_198, %get3A_199] {strides = array<i32>} : memref<160x128xi32, #tpu.memory_space<vmem>>, vector<1x16xi32>,
      %get3A_201 = vector.shape_cast %get3A_200 : vector<1x16xi32> to vector<16xi32>
      %add3A_202 = arith.addi %get3A_201, %mul3A_1 : vector<16xi32>
      %swap3A_203 = arith.index_cast %scan3A_158 : i32 to index
      %swap3A_204 = arith.constant 64 : index
      %swap3A_205 = tpu.vector_load %arg6[%swap3A_203, %swap3A_204] {strides = array<i32>} : memref<160x128xi32, #tpu.memory_space<vmem>>, vector<1x16xi32>,
      %swap3A_206 = vector.shape_cast %swap3A_205 : vector<1x16xi32> to vector<16xi32>
      %swap3A_207 = vector.shape_cast %add3A_202 : vector<16xi32> to vector<1x16xi32>
      tpu.vector_store %arg6[%swap3A_203, %swap3A_204], %swap3A_207 {strides = array<i32>} : memref<160x128xi32, #tpu.memory_space<vmem>>, vector<1x16xi32>,
      %get3A_208 = arith.index_cast %scan3A_158 : i32 to index
      %get3A_209 = arith.constant 80 : index
      %get3A_210 = tpu.vector_load %arg6[%get3A_208, %get3A_209] {strides = array<i32>} : memref<160x128xi32, #tpu.memory_space<vmem>>, vector<1x16xi32>,
      %get3A_211 = vector.shape_cast %get3A_210 : vector<1x16xi32> to vector<16xi32>
      %add3A_212 = arith.addi %get3A_211, %mul3A_1 : vector<16xi32>
      %swap3A_213 = arith.index_cast %scan3A_158 : i32 to index
      %swap3A_214 = arith.constant 80 : index
      %swap3A_215 = tpu.vector_load %arg6[%swap3A_213, %swap3A_214] {strides = array<i32>} : memref<160x128xi32, #tpu.memory_space<vmem>>, vector<1x16xi32>,
      %swap3A_216 = vector.shape_cast %swap3A_215 : vector<1x16xi32> to vector<16xi32>
      %swap3A_217 = vector.shape_cast %add3A_212 : vector<16xi32> to vector<1x16xi32>
      tpu.vector_store %arg6[%swap3A_213, %swap3A_214], %swap3A_217 {strides = array<i32>} : memref<160x128xi32, #tpu.memory_space<vmem>>, vector<1x16xi32>,
      %get3A_218 = arith.index_cast %scan3A_158 : i32 to index
      %get3A_219 = arith.constant 96 : index
      %get3A_220 = tpu.vector_load %arg6[%get3A_218, %get3A_219] {strides = array<i32>} : memref<160x128xi32, #tpu.memory_space<vmem>>, vector<1x16xi32>,
      %get3A_221 = vector.shape_cast %get3A_220 : vector<1x16xi32> to vector<16xi32>
      %add3A_222 = arith.addi %get3A_221, %mul3A_1 : vector<16xi32>
      %swap3A_223 = arith.index_cast %scan3A_158 : i32 to index
      %swap3A_224 = arith.constant 96 : index
      %swap3A_225 = tpu.vector_load %arg6[%swap3A_223, %swap3A_224] {strides = array<i32>} : memref<160x128xi32, #tpu.memory_space<vmem>>, vector<1x16xi32>,
      %swap3A_226 = vector.shape_cast %swap3A_225 : vector<1x16xi32> to vector<16xi32>
      %swap3A_227 = vector.shape_cast %add3A_222 : vector<16xi32> to vector<1x16xi32>
      tpu.vector_store %arg6[%swap3A_223, %swap3A_224], %swap3A_227 {strides = array<i32>} : memref<160x128xi32, #tpu.memory_space<vmem>>, vector<1x16xi32>,
      %get3A_228 = arith.index_cast %scan3A_158 : i32 to index
      %get3A_229 = arith.constant 112 : index
      %get3A_230 = tpu.vector_load %arg6[%get3A_228, %get3A_229] {strides = array<i32>} : memref<160x128xi32, #tpu.memory_space<vmem>>, vector<1x16xi32>,
      %get3A_231 = vector.shape_cast %get3A_230 : vector<1x16xi32> to vector<16xi32>
      %add3A_232 = arith.addi %get3A_231, %mul3A_1 : vector<16xi32>
      %swap3A_233 = arith.index_cast %scan3A_158 : i32 to index
      %swap3A_234 = arith.constant 112 : index
      %swap3A_235 = tpu.vector_load %arg6[%swap3A_233, %swap3A_234] {strides = array<i32>} : memref<160x128xi32, #tpu.memory_space<vmem>>, vector<1x16xi32>,
      %swap3A_236 = vector.shape_cast %swap3A_235 : vector<1x16xi32> to vector<16xi32>
      %swap3A_237 = vector.shape_cast %add3A_232 : vector<16xi32> to vector<1x16xi32>
      tpu.vector_store %arg6[%swap3A_233, %swap3A_234], %swap3A_237 {strides = array<i32>} : memref<160x128xi32, #tpu.memory_space<vmem>>, vector<1x16xi32>,
      %scan3A_238 = arith.constant 0 : i32
      scf.yield %scan3A_238 : i32
    }
    %scan3A_7 = arith.constant 160 : i32
    %broadcast_in_dim3A_8 = arith.constant 0.000000e+00 : bf16
    %broadcast_in_dim3A_9 = vector.broadcast %broadcast_in_dim3A_8 : bf16 to vector<32xbf16>
    %scan3A_10 = arith.constant 0 : i32
    %scan3A_11 = arith.constant 0 : i32
    %scan3A_12 = arith.constant 128 : i32
    %scan3A_13 = arith.addi %scan3A_11, %scan3A_12 : i32
    %scan3A_14 = arith.constant 1 : i32
    %scan3A_15 = scf.for %scan3A_158 = %scan3A_11 to %scan3A_13 step %scan3A_14 iter_args(%scan3A_159 = %scan3A_10) -> (i32)  : i32 {
      %swap3A = arith.index_cast %scan3A_158 : i32 to index
      %swap3A_160 = arith.constant 0 : index
      %swap3A_161 = tpu.vector_load %arg12[%swap3A, %swap3A_160] {strides = array<i32>} : memref<128x128xbf16, #tpu.memory_space<vmem>>, vector<1x32xbf16>,
      %swap3A_162 = vector.shape_cast %swap3A_161 : vector<1x32xbf16> to vector<32xbf16>
      %swap3A_163 = vector.shape_cast %broadcast_in_dim3A_9 : vector<32xbf16> to vector<1x32xbf16>
      tpu.vector_store %arg12[%swap3A, %swap3A_160], %swap3A_163 {strides = array<i32>} : memref<128x128xbf16, #tpu.memory_space<vmem>>, vector<1x32xbf16>,
      %swap3A_164 = arith.index_cast %scan3A_158 : i32 to index
      %swap3A_165 = arith.constant 32 : index
      %swap3A_166 = tpu.vector_load %arg12[%swap3A_164, %swap3A_165] {strides = array<i32>} : memref<128x128xbf16, #tpu.memory_space<vmem>>, vector<1x32xbf16>,
      %swap3A_167 = vector.shape_cast %swap3A_166 : vector<1x32xbf16> to vector<32xbf16>
      %swap3A_168 = vector.shape_cast %broadcast_in_dim3A_9 : vector<32xbf16> to vector<1x32xbf16>
      tpu.vector_store %arg12[%swap3A_164, %swap3A_165], %swap3A_168 {strides = array<i32>} : memref<128x128xbf16, #tpu.memory_space<vmem>>, vector<1x32xbf16>,
      %swap3A_169 = arith.index_cast %scan3A_158 : i32 to index
      %swap3A_170 = arith.constant 64 : index
      %swap3A_171 = tpu.vector_load %arg12[%swap3A_169, %swap3A_170] {strides = array<i32>} : memref<128x128xbf16, #tpu.memory_space<vmem>>, vector<1x32xbf16>,
      %swap3A_172 = vector.shape_cast %swap3A_171 : vector<1x32xbf16> to vector<32xbf16>
      %swap3A_173 = vector.shape_cast %broadcast_in_dim3A_9 : vector<32xbf16> to vector<1x32xbf16>
      tpu.vector_store %arg12[%swap3A_169, %swap3A_170], %swap3A_173 {strides = array<i32>} : memref<128x128xbf16, #tpu.memory_space<vmem>>, vector<1x32xbf16>,
      %swap3A_174 = arith.index_cast %scan3A_158 : i32 to index
      %swap3A_175 = arith.constant 96 : index
      %swap3A_176 = tpu.vector_load %arg12[%swap3A_174, %swap3A_175] {strides = array<i32>} : memref<128x128xbf16, #tpu.memory_space<vmem>>, vector<1x32xbf16>,
      %swap3A_177 = vector.shape_cast %swap3A_176 : vector<1x32xbf16> to vector<32xbf16>
      %swap3A_178 = vector.shape_cast %broadcast_in_dim3A_9 : vector<32xbf16> to vector<1x32xbf16>
      tpu.vector_store %arg12[%swap3A_174, %swap3A_175], %swap3A_178 {strides = array<i32>} : memref<128x128xbf16, #tpu.memory_space<vmem>>, vector<1x32xbf16>,
      %scan3A_179 = arith.constant 0 : i32
      scf.yield %scan3A_179 : i32
    }
    %scan3A_16 = arith.constant 128 : i32
    %mul3A_17 = arith.constant 640 : i32
    %mul3A_18 = arith.muli %arg1, %mul3A_17 : i32
    %add3A = arith.constant 0 : i32
    %add3A_19 = arith.addi %mul3A_18, %add3A : i32
    "tpu.region"() ({
      %run_scoped3A = tpu.sem_alloc : memref<!tpu.dma_semaphore, #tpu.memory_space<semaphore_mem>>
      %dma_start3A_158 = arith.constant 0 : i32
      %dma_start3A_159 = tpu.memref_slice %arg13[%add3A_19, %dma_start3A_158] : memref<10240x128xbf16, #tpu.memory_space<vmem_shared>> -> memref<128x128xbf16, #tpu.memory_space<vmem_shared>>
      %dma_start3A_160 = arith.constant 0 : i32
      %dma_start3A_161 = tpu.memref_slice %arg13[%add3A_19, %dma_start3A_160] : memref<10240x128xbf16, #tpu.memory_space<vmem_shared>> -> memref<128x128xbf16, #tpu.memory_space<vmem_shared>>
      tpu.enqueue_dma source(%arg12 : memref<128x128xbf16, #tpu.memory_space<vmem>>) target(%dma_start3A_161 : memref<128x128xbf16, #tpu.memory_space<vmem_shared>>) target_semaphore(%run_scoped3A : memref<!tpu.dma_semaphore, #tpu.memory_space<semaphore_mem>>)
      %dma_wait3A_162 = arith.constant 0 : i32
      %dma_wait3A_163 = tpu.memref_slice %arg13[%add3A_19, %dma_wait3A_162] : memref<10240x128xbf16, #tpu.memory_space<vmem_shared>> -> memref<128x128xbf16, #tpu.memory_space<vmem_shared>>
      %dma_wait3A_164 = arith.constant 0 : i32
      %dma_wait3A_165 = tpu.memref_slice %arg13[%add3A_19, %dma_wait3A_164] : memref<10240x128xbf16, #tpu.memory_space<vmem_shared>> -> memref<128x128xbf16, #tpu.memory_space<vmem_shared>>
      tpu.wait_dma2 semaphore(%run_scoped3A : memref<!tpu.dma_semaphore, #tpu.memory_space<semaphore_mem>>) src(%arg12 : memref<128x128xbf16, #tpu.memory_space<vmem>>) dst(%dma_wait3A_165 : memref<128x128xbf16, #tpu.memory_space<vmem_shared>>)
      tpu.yield
    }) : () -> ()
    %mul3A_20 = arith.constant 640 : i32
    %mul3A_21 = arith.muli %arg1, %mul3A_20 : i32
    %add3A_22 = arith.constant 128 : i32
    %add3A_23 = arith.addi %mul3A_21, %add3A_22 : i32
    "tpu.region"() ({
      %run_scoped3A = tpu.sem_alloc : memref<!tpu.dma_semaphore, #tpu.memory_space<semaphore_mem>>
      %dma_start3A_158 = arith.constant 0 : i32
      %dma_start3A_159 = tpu.memref_slice %arg13[%add3A_23, %dma_start3A_158] : memref<10240x128xbf16, #tpu.memory_space<vmem_shared>> -> memref<128x128xbf16, #tpu.memory_space<vmem_shared>>
      %dma_start3A_160 = arith.constant 0 : i32
      %dma_start3A_161 = tpu.memref_slice %arg13[%add3A_23, %dma_start3A_160] : memref<10240x128xbf16, #tpu.memory_space<vmem_shared>> -> memref<128x128xbf16, #tpu.memory_space<vmem_shared>>
      tpu.enqueue_dma source(%arg12 : memref<128x128xbf16, #tpu.memory_space<vmem>>) target(%dma_start3A_161 : memref<128x128xbf16, #tpu.memory_space<vmem_shared>>) target_semaphore(%run_scoped3A : memref<!tpu.dma_semaphore, #tpu.memory_space<semaphore_mem>>)
      %dma_wait3A_162 = arith.constant 0 : i32
      %dma_wait3A_163 = tpu.memref_slice %arg13[%add3A_23, %dma_wait3A_162] : memref<10240x128xbf16, #tpu.memory_space<vmem_shared>> -> memref<128x128xbf16, #tpu.memory_space<vmem_shared>>
      %dma_wait3A_164 = arith.constant 0 : i32
      %dma_wait3A_165 = tpu.memref_slice %arg13[%add3A_23, %dma_wait3A_164] : memref<10240x128xbf16, #tpu.memory_space<vmem_shared>> -> memref<128x128xbf16, #tpu.memory_space<vmem_shared>>
      tpu.wait_dma2 semaphore(%run_scoped3A : memref<!tpu.dma_semaphore, #tpu.memory_space<semaphore_mem>>) src(%arg12 : memref<128x128xbf16, #tpu.memory_space<vmem>>) dst(%dma_wait3A_165 : memref<128x128xbf16, #tpu.memory_space<vmem_shared>>)
      tpu.yield
    }) : () -> ()
    %mul3A_24 = arith.constant 640 : i32
    %mul3A_25 = arith.muli %arg1, %mul3A_24 : i32
    %add3A_26 = arith.constant 256 : i32
    %add3A_27 = arith.addi %mul3A_25, %add3A_26 : i32
    "tpu.region"() ({
      %run_scoped3A = tpu.sem_alloc : memref<!tpu.dma_semaphore, #tpu.memory_space<semaphore_mem>>
      %dma_start3A_158 = arith.constant 0 : i32
      %dma_start3A_159 = tpu.memref_slice %arg13[%add3A_27, %dma_start3A_158] : memref<10240x128xbf16, #tpu.memory_space<vmem_shared>> -> memref<128x128xbf16, #tpu.memory_space<vmem_shared>>
      %dma_start3A_160 = arith.constant 0 : i32
      %dma_start3A_161 = tpu.memref_slice %arg13[%add3A_27, %dma_start3A_160] : memref<10240x128xbf16, #tpu.memory_space<vmem_shared>> -> memref<128x128xbf16, #tpu.memory_space<vmem_shared>>
      tpu.enqueue_dma source(%arg12 : memref<128x128xbf16, #tpu.memory_space<vmem>>) target(%dma_start3A_161 : memref<128x128xbf16, #tpu.memory_space<vmem_shared>>) target_semaphore(%run_scoped3A : memref<!tpu.dma_semaphore, #tpu.memory_space<semaphore_mem>>)
      %dma_wait3A_162 = arith.constant 0 : i32
      %dma_wait3A_163 = tpu.memref_slice %arg13[%add3A_27, %dma_wait3A_162] : memref<10240x128xbf16, #tpu.memory_space<vmem_shared>> -> memref<128x128xbf16, #tpu.memory_space<vmem_shared>>
      %dma_wait3A_164 = arith.constant 0 : i32
      %dma_wait3A_165 = tpu.memref_slice %arg13[%add3A_27, %dma_wait3A_164] : memref<10240x128xbf16, #tpu.memory_space<vmem_shared>> -> memref<128x128xbf16, #tpu.memory_space<vmem_shared>>
      tpu.wait_dma2 semaphore(%run_scoped3A : memref<!tpu.dma_semaphore, #tpu.memory_space<semaphore_mem>>) src(%arg12 : memref<128x128xbf16, #tpu.memory_space<vmem>>) dst(%dma_wait3A_165 : memref<128x128xbf16, #tpu.memory_space<vmem_shared>>)
      tpu.yield
    }) : () -> ()
    %mul3A_28 = arith.constant 640 : i32
    %mul3A_29 = arith.muli %arg1, %mul3A_28 : i32
    %add3A_30 = arith.constant 384 : i32
    %add3A_31 = arith.addi %mul3A_29, %add3A_30 : i32
    "tpu.region"() ({
      %run_scoped3A = tpu.sem_alloc : memref<!tpu.dma_semaphore, #tpu.memory_space<semaphore_mem>>
      %dma_start3A_158 = arith.constant 0 : i32
      %dma_start3A_159 = tpu.memref_slice %arg13[%add3A_31, %dma_start3A_158] : memref<10240x128xbf16, #tpu.memory_space<vmem_shared>> -> memref<128x128xbf16, #tpu.memory_space<vmem_shared>>
      %dma_start3A_160 = arith.constant 0 : i32
      %dma_start3A_161 = tpu.memref_slice %arg13[%add3A_31, %dma_start3A_160] : memref<10240x128xbf16, #tpu.memory_space<vmem_shared>> -> memref<128x128xbf16, #tpu.memory_space<vmem_shared>>
      tpu.enqueue_dma source(%arg12 : memref<128x128xbf16, #tpu.memory_space<vmem>>) target(%dma_start3A_161 : memref<128x128xbf16, #tpu.memory_space<vmem_shared>>) target_semaphore(%run_scoped3A : memref<!tpu.dma_semaphore, #tpu.memory_space<semaphore_mem>>)
      %dma_wait3A_162 = arith.constant 0 : i32
      %dma_wait3A_163 = tpu.memref_slice %arg13[%add3A_31, %dma_wait3A_162] : memref<10240x128xbf16, #tpu.memory_space<vmem_shared>> -> memref<128x128xbf16, #tpu.memory_space<vmem_shared>>
      %dma_wait3A_164 = arith.constant 0 : i32
      %dma_wait3A_165 = tpu.memref_slice %arg13[%add3A_31, %dma_wait3A_164] : memref<10240x128xbf16, #tpu.memory_space<vmem_shared>> -> memref<128x128xbf16, #tpu.memory_space<vmem_shared>>
      tpu.wait_dma2 semaphore(%run_scoped3A : memref<!tpu.dma_semaphore, #tpu.memory_space<semaphore_mem>>) src(%arg12 : memref<128x128xbf16, #tpu.memory_space<vmem>>) dst(%dma_wait3A_165 : memref<128x128xbf16, #tpu.memory_space<vmem_shared>>)
      tpu.yield
    }) : () -> ()
    %mul3A_32 = arith.constant 640 : i32
    %mul3A_33 = arith.muli %arg1, %mul3A_32 : i32
    %add3A_34 = arith.constant 512 : i32
    %add3A_35 = arith.addi %mul3A_33, %add3A_34 : i32
    "tpu.region"() ({
      %run_scoped3A = tpu.sem_alloc : memref<!tpu.dma_semaphore, #tpu.memory_space<semaphore_mem>>
      %dma_start3A_158 = arith.constant 0 : i32
      %dma_start3A_159 = tpu.memref_slice %arg13[%add3A_35, %dma_start3A_158] : memref<10240x128xbf16, #tpu.memory_space<vmem_shared>> -> memref<128x128xbf16, #tpu.memory_space<vmem_shared>>
      %dma_start3A_160 = arith.constant 0 : i32
      %dma_start3A_161 = tpu.memref_slice %arg13[%add3A_35, %dma_start3A_160] : memref<10240x128xbf16, #tpu.memory_space<vmem_shared>> -> memref<128x128xbf16, #tpu.memory_space<vmem_shared>>
      tpu.enqueue_dma source(%arg12 : memref<128x128xbf16, #tpu.memory_space<vmem>>) target(%dma_start3A_161 : memref<128x128xbf16, #tpu.memory_space<vmem_shared>>) target_semaphore(%run_scoped3A : memref<!tpu.dma_semaphore, #tpu.memory_space<semaphore_mem>>)
      %dma_wait3A_162 = arith.constant 0 : i32
      %dma_wait3A_163 = tpu.memref_slice %arg13[%add3A_35, %dma_wait3A_162] : memref<10240x128xbf16, #tpu.memory_space<vmem_shared>> -> memref<128x128xbf16, #tpu.memory_space<vmem_shared>>
      %dma_wait3A_164 = arith.constant 0 : i32
      %dma_wait3A_165 = tpu.memref_slice %arg13[%add3A_35, %dma_wait3A_164] : memref<10240x128xbf16, #tpu.memory_space<vmem_shared>> -> memref<128x128xbf16, #tpu.memory_space<vmem_shared>>
      tpu.wait_dma2 semaphore(%run_scoped3A : memref<!tpu.dma_semaphore, #tpu.memory_space<semaphore_mem>>) src(%arg12 : memref<128x128xbf16, #tpu.memory_space<vmem>>) dst(%dma_wait3A_165 : memref<128x128xbf16, #tpu.memory_space<vmem_shared>>)
      tpu.yield
    }) : () -> ()
    %barrier3A = arith.constant 0 : index
    tpu.barrier barrier_id(%barrier3A)
    %dma_start3A = arith.constant 0 : i32
    %dma_start3A_36 = arith.constant 0 : i32
    %dma_start3A_37 = tpu.memref_slice %arg6[%dma_start3A, %dma_start3A_36] : memref<160x128xi32, #tpu.memory_space<vmem>> -> memref<1x128xi32, #tpu.memory_space<vmem>>
    %dma_start3A_38 = tpu.memref_squeeze %dma_start3A_37 : memref<1x128xi32, #tpu.memory_space<vmem>> -> memref<128xi32, #tpu.memory_space<vmem>>
    %dma_start3A_39 = arith.constant 0 : i32
    %dma_start3A_40 = arith.constant 0 : i32
    %dma_start3A_41 = tpu.memref_slice %arg2[%dma_start3A_39, %dma_start3A_40] : memref<20480x128xbf16, #tpu.memory_space<hbm>> -> memref<20480x128xbf16, #tpu.memory_space<hbm>>
    tpu.enqueue_indirect_dma source(%dma_start3A_41 : memref<20480x128xbf16, #tpu.memory_space<hbm>>) target(%arg8 : memref<128x128xbf16, #tpu.memory_space<vmem>>) offsets(%dma_start3A_38 : memref<128xi32, #tpu.memory_space<vmem>>) semaphore(%arg14 : memref<!tpu.dma_semaphore, #tpu.memory_space<semaphore_mem>>)
    %dma_start3A_42 = arith.constant 1 : i32
    %dma_start3A_43 = arith.constant 0 : i32
    %dma_start3A_44 = tpu.memref_slice %arg6[%dma_start3A_42, %dma_start3A_43] : memref<160x128xi32, #tpu.memory_space<vmem>> -> memref<1x128xi32, #tpu.memory_space<vmem>>
    %dma_start3A_45 = tpu.memref_squeeze %dma_start3A_44 : memref<1x128xi32, #tpu.memory_space<vmem>> -> memref<128xi32, #tpu.memory_space<vmem>>
    %dma_start3A_46 = arith.constant 0 : i32
    %dma_start3A_47 = arith.constant 0 : i32
    %dma_start3A_48 = tpu.memref_slice %arg2[%dma_start3A_46, %dma_start3A_47] : memref<20480x128xbf16, #tpu.memory_space<hbm>> -> memref<20480x128xbf16, #tpu.memory_space<hbm>>
    tpu.enqueue_indirect_dma source(%dma_start3A_48 : memref<20480x128xbf16, #tpu.memory_space<hbm>>) target(%arg9 : memref<128x128xbf16, #tpu.memory_space<vmem>>) offsets(%dma_start3A_45 : memref<128xi32, #tpu.memory_space<vmem>>) semaphore(%arg15 : memref<!tpu.dma_semaphore, #tpu.memory_space<semaphore_mem>>)
    %dma_start3A_49 = arith.constant 2 : i32
    %dma_start3A_50 = arith.constant 0 : i32
    %dma_start3A_51 = tpu.memref_slice %arg6[%dma_start3A_49, %dma_start3A_50] : memref<160x128xi32, #tpu.memory_space<vmem>> -> memref<1x128xi32, #tpu.memory_space<vmem>>
    %dma_start3A_52 = tpu.memref_squeeze %dma_start3A_51 : memref<1x128xi32, #tpu.memory_space<vmem>> -> memref<128xi32, #tpu.memory_space<vmem>>
    %dma_start3A_53 = arith.constant 0 : i32
    %dma_start3A_54 = arith.constant 0 : i32
    %dma_start3A_55 = tpu.memref_slice %arg2[%dma_start3A_53, %dma_start3A_54] : memref<20480x128xbf16, #tpu.memory_space<hbm>> -> memref<20480x128xbf16, #tpu.memory_space<hbm>>
    tpu.enqueue_indirect_dma source(%dma_start3A_55 : memref<20480x128xbf16, #tpu.memory_space<hbm>>) target(%arg10 : memref<128x128xbf16, #tpu.memory_space<vmem>>) offsets(%dma_start3A_52 : memref<128xi32, #tpu.memory_space<vmem>>) semaphore(%arg16 : memref<!tpu.dma_semaphore, #tpu.memory_space<semaphore_mem>>)
    %dma_start3A_56 = arith.constant 3 : i32
    %dma_start3A_57 = arith.constant 0 : i32
    %dma_start3A_58 = tpu.memref_slice %arg6[%dma_start3A_56, %dma_start3A_57] : memref<160x128xi32, #tpu.memory_space<vmem>> -> memref<1x128xi32, #tpu.memory_space<vmem>>
    %dma_start3A_59 = tpu.memref_squeeze %dma_start3A_58 : memref<1x128xi32, #tpu.memory_space<vmem>> -> memref<128xi32, #tpu.memory_space<vmem>>
    %dma_start3A_60 = arith.constant 0 : i32
    %dma_start3A_61 = arith.constant 0 : i32
    %dma_start3A_62 = tpu.memref_slice %arg2[%dma_start3A_60, %dma_start3A_61] : memref<20480x128xbf16, #tpu.memory_space<hbm>> -> memref<20480x128xbf16, #tpu.memory_space<hbm>>
    tpu.enqueue_indirect_dma source(%dma_start3A_62 : memref<20480x128xbf16, #tpu.memory_space<hbm>>) target(%arg11 : memref<128x128xbf16, #tpu.memory_space<vmem>>) offsets(%dma_start3A_59 : memref<128xi32, #tpu.memory_space<vmem>>) semaphore(%arg17 : memref<!tpu.dma_semaphore, #tpu.memory_space<semaphore_mem>>)
    %scan3A_63 = arith.constant 0 : i32
    %scan3A_64 = arith.constant 0 : i32
    %scan3A_65 = arith.constant 39 : i32
    %scan3A_66 = arith.addi %scan3A_64, %scan3A_65 : i32
    %scan3A_67 = arith.constant 1 : i32
    %scan3A_68 = scf.for %scan3A_158 = %scan3A_64 to %scan3A_66 step %scan3A_67 iter_args(%scan3A_159 = %scan3A_63) -> (i32)  : i32 {
      %mul3A_160 = arith.constant 4 : i32
      %mul3A_161 = arith.muli %scan3A_158, %mul3A_160 : i32
      %add3A_162 = arith.constant 0 : i32
      %add3A_163 = arith.addi %mul3A_161, %add3A_162 : i32
      %dma_wait3A_164 = arith.constant 0 : i32
      %dma_wait3A_165 = tpu.memref_slice %arg6[%add3A_163, %dma_wait3A_164] : memref<160x128xi32, #tpu.memory_space<vmem>> -> memref<1x128xi32, #tpu.memory_space<vmem>>
      %dma_wait3A_166 = tpu.memref_squeeze %dma_wait3A_165 : memref<1x128xi32, #tpu.memory_space<vmem>> -> memref<128xi32, #tpu.memory_space<vmem>>
      %dma_wait3A_167 = arith.constant 0 : i32
      %dma_wait3A_168 = arith.constant 0 : i32
      %dma_wait3A_169 = tpu.memref_slice %arg2[%dma_wait3A_167, %dma_wait3A_168] : memref<20480x128xbf16, #tpu.memory_space<hbm>> -> memref<20480x128xbf16, #tpu.memory_space<hbm>>
      tpu.wait_indirect_dma semaphore(%arg14 : memref<!tpu.dma_semaphore, #tpu.memory_space<semaphore_mem>>) src(%dma_wait3A_169 : memref<20480x128xbf16, #tpu.memory_space<hbm>>) dst(%arg8 : memref<128x128xbf16, #tpu.memory_space<vmem>>)
      %dma_start3A_170 = arith.constant 0 : i32
      %dma_start3A_171 = tpu.memref_slice %arg7[%add3A_163, %dma_start3A_170] : memref<160x128xi32, #tpu.memory_space<vmem>> -> memref<1x128xi32, #tpu.memory_space<vmem>>
      %dma_start3A_172 = tpu.memref_squeeze %dma_start3A_171 : memref<1x128xi32, #tpu.memory_space<vmem>> -> memref<128xi32, #tpu.memory_space<vmem>>
      %dma_start3A_173 = arith.constant 0 : i32
      %dma_start3A_174 = arith.constant 0 : i32
      %dma_start3A_175 = tpu.memref_slice %arg13[%dma_start3A_173, %dma_start3A_174] : memref<10240x128xbf16, #tpu.memory_space<vmem_shared>> -> memref<10240x128xbf16, #tpu.memory_space<vmem_shared>>
      tpu.enqueue_indirect_dma source(%arg8 : memref<128x128xbf16, #tpu.memory_space<vmem>>) target(%dma_start3A_175 : memref<10240x128xbf16, #tpu.memory_space<vmem_shared>>) offsets(%dma_start3A_172 : memref<128xi32, #tpu.memory_space<vmem>>) semaphore(%arg18 : memref<!tpu.dma_semaphore, #tpu.memory_space<semaphore_mem>>) {add = true}
      %dma_wait3A_176 = arith.constant 0 : i32
      %dma_wait3A_177 = tpu.memref_slice %arg7[%add3A_163, %dma_wait3A_176] : memref<160x128xi32, #tpu.memory_space<vmem>> -> memref<1x128xi32, #tpu.memory_space<vmem>>
      %dma_wait3A_178 = tpu.memref_squeeze %dma_wait3A_177 : memref<1x128xi32, #tpu.memory_space<vmem>> -> memref<128xi32, #tpu.memory_space<vmem>>
      %dma_wait3A_179 = arith.constant 0 : i32
      %dma_wait3A_180 = arith.constant 0 : i32
      %dma_wait3A_181 = tpu.memref_slice %arg13[%dma_wait3A_179, %dma_wait3A_180] : memref<10240x128xbf16, #tpu.memory_space<vmem_shared>> -> memref<10240x128xbf16, #tpu.memory_space<vmem_shared>>
      tpu.wait_indirect_dma semaphore(%arg18 : memref<!tpu.dma_semaphore, #tpu.memory_space<semaphore_mem>>) src(%arg8 : memref<128x128xbf16, #tpu.memory_space<vmem>>) dst(%dma_wait3A_181 : memref<10240x128xbf16, #tpu.memory_space<vmem_shared>>)
      %add3A_182 = arith.constant 4 : i32
      %add3A_183 = arith.addi %add3A_163, %add3A_182 : i32
      %dma_start3A_184 = arith.constant 0 : i32
      %dma_start3A_185 = tpu.memref_slice %arg6[%add3A_183, %dma_start3A_184] : memref<160x128xi32, #tpu.memory_space<vmem>> -> memref<1x128xi32, #tpu.memory_space<vmem>>
      %dma_start3A_186 = tpu.memref_squeeze %dma_start3A_185 : memref<1x128xi32, #tpu.memory_space<vmem>> -> memref<128xi32, #tpu.memory_space<vmem>>
      %dma_start3A_187 = arith.constant 0 : i32
      %dma_start3A_188 = arith.constant 0 : i32
      %dma_start3A_189 = tpu.memref_slice %arg2[%dma_start3A_187, %dma_start3A_188] : memref<20480x128xbf16, #tpu.memory_space<hbm>> -> memref<20480x128xbf16, #tpu.memory_space<hbm>>
      tpu.enqueue_indirect_dma source(%dma_start3A_189 : memref<20480x128xbf16, #tpu.memory_space<hbm>>) target(%arg8 : memref<128x128xbf16, #tpu.memory_space<vmem>>) offsets(%dma_start3A_186 : memref<128xi32, #tpu.memory_space<vmem>>) semaphore(%arg14 : memref<!tpu.dma_semaphore, #tpu.memory_space<semaphore_mem>>)
      %mul3A_190 = arith.constant 4 : i32
      %mul3A_191 = arith.muli %scan3A_158, %mul3A_190 : i32
      %add3A_192 = arith.constant 1 : i32
      %add3A_193 = arith.addi %mul3A_191, %add3A_192 : i32
      %dma_wait3A_194 = arith.constant 0 : i32
      %dma_wait3A_195 = tpu.memref_slice %arg6[%add3A_193, %dma_wait3A_194] : memref<160x128xi32, #tpu.memory_space<vmem>> -> memref<1x128xi32, #tpu.memory_space<vmem>>
      %dma_wait3A_196 = tpu.memref_squeeze %dma_wait3A_195 : memref<1x128xi32, #tpu.memory_space<vmem>> -> memref<128xi32, #tpu.memory_space<vmem>>
      %dma_wait3A_197 = arith.constant 0 : i32
      %dma_wait3A_198 = arith.constant 0 : i32
      %dma_wait3A_199 = tpu.memref_slice %arg2[%dma_wait3A_197, %dma_wait3A_198] : memref<20480x128xbf16, #tpu.memory_space<hbm>> -> memref<20480x128xbf16, #tpu.memory_space<hbm>>
      tpu.wait_indirect_dma semaphore(%arg15 : memref<!tpu.dma_semaphore, #tpu.memory_space<semaphore_mem>>) src(%dma_wait3A_199 : memref<20480x128xbf16, #tpu.memory_space<hbm>>) dst(%arg9 : memref<128x128xbf16, #tpu.memory_space<vmem>>)
      %dma_start3A_200 = arith.constant 0 : i32
      %dma_start3A_201 = tpu.memref_slice %arg7[%add3A_193, %dma_start3A_200] : memref<160x128xi32, #tpu.memory_space<vmem>> -> memref<1x128xi32, #tpu.memory_space<vmem>>
      %dma_start3A_202 = tpu.memref_squeeze %dma_start3A_201 : memref<1x128xi32, #tpu.memory_space<vmem>> -> memref<128xi32, #tpu.memory_space<vmem>>
      %dma_start3A_203 = arith.constant 0 : i32
      %dma_start3A_204 = arith.constant 0 : i32
      %dma_start3A_205 = tpu.memref_slice %arg13[%dma_start3A_203, %dma_start3A_204] : memref<10240x128xbf16, #tpu.memory_space<vmem_shared>> -> memref<10240x128xbf16, #tpu.memory_space<vmem_shared>>
      tpu.enqueue_indirect_dma source(%arg9 : memref<128x128xbf16, #tpu.memory_space<vmem>>) target(%dma_start3A_205 : memref<10240x128xbf16, #tpu.memory_space<vmem_shared>>) offsets(%dma_start3A_202 : memref<128xi32, #tpu.memory_space<vmem>>) semaphore(%arg19 : memref<!tpu.dma_semaphore, #tpu.memory_space<semaphore_mem>>) {add = true}
      %dma_wait3A_206 = arith.constant 0 : i32
      %dma_wait3A_207 = tpu.memref_slice %arg7[%add3A_193, %dma_wait3A_206] : memref<160x128xi32, #tpu.memory_space<vmem>> -> memref<1x128xi32, #tpu.memory_space<vmem>>
      %dma_wait3A_208 = tpu.memref_squeeze %dma_wait3A_207 : memref<1x128xi32, #tpu.memory_space<vmem>> -> memref<128xi32, #tpu.memory_space<vmem>>
      %dma_wait3A_209 = arith.constant 0 : i32
      %dma_wait3A_210 = arith.constant 0 : i32
      %dma_wait3A_211 = tpu.memref_slice %arg13[%dma_wait3A_209, %dma_wait3A_210] : memref<10240x128xbf16, #tpu.memory_space<vmem_shared>> -> memref<10240x128xbf16, #tpu.memory_space<vmem_shared>>
      tpu.wait_indirect_dma semaphore(%arg19 : memref<!tpu.dma_semaphore, #tpu.memory_space<semaphore_mem>>) src(%arg9 : memref<128x128xbf16, #tpu.memory_space<vmem>>) dst(%dma_wait3A_211 : memref<10240x128xbf16, #tpu.memory_space<vmem_shared>>)
      %add3A_212 = arith.constant 4 : i32
      %add3A_213 = arith.addi %add3A_193, %add3A_212 : i32
      %dma_start3A_214 = arith.constant 0 : i32
      %dma_start3A_215 = tpu.memref_slice %arg6[%add3A_213, %dma_start3A_214] : memref<160x128xi32, #tpu.memory_space<vmem>> -> memref<1x128xi32, #tpu.memory_space<vmem>>
      %dma_start3A_216 = tpu.memref_squeeze %dma_start3A_215 : memref<1x128xi32, #tpu.memory_space<vmem>> -> memref<128xi32, #tpu.memory_space<vmem>>
      %dma_start3A_217 = arith.constant 0 : i32
      %dma_start3A_218 = arith.constant 0 : i32
      %dma_start3A_219 = tpu.memref_slice %arg2[%dma_start3A_217, %dma_start3A_218] : memref<20480x128xbf16, #tpu.memory_space<hbm>> -> memref<20480x128xbf16, #tpu.memory_space<hbm>>
      tpu.enqueue_indirect_dma source(%dma_start3A_219 : memref<20480x128xbf16, #tpu.memory_space<hbm>>) target(%arg9 : memref<128x128xbf16, #tpu.memory_space<vmem>>) offsets(%dma_start3A_216 : memref<128xi32, #tpu.memory_space<vmem>>) semaphore(%arg15 : memref<!tpu.dma_semaphore, #tpu.memory_space<semaphore_mem>>)
      %mul3A_220 = arith.constant 4 : i32
      %mul3A_221 = arith.muli %scan3A_158, %mul3A_220 : i32
      %add3A_222 = arith.constant 2 : i32
      %add3A_223 = arith.addi %mul3A_221, %add3A_222 : i32
      %dma_wait3A_224 = arith.constant 0 : i32
      %dma_wait3A_225 = tpu.memref_slice %arg6[%add3A_223, %dma_wait3A_224] : memref<160x128xi32, #tpu.memory_space<vmem>> -> memref<1x128xi32, #tpu.memory_space<vmem>>
      %dma_wait3A_226 = tpu.memref_squeeze %dma_wait3A_225 : memref<1x128xi32, #tpu.memory_space<vmem>> -> memref<128xi32, #tpu.memory_space<vmem>>
      %dma_wait3A_227 = arith.constant 0 : i32
      %dma_wait3A_228 = arith.constant 0 : i32
      %dma_wait3A_229 = tpu.memref_slice %arg2[%dma_wait3A_227, %dma_wait3A_228] : memref<20480x128xbf16, #tpu.memory_space<hbm>> -> memref<20480x128xbf16, #tpu.memory_space<hbm>>
      tpu.wait_indirect_dma semaphore(%arg16 : memref<!tpu.dma_semaphore, #tpu.memory_space<semaphore_mem>>) src(%dma_wait3A_229 : memref<20480x128xbf16, #tpu.memory_space<hbm>>) dst(%arg10 : memref<128x128xbf16, #tpu.memory_space<vmem>>)
      %dma_start3A_230 = arith.constant 0 : i32
      %dma_start3A_231 = tpu.memref_slice %arg7[%add3A_223, %dma_start3A_230] : memref<160x128xi32, #tpu.memory_space<vmem>> -> memref<1x128xi32, #tpu.memory_space<vmem>>
      %dma_start3A_232 = tpu.memref_squeeze %dma_start3A_231 : memref<1x128xi32, #tpu.memory_space<vmem>> -> memref<128xi32, #tpu.memory_space<vmem>>
      %dma_start3A_233 = arith.constant 0 : i32
      %dma_start3A_234 = arith.constant 0 : i32
      %dma_start3A_235 = tpu.memref_slice %arg13[%dma_start3A_233, %dma_start3A_234] : memref<10240x128xbf16, #tpu.memory_space<vmem_shared>> -> memref<10240x128xbf16, #tpu.memory_space<vmem_shared>>
      tpu.enqueue_indirect_dma source(%arg10 : memref<128x128xbf16, #tpu.memory_space<vmem>>) target(%dma_start3A_235 : memref<10240x128xbf16, #tpu.memory_space<vmem_shared>>) offsets(%dma_start3A_232 : memref<128xi32, #tpu.memory_space<vmem>>) semaphore(%arg20 : memref<!tpu.dma_semaphore, #tpu.memory_space<semaphore_mem>>) {add = true}
      %dma_wait3A_236 = arith.constant 0 : i32
      %dma_wait3A_237 = tpu.memref_slice %arg7[%add3A_223, %dma_wait3A_236] : memref<160x128xi32, #tpu.memory_space<vmem>> -> memref<1x128xi32, #tpu.memory_space<vmem>>
      %dma_wait3A_238 = tpu.memref_squeeze %dma_wait3A_237 : memref<1x128xi32, #tpu.memory_space<vmem>> -> memref<128xi32, #tpu.memory_space<vmem>>
      %dma_wait3A_239 = arith.constant 0 : i32
      %dma_wait3A_240 = arith.constant 0 : i32
      %dma_wait3A_241 = tpu.memref_slice %arg13[%dma_wait3A_239, %dma_wait3A_240] : memref<10240x128xbf16, #tpu.memory_space<vmem_shared>> -> memref<10240x128xbf16, #tpu.memory_space<vmem_shared>>
      tpu.wait_indirect_dma semaphore(%arg20 : memref<!tpu.dma_semaphore, #tpu.memory_space<semaphore_mem>>) src(%arg10 : memref<128x128xbf16, #tpu.memory_space<vmem>>) dst(%dma_wait3A_241 : memref<10240x128xbf16, #tpu.memory_space<vmem_shared>>)
      %add3A_242 = arith.constant 4 : i32
      %add3A_243 = arith.addi %add3A_223, %add3A_242 : i32
      %dma_start3A_244 = arith.constant 0 : i32
      %dma_start3A_245 = tpu.memref_slice %arg6[%add3A_243, %dma_start3A_244] : memref<160x128xi32, #tpu.memory_space<vmem>> -> memref<1x128xi32, #tpu.memory_space<vmem>>
      %dma_start3A_246 = tpu.memref_squeeze %dma_start3A_245 : memref<1x128xi32, #tpu.memory_space<vmem>> -> memref<128xi32, #tpu.memory_space<vmem>>
      %dma_start3A_247 = arith.constant 0 : i32
      %dma_start3A_248 = arith.constant 0 : i32
      %dma_start3A_249 = tpu.memref_slice %arg2[%dma_start3A_247, %dma_start3A_248] : memref<20480x128xbf16, #tpu.memory_space<hbm>> -> memref<20480x128xbf16, #tpu.memory_space<hbm>>
      tpu.enqueue_indirect_dma source(%dma_start3A_249 : memref<20480x128xbf16, #tpu.memory_space<hbm>>) target(%arg10 : memref<128x128xbf16, #tpu.memory_space<vmem>>) offsets(%dma_start3A_246 : memref<128xi32, #tpu.memory_space<vmem>>) semaphore(%arg16 : memref<!tpu.dma_semaphore, #tpu.memory_space<semaphore_mem>>)
      %mul3A_250 = arith.constant 4 : i32
      %mul3A_251 = arith.muli %scan3A_158, %mul3A_250 : i32
      %add3A_252 = arith.constant 3 : i32
      %add3A_253 = arith.addi %mul3A_251, %add3A_252 : i32
      %dma_wait3A_254 = arith.constant 0 : i32
      %dma_wait3A_255 = tpu.memref_slice %arg6[%add3A_253, %dma_wait3A_254] : memref<160x128xi32, #tpu.memory_space<vmem>> -> memref<1x128xi32, #tpu.memory_space<vmem>>
      %dma_wait3A_256 = tpu.memref_squeeze %dma_wait3A_255 : memref<1x128xi32, #tpu.memory_space<vmem>> -> memref<128xi32, #tpu.memory_space<vmem>>
      %dma_wait3A_257 = arith.constant 0 : i32
      %dma_wait3A_258 = arith.constant 0 : i32
      %dma_wait3A_259 = tpu.memref_slice %arg2[%dma_wait3A_257, %dma_wait3A_258] : memref<20480x128xbf16, #tpu.memory_space<hbm>> -> memref<20480x128xbf16, #tpu.memory_space<hbm>>
      tpu.wait_indirect_dma semaphore(%arg17 : memref<!tpu.dma_semaphore, #tpu.memory_space<semaphore_mem>>) src(%dma_wait3A_259 : memref<20480x128xbf16, #tpu.memory_space<hbm>>) dst(%arg11 : memref<128x128xbf16, #tpu.memory_space<vmem>>)
      %dma_start3A_260 = arith.constant 0 : i32
      %dma_start3A_261 = tpu.memref_slice %arg7[%add3A_253, %dma_start3A_260] : memref<160x128xi32, #tpu.memory_space<vmem>> -> memref<1x128xi32, #tpu.memory_space<vmem>>
      %dma_start3A_262 = tpu.memref_squeeze %dma_start3A_261 : memref<1x128xi32, #tpu.memory_space<vmem>> -> memref<128xi32, #tpu.memory_space<vmem>>
      %dma_start3A_263 = arith.constant 0 : i32
      %dma_start3A_264 = arith.constant 0 : i32
      %dma_start3A_265 = tpu.memref_slice %arg13[%dma_start3A_263, %dma_start3A_264] : memref<10240x128xbf16, #tpu.memory_space<vmem_shared>> -> memref<10240x128xbf16, #tpu.memory_space<vmem_shared>>
      tpu.enqueue_indirect_dma source(%arg11 : memref<128x128xbf16, #tpu.memory_space<vmem>>) target(%dma_start3A_265 : memref<10240x128xbf16, #tpu.memory_space<vmem_shared>>) offsets(%dma_start3A_262 : memref<128xi32, #tpu.memory_space<vmem>>) semaphore(%arg21 : memref<!tpu.dma_semaphore, #tpu.memory_space<semaphore_mem>>) {add = true}
      %dma_wait3A_266 = arith.constant 0 : i32
      %dma_wait3A_267 = tpu.memref_slice %arg7[%add3A_253, %dma_wait3A_266] : memref<160x128xi32, #tpu.memory_space<vmem>> -> memref<1x128xi32, #tpu.memory_space<vmem>>
      %dma_wait3A_268 = tpu.memref_squeeze %dma_wait3A_267 : memref<1x128xi32, #tpu.memory_space<vmem>> -> memref<128xi32, #tpu.memory_space<vmem>>
      %dma_wait3A_269 = arith.constant 0 : i32
      %dma_wait3A_270 = arith.constant 0 : i32
      %dma_wait3A_271 = tpu.memref_slice %arg13[%dma_wait3A_269, %dma_wait3A_270] : memref<10240x128xbf16, #tpu.memory_space<vmem_shared>> -> memref<10240x128xbf16, #tpu.memory_space<vmem_shared>>
      tpu.wait_indirect_dma semaphore(%arg21 : memref<!tpu.dma_semaphore, #tpu.memory_space<semaphore_mem>>) src(%arg11 : memref<128x128xbf16, #tpu.memory_space<vmem>>) dst(%dma_wait3A_271 : memref<10240x128xbf16, #tpu.memory_space<vmem_shared>>)
      %add3A_272 = arith.constant 4 : i32
      %add3A_273 = arith.addi %add3A_253, %add3A_272 : i32
      %dma_start3A_274 = arith.constant 0 : i32
      %dma_start3A_275 = tpu.memref_slice %arg6[%add3A_273, %dma_start3A_274] : memref<160x128xi32, #tpu.memory_space<vmem>> -> memref<1x128xi32, #tpu.memory_space<vmem>>
      %dma_start3A_276 = tpu.memref_squeeze %dma_start3A_275 : memref<1x128xi32, #tpu.memory_space<vmem>> -> memref<128xi32, #tpu.memory_space<vmem>>
      %dma_start3A_277 = arith.constant 0 : i32
      %dma_start3A_278 = arith.constant 0 : i32
      %dma_start3A_279 = tpu.memref_slice %arg2[%dma_start3A_277, %dma_start3A_278] : memref<20480x128xbf16, #tpu.memory_space<hbm>> -> memref<20480x128xbf16, #tpu.memory_space<hbm>>
      tpu.enqueue_indirect_dma source(%dma_start3A_279 : memref<20480x128xbf16, #tpu.memory_space<hbm>>) target(%arg11 : memref<128x128xbf16, #tpu.memory_space<vmem>>) offsets(%dma_start3A_276 : memref<128xi32, #tpu.memory_space<vmem>>) semaphore(%arg17 : memref<!tpu.dma_semaphore, #tpu.memory_space<semaphore_mem>>)
      %scan3A_280 = arith.constant 0 : i32
      scf.yield %scan3A_280 : i32
    }
    %scan3A_69 = arith.constant 39 : i32
    %dma_wait3A = arith.constant 156 : i32
    %dma_wait3A_70 = arith.constant 0 : i32
    %dma_wait3A_71 = tpu.memref_slice %arg6[%dma_wait3A, %dma_wait3A_70] : memref<160x128xi32, #tpu.memory_space<vmem>> -> memref<1x128xi32, #tpu.memory_space<vmem>>
    %dma_wait3A_72 = tpu.memref_squeeze %dma_wait3A_71 : memref<1x128xi32, #tpu.memory_space<vmem>> -> memref<128xi32, #tpu.memory_space<vmem>>
    %dma_wait3A_73 = arith.constant 0 : i32
    %dma_wait3A_74 = arith.constant 0 : i32
    %dma_wait3A_75 = tpu.memref_slice %arg2[%dma_wait3A_73, %dma_wait3A_74] : memref<20480x128xbf16, #tpu.memory_space<hbm>> -> memref<20480x128xbf16, #tpu.memory_space<hbm>>
    tpu.wait_indirect_dma semaphore(%arg14 : memref<!tpu.dma_semaphore, #tpu.memory_space<semaphore_mem>>) src(%dma_wait3A_75 : memref<20480x128xbf16, #tpu.memory_space<hbm>>) dst(%arg8 : memref<128x128xbf16, #tpu.memory_space<vmem>>)
    %dma_start3A_76 = arith.constant 156 : i32
    %dma_start3A_77 = arith.constant 0 : i32
    %dma_start3A_78 = tpu.memref_slice %arg7[%dma_start3A_76, %dma_start3A_77] : memref<160x128xi32, #tpu.memory_space<vmem>> -> memref<1x128xi32, #tpu.memory_space<vmem>>
    %dma_start3A_79 = tpu.memref_squeeze %dma_start3A_78 : memref<1x128xi32, #tpu.memory_space<vmem>> -> memref<128xi32, #tpu.memory_space<vmem>>
    %dma_start3A_80 = arith.constant 0 : i32
    %dma_start3A_81 = arith.constant 0 : i32
    %dma_start3A_82 = tpu.memref_slice %arg13[%dma_start3A_80, %dma_start3A_81] : memref<10240x128xbf16, #tpu.memory_space<vmem_shared>> -> memref<10240x128xbf16, #tpu.memory_space<vmem_shared>>
    tpu.enqueue_indirect_dma source(%arg8 : memref<128x128xbf16, #tpu.memory_space<vmem>>) target(%dma_start3A_82 : memref<10240x128xbf16, #tpu.memory_space<vmem_shared>>) offsets(%dma_start3A_79 : memref<128xi32, #tpu.memory_space<vmem>>) semaphore(%arg18 : memref<!tpu.dma_semaphore, #tpu.memory_space<semaphore_mem>>) {add = true}
    %dma_wait3A_83 = arith.constant 156 : i32
    %dma_wait3A_84 = arith.constant 0 : i32
    %dma_wait3A_85 = tpu.memref_slice %arg7[%dma_wait3A_83, %dma_wait3A_84] : memref<160x128xi32, #tpu.memory_space<vmem>> -> memref<1x128xi32, #tpu.memory_space<vmem>>
    %dma_wait3A_86 = tpu.memref_squeeze %dma_wait3A_85 : memref<1x128xi32, #tpu.memory_space<vmem>> -> memref<128xi32, #tpu.memory_space<vmem>>
    %dma_wait3A_87 = arith.constant 0 : i32
    %dma_wait3A_88 = arith.constant 0 : i32
    %dma_wait3A_89 = tpu.memref_slice %arg13[%dma_wait3A_87, %dma_wait3A_88] : memref<10240x128xbf16, #tpu.memory_space<vmem_shared>> -> memref<10240x128xbf16, #tpu.memory_space<vmem_shared>>
    tpu.wait_indirect_dma semaphore(%arg18 : memref<!tpu.dma_semaphore, #tpu.memory_space<semaphore_mem>>) src(%arg8 : memref<128x128xbf16, #tpu.memory_space<vmem>>) dst(%dma_wait3A_89 : memref<10240x128xbf16, #tpu.memory_space<vmem_shared>>)
    %dma_wait3A_90 = arith.constant 157 : i32
    %dma_wait3A_91 = arith.constant 0 : i32
    %dma_wait3A_92 = tpu.memref_slice %arg6[%dma_wait3A_90, %dma_wait3A_91] : memref<160x128xi32, #tpu.memory_space<vmem>> -> memref<1x128xi32, #tpu.memory_space<vmem>>
    %dma_wait3A_93 = tpu.memref_squeeze %dma_wait3A_92 : memref<1x128xi32, #tpu.memory_space<vmem>> -> memref<128xi32, #tpu.memory_space<vmem>>
    %dma_wait3A_94 = arith.constant 0 : i32
    %dma_wait3A_95 = arith.constant 0 : i32
    %dma_wait3A_96 = tpu.memref_slice %arg2[%dma_wait3A_94, %dma_wait3A_95] : memref<20480x128xbf16, #tpu.memory_space<hbm>> -> memref<20480x128xbf16, #tpu.memory_space<hbm>>
    tpu.wait_indirect_dma semaphore(%arg15 : memref<!tpu.dma_semaphore, #tpu.memory_space<semaphore_mem>>) src(%dma_wait3A_96 : memref<20480x128xbf16, #tpu.memory_space<hbm>>) dst(%arg9 : memref<128x128xbf16, #tpu.memory_space<vmem>>)
    %dma_start3A_97 = arith.constant 157 : i32
    %dma_start3A_98 = arith.constant 0 : i32
    %dma_start3A_99 = tpu.memref_slice %arg7[%dma_start3A_97, %dma_start3A_98] : memref<160x128xi32, #tpu.memory_space<vmem>> -> memref<1x128xi32, #tpu.memory_space<vmem>>
    %dma_start3A_100 = tpu.memref_squeeze %dma_start3A_99 : memref<1x128xi32, #tpu.memory_space<vmem>> -> memref<128xi32, #tpu.memory_space<vmem>>
    %dma_start3A_101 = arith.constant 0 : i32
    %dma_start3A_102 = arith.constant 0 : i32
    %dma_start3A_103 = tpu.memref_slice %arg13[%dma_start3A_101, %dma_start3A_102] : memref<10240x128xbf16, #tpu.memory_space<vmem_shared>> -> memref<10240x128xbf16, #tpu.memory_space<vmem_shared>>
    tpu.enqueue_indirect_dma source(%arg9 : memref<128x128xbf16, #tpu.memory_space<vmem>>) target(%dma_start3A_103 : memref<10240x128xbf16, #tpu.memory_space<vmem_shared>>) offsets(%dma_start3A_100 : memref<128xi32, #tpu.memory_space<vmem>>) semaphore(%arg19 : memref<!tpu.dma_semaphore, #tpu.memory_space<semaphore_mem>>) {add = true}
    %dma_wait3A_104 = arith.constant 157 : i32
    %dma_wait3A_105 = arith.constant 0 : i32
    %dma_wait3A_106 = tpu.memref_slice %arg7[%dma_wait3A_104, %dma_wait3A_105] : memref<160x128xi32, #tpu.memory_space<vmem>> -> memref<1x128xi32, #tpu.memory_space<vmem>>
    %dma_wait3A_107 = tpu.memref_squeeze %dma_wait3A_106 : memref<1x128xi32, #tpu.memory_space<vmem>> -> memref<128xi32, #tpu.memory_space<vmem>>
    %dma_wait3A_108 = arith.constant 0 : i32
    %dma_wait3A_109 = arith.constant 0 : i32
    %dma_wait3A_110 = tpu.memref_slice %arg13[%dma_wait3A_108, %dma_wait3A_109] : memref<10240x128xbf16, #tpu.memory_space<vmem_shared>> -> memref<10240x128xbf16, #tpu.memory_space<vmem_shared>>
    tpu.wait_indirect_dma semaphore(%arg19 : memref<!tpu.dma_semaphore, #tpu.memory_space<semaphore_mem>>) src(%arg9 : memref<128x128xbf16, #tpu.memory_space<vmem>>) dst(%dma_wait3A_110 : memref<10240x128xbf16, #tpu.memory_space<vmem_shared>>)
    %dma_wait3A_111 = arith.constant 158 : i32
    %dma_wait3A_112 = arith.constant 0 : i32
    %dma_wait3A_113 = tpu.memref_slice %arg6[%dma_wait3A_111, %dma_wait3A_112] : memref<160x128xi32, #tpu.memory_space<vmem>> -> memref<1x128xi32, #tpu.memory_space<vmem>>
    %dma_wait3A_114 = tpu.memref_squeeze %dma_wait3A_113 : memref<1x128xi32, #tpu.memory_space<vmem>> -> memref<128xi32, #tpu.memory_space<vmem>>
    %dma_wait3A_115 = arith.constant 0 : i32
    %dma_wait3A_116 = arith.constant 0 : i32
    %dma_wait3A_117 = tpu.memref_slice %arg2[%dma_wait3A_115, %dma_wait3A_116] : memref<20480x128xbf16, #tpu.memory_space<hbm>> -> memref<20480x128xbf16, #tpu.memory_space<hbm>>
    tpu.wait_indirect_dma semaphore(%arg16 : memref<!tpu.dma_semaphore, #tpu.memory_space<semaphore_mem>>) src(%dma_wait3A_117 : memref<20480x128xbf16, #tpu.memory_space<hbm>>) dst(%arg10 : memref<128x128xbf16, #tpu.memory_space<vmem>>)
    %dma_start3A_118 = arith.constant 158 : i32
    %dma_start3A_119 = arith.constant 0 : i32
    %dma_start3A_120 = tpu.memref_slice %arg7[%dma_start3A_118, %dma_start3A_119] : memref<160x128xi32, #tpu.memory_space<vmem>> -> memref<1x128xi32, #tpu.memory_space<vmem>>
    %dma_start3A_121 = tpu.memref_squeeze %dma_start3A_120 : memref<1x128xi32, #tpu.memory_space<vmem>> -> memref<128xi32, #tpu.memory_space<vmem>>
    %dma_start3A_122 = arith.constant 0 : i32
    %dma_start3A_123 = arith.constant 0 : i32
    %dma_start3A_124 = tpu.memref_slice %arg13[%dma_start3A_122, %dma_start3A_123] : memref<10240x128xbf16, #tpu.memory_space<vmem_shared>> -> memref<10240x128xbf16, #tpu.memory_space<vmem_shared>>
    tpu.enqueue_indirect_dma source(%arg10 : memref<128x128xbf16, #tpu.memory_space<vmem>>) target(%dma_start3A_124 : memref<10240x128xbf16, #tpu.memory_space<vmem_shared>>) offsets(%dma_start3A_121 : memref<128xi32, #tpu.memory_space<vmem>>) semaphore(%arg20 : memref<!tpu.dma_semaphore, #tpu.memory_space<semaphore_mem>>) {add = true}
    %dma_wait3A_125 = arith.constant 158 : i32
    %dma_wait3A_126 = arith.constant 0 : i32
    %dma_wait3A_127 = tpu.memref_slice %arg7[%dma_wait3A_125, %dma_wait3A_126] : memref<160x128xi32, #tpu.memory_space<vmem>> -> memref<1x128xi32, #tpu.memory_space<vmem>>
    %dma_wait3A_128 = tpu.memref_squeeze %dma_wait3A_127 : memref<1x128xi32, #tpu.memory_space<vmem>> -> memref<128xi32, #tpu.memory_space<vmem>>
    %dma_wait3A_129 = arith.constant 0 : i32
    %dma_wait3A_130 = arith.constant 0 : i32
    %dma_wait3A_131 = tpu.memref_slice %arg13[%dma_wait3A_129, %dma_wait3A_130] : memref<10240x128xbf16, #tpu.memory_space<vmem_shared>> -> memref<10240x128xbf16, #tpu.memory_space<vmem_shared>>
    tpu.wait_indirect_dma semaphore(%arg20 : memref<!tpu.dma_semaphore, #tpu.memory_space<semaphore_mem>>) src(%arg10 : memref<128x128xbf16, #tpu.memory_space<vmem>>) dst(%dma_wait3A_131 : memref<10240x128xbf16, #tpu.memory_space<vmem_shared>>)
    %dma_wait3A_132 = arith.constant 159 : i32
    %dma_wait3A_133 = arith.constant 0 : i32
    %dma_wait3A_134 = tpu.memref_slice %arg6[%dma_wait3A_132, %dma_wait3A_133] : memref<160x128xi32, #tpu.memory_space<vmem>> -> memref<1x128xi32, #tpu.memory_space<vmem>>
    %dma_wait3A_135 = tpu.memref_squeeze %dma_wait3A_134 : memref<1x128xi32, #tpu.memory_space<vmem>> -> memref<128xi32, #tpu.memory_space<vmem>>
    %dma_wait3A_136 = arith.constant 0 : i32
    %dma_wait3A_137 = arith.constant 0 : i32
    %dma_wait3A_138 = tpu.memref_slice %arg2[%dma_wait3A_136, %dma_wait3A_137] : memref<20480x128xbf16, #tpu.memory_space<hbm>> -> memref<20480x128xbf16, #tpu.memory_space<hbm>>
    tpu.wait_indirect_dma semaphore(%arg17 : memref<!tpu.dma_semaphore, #tpu.memory_space<semaphore_mem>>) src(%dma_wait3A_138 : memref<20480x128xbf16, #tpu.memory_space<hbm>>) dst(%arg11 : memref<128x128xbf16, #tpu.memory_space<vmem>>)
    %dma_start3A_139 = arith.constant 159 : i32
    %dma_start3A_140 = arith.constant 0 : i32
    %dma_start3A_141 = tpu.memref_slice %arg7[%dma_start3A_139, %dma_start3A_140] : memref<160x128xi32, #tpu.memory_space<vmem>> -> memref<1x128xi32, #tpu.memory_space<vmem>>
    %dma_start3A_142 = tpu.memref_squeeze %dma_start3A_141 : memref<1x128xi32, #tpu.memory_space<vmem>> -> memref<128xi32, #tpu.memory_space<vmem>>
    %dma_start3A_143 = arith.constant 0 : i32
    %dma_start3A_144 = arith.constant 0 : i32
    %dma_start3A_145 = tpu.memref_slice %arg13[%dma_start3A_143, %dma_start3A_144] : memref<10240x128xbf16, #tpu.memory_space<vmem_shared>> -> memref<10240x128xbf16, #tpu.memory_space<vmem_shared>>
    tpu.enqueue_indirect_dma source(%arg11 : memref<128x128xbf16, #tpu.memory_space<vmem>>) target(%dma_start3A_145 : memref<10240x128xbf16, #tpu.memory_space<vmem_shared>>) offsets(%dma_start3A_142 : memref<128xi32, #tpu.memory_space<vmem>>) semaphore(%arg21 : memref<!tpu.dma_semaphore, #tpu.memory_space<semaphore_mem>>) {add = true}
    %dma_wait3A_146 = arith.constant 159 : i32
    %dma_wait3A_147 = arith.constant 0 : i32
    %dma_wait3A_148 = tpu.memref_slice %arg7[%dma_wait3A_146, %dma_wait3A_147] : memref<160x128xi32, #tpu.memory_space<vmem>> -> memref<1x128xi32, #tpu.memory_space<vmem>>
    %dma_wait3A_149 = tpu.memref_squeeze %dma_wait3A_148 : memref<1x128xi32, #tpu.memory_space<vmem>> -> memref<128xi32, #tpu.memory_space<vmem>>
    %dma_wait3A_150 = arith.constant 0 : i32
    %dma_wait3A_151 = arith.constant 0 : i32
    %dma_wait3A_152 = tpu.memref_slice %arg13[%dma_wait3A_150, %dma_wait3A_151] : memref<10240x128xbf16, #tpu.memory_space<vmem_shared>> -> memref<10240x128xbf16, #tpu.memory_space<vmem_shared>>
    tpu.wait_indirect_dma semaphore(%arg21 : memref<!tpu.dma_semaphore, #tpu.memory_space<semaphore_mem>>) src(%arg11 : memref<128x128xbf16, #tpu.memory_space<vmem>>) dst(%dma_wait3A_152 : memref<10240x128xbf16, #tpu.memory_space<vmem_shared>>)
    %barrier3A_153 = arith.constant 0 : index
    tpu.barrier barrier_id(%barrier3A_153)
    %mul3A_154 = arith.constant 640 : i32
    %mul3A_155 = arith.muli %arg1, %mul3A_154 : i32
    %mul3A_156 = arith.constant 640 : i32
    %mul3A_157 = arith.muli %arg1, %mul3A_156 : i32
    "tpu.region"() ({
      %run_scoped3A = tpu.sem_alloc : memref<!tpu.dma_semaphore, #tpu.memory_space<semaphore_mem>>
      %dma_start3A_158 = arith.constant 0 : i32
      %dma_start3A_159 = tpu.memref_slice %arg5[%arg0, %mul3A_157, %dma_start3A_158] : memref<2x10240x128xbf16, #tpu.memory_space<hbm>> -> memref<1x640x128xbf16, #tpu.memory_space<hbm>>
      %dma_start3A_160 = tpu.memref_squeeze %dma_start3A_159 : memref<1x640x128xbf16, #tpu.memory_space<hbm>> -> memref<640x128xbf16, #tpu.memory_space<hbm>>
      %dma_start3A_161 = arith.constant 0 : i32
      %dma_start3A_162 = tpu.memref_slice %arg13[%mul3A_155, %dma_start3A_161] : memref<10240x128xbf16, #tpu.memory_space<vmem_shared>> -> memref<640x128xbf16, #tpu.memory_space<vmem_shared>>
      tpu.enqueue_dma source(%dma_start3A_162 : memref<640x128xbf16, #tpu.memory_space<vmem_shared>>) target(%dma_start3A_160 : memref<640x128xbf16, #tpu.memory_space<hbm>>) target_semaphore(%run_scoped3A : memref<!tpu.dma_semaphore, #tpu.memory_space<semaphore_mem>>)
      %dma_wait3A_163 = arith.constant 0 : i32
      %dma_wait3A_164 = tpu.memref_slice %arg5[%arg0, %mul3A_157, %dma_wait3A_163] : memref<2x10240x128xbf16, #tpu.memory_space<hbm>> -> memref<1x640x128xbf16, #tpu.memory_space<hbm>>
      %dma_wait3A_165 = tpu.memref_squeeze %dma_wait3A_164 : memref<1x640x128xbf16, #tpu.memory_space<hbm>> -> memref<640x128xbf16, #tpu.memory_space<hbm>>
      %dma_wait3A_166 = arith.constant 0 : i32
      %dma_wait3A_167 = tpu.memref_slice %arg13[%mul3A_155, %dma_wait3A_166] : memref<10240x128xbf16, #tpu.memory_space<vmem_shared>> -> memref<640x128xbf16, #tpu.memory_space<vmem_shared>>
      tpu.wait_dma2 semaphore(%run_scoped3A : memref<!tpu.dma_semaphore, #tpu.memory_space<semaphore_mem>>) src(%dma_wait3A_167 : memref<640x128xbf16, #tpu.memory_space<vmem_shared>>) dst(%dma_wait3A_165 : memref<640x128xbf16, #tpu.memory_space<hbm>>)
      tpu.yield
    }) : () -> ()
    return
  }
}

#map = affine_map<(d0, d1) -> (0, 0)>
#map1 = affine_map<(d0, d1) -> (0, 0, 0)>
module attributes {stable_mosaic.version = 14 : i64} {
  func.func @_scatter_kernel(%arg0: i32, %arg1: i32, %arg2: memref<20480x128xbf16, #tpu.memory_space<hbm>>, %arg3: memref<16x160x128xi32, #tpu.memory_space<hbm>>, %arg4: memref<16x160x128xi32, #tpu.memory_space<hbm>>, %arg5: memref<2x10240x128xbf16, #tpu.memory_space<hbm>>, %arg6: memref<160x128xi32, #tpu.memory_space<vmem>>, %arg7: memref<160x128xi32, #tpu.memory_space<vmem>>, %arg8: memref<128x128xbf16, #tpu.memory_space<vmem>>, %arg9: memref<128x128xbf16, #tpu.memory_space<vmem>>, %arg10: memref<128x128xbf16, #tpu.memory_space<vmem>>, %arg11: memref<128x128xbf16, #tpu.memory_space<vmem>>, %arg12: memref<128x128xbf16, #tpu.memory_space<vmem>>, %arg13: memref<10240x128xbf16, #tpu.memory_space<vmem_shared>>, %arg14: memref<!tpu.dma_semaphore, #tpu.memory_space<semaphore_mem>>, %arg15: memref<!tpu.dma_semaphore, #tpu.memory_space<semaphore_mem>>, %arg16: memref<!tpu.dma_semaphore, #tpu.memory_space<semaphore_mem>>, %arg17: memref<!tpu.dma_semaphore, #tpu.memory_space<semaphore_mem>>, %arg18: memref<!tpu.dma_semaphore, #tpu.memory_space<semaphore_mem>>, %arg19: memref<!tpu.dma_semaphore, #tpu.memory_space<semaphore_mem>>, %arg20: memref<!tpu.dma_semaphore, #tpu.memory_space<semaphore_mem>>, %arg21: memref<!tpu.dma_semaphore, #tpu.memory_space<semaphore_mem>>) attributes {dimension_semantics = [#tpu.dimension_semantics<core_parallel>, #tpu.dimension_semantics<subcore_parallel>], iteration_bounds = array<i64: 2, 16>, scalar_prefetch = 0 : i64, scratch_operands = 16 : i64, tpu.core_type = #tpu.core_type<sc_vector_subcore>, window_params = [{transform_indices = #map}, {transform_indices = #map1}, {transform_indices = #map1}, {transform_indices = #map1}]} {
    "tpu.region"() ({
      %run_scoped3A = tpu.sem_alloc : memref<!tpu.dma_semaphore, #tpu.memory_space<semaphore_mem>>
      %dma_start3A_158 = arith.constant 0 : i32
      %dma_start3A_159 = arith.constant 0 : i32
      %dma_start3A_160 = tpu.memref_slice %arg3[%arg1, %dma_start3A_158, %dma_start3A_159] : memref<16x160x128xi32, #tpu.memory_space<hbm>> -> memref<1x160x128xi32, #tpu.memory_space<hbm>>
      %dma_start3A_161 = tpu.memref_squeeze %dma_start3A_160 : memref<1x160x128xi32, #tpu.memory_space<hbm>> -> memref<160x128xi32, #tpu.memory_space<hbm>>
      %dma_start3A_162 = arith.constant 0 : i32
      %dma_start3A_163 = arith.constant 0 : i32
      %dma_start3A_164 = tpu.memref_slice %arg3[%arg1, %dma_start3A_162, %dma_start3A_163] : memref<16x160x128xi32, #tpu.memory_space<hbm>> -> memref<1x160x128xi32, #tpu.memory_space<hbm>>
      %dma_start3A_165 = tpu.memref_squeeze %dma_start3A_164 : memref<1x160x128xi32, #tpu.memory_space<hbm>> -> memref<160x128xi32, #tpu.memory_space<hbm>>
      tpu.enqueue_dma source(%dma_start3A_165 : memref<160x128xi32, #tpu.memory_space<hbm>>) target(%arg6 : memref<160x128xi32, #tpu.memory_space<vmem>>) target_semaphore(%run_scoped3A : memref<!tpu.dma_semaphore, #tpu.memory_space<semaphore_mem>>)
      %dma_wait3A_166 = arith.constant 0 : i32
      %dma_wait3A_167 = arith.constant 0 : i32
      %dma_wait3A_168 = tpu.memref_slice %arg3[%arg1, %dma_wait3A_166, %dma_wait3A_167] : memref<16x160x128xi32, #tpu.memory_space<hbm>> -> memref<1x160x128xi32, #tpu.memory_space<hbm>>
      %dma_wait3A_169 = tpu.memref_squeeze %dma_wait3A_168 : memref<1x160x128xi32, #tpu.memory_space<hbm>> -> memref<160x128xi32, #tpu.memory_space<hbm>>
      %dma_wait3A_170 = arith.constant 0 : i32
      %dma_wait3A_171 = arith.constant 0 : i32
      %dma_wait3A_172 = tpu.memref_slice %arg3[%arg1, %dma_wait3A_170, %dma_wait3A_171] : memref<16x160x128xi32, #tpu.memory_space<hbm>> -> memref<1x160x128xi32, #tpu.memory_space<hbm>>
      %dma_wait3A_173 = tpu.memref_squeeze %dma_wait3A_172 : memref<1x160x128xi32, #tpu.memory_space<hbm>> -> memref<160x128xi32, #tpu.memory_space<hbm>>
      tpu.wait_dma2 semaphore(%run_scoped3A : memref<!tpu.dma_semaphore, #tpu.memory_space<semaphore_mem>>) src(%dma_wait3A_173 : memref<160x128xi32, #tpu.memory_space<hbm>>) dst(%arg6 : memref<160x128xi32, #tpu.memory_space<vmem>>)
      tpu.yield
    }) : () -> ()
    "tpu.region"() ({
      %run_scoped3A = tpu.sem_alloc : memref<!tpu.dma_semaphore, #tpu.memory_space<semaphore_mem>>
      %dma_start3A_158 = arith.constant 0 : i32
      %dma_start3A_159 = arith.constant 0 : i32
      %dma_start3A_160 = tpu.memref_slice %arg4[%arg1, %dma_start3A_158, %dma_start3A_159] : memref<16x160x128xi32, #tpu.memory_space<hbm>> -> memref<1x160x128xi32, #tpu.memory_space<hbm>>
      %dma_start3A_161 = tpu.memref_squeeze %dma_start3A_160 : memref<1x160x128xi32, #tpu.memory_space<hbm>> -> memref<160x128xi32, #tpu.memory_space<hbm>>
      %dma_start3A_162 = arith.constant 0 : i32
      %dma_start3A_163 = arith.constant 0 : i32
      %dma_start3A_164 = tpu.memref_slice %arg4[%arg1, %dma_start3A_162, %dma_start3A_163] : memref<16x160x128xi32, #tpu.memory_space<hbm>> -> memref<1x160x128xi32, #tpu.memory_space<hbm>>
      %dma_start3A_165 = tpu.memref_squeeze %dma_start3A_164 : memref<1x160x128xi32, #tpu.memory_space<hbm>> -> memref<160x128xi32, #tpu.memory_space<hbm>>
      tpu.enqueue_dma source(%dma_start3A_165 : memref<160x128xi32, #tpu.memory_space<hbm>>) target(%arg7 : memref<160x128xi32, #tpu.memory_space<vmem>>) target_semaphore(%run_scoped3A : memref<!tpu.dma_semaphore, #tpu.memory_space<semaphore_mem>>)
      %dma_wait3A_166 = arith.constant 0 : i32
      %dma_wait3A_167 = arith.constant 0 : i32
      %dma_wait3A_168 = tpu.memref_slice %arg4[%arg1, %dma_wait3A_166, %dma_wait3A_167] : memref<16x160x128xi32, #tpu.memory_space<hbm>> -> memref<1x160x128xi32, #tpu.memory_space<hbm>>
      %dma_wait3A_169 = tpu.memref_squeeze %dma_wait3A_168 : memref<1x160x128xi32, #tpu.memory_space<hbm>> -> memref<160x128xi32, #tpu.memory_space<hbm>>
      %dma_wait3A_170 = arith.constant 0 : i32
      %dma_wait3A_171 = arith.constant 0 : i32
      %dma_wait3A_172 = tpu.memref_slice %arg4[%arg1, %dma_wait3A_170, %dma_wait3A_171] : memref<16x160x128xi32, #tpu.memory_space<hbm>> -> memref<1x160x128xi32, #tpu.memory_space<hbm>>
      %dma_wait3A_173 = tpu.memref_squeeze %dma_wait3A_172 : memref<1x160x128xi32, #tpu.memory_space<hbm>> -> memref<160x128xi32, #tpu.memory_space<hbm>>
      tpu.wait_dma2 semaphore(%run_scoped3A : memref<!tpu.dma_semaphore, #tpu.memory_space<semaphore_mem>>) src(%dma_wait3A_173 : memref<160x128xi32, #tpu.memory_space<hbm>>) dst(%arg7 : memref<160x128xi32, #tpu.memory_space<vmem>>)
      tpu.yield
    }) : () -> ()
    %broadcast_in_dim3A = arith.constant 10240 : i32
    %broadcast_in_dim3A_0 = vector.broadcast %broadcast_in_dim3A : i32 to vector<16xi32>
    %mul3A = vector.broadcast %arg0 : i32 to vector<16xi32>
    %mul3A_1 = arith.muli %broadcast_in_dim3A_0, %mul3A : vector<16xi32>
    %scan3A = arith.constant 0 : i32
    %scan3A_2 = arith.constant 0 : i32
    %scan3A_3 = arith.constant 160 : i32
    %scan3A_4 = arith.addi %scan3A_2, %scan3A_3 : i32
    %scan3A_5 = arith.constant 1 : i32
    %scan3A_6 = scf.for %scan3A_158 = %scan3A_2 to %scan3A_4 step %scan3A_5 iter_args(%scan3A_159 = %scan3A) -> (i32)  : i32 {
      %get3A = arith.index_cast %scan3A_158 : i32 to index
      %get3A_160 = arith.constant 0 : index
      %get3A_161 = tpu.vector_load %arg6[%get3A, %get3A_160] {strides = array<i32>} : memref<160x128xi32, #tpu.memory_space<vmem>>, vector<1x16xi32>,
      %get3A_162 = vector.shape_cast %get3A_161 : vector<1x16xi32> to vector<16xi32>
      %add3A_163 = arith.addi %get3A_162, %mul3A_1 : vector<16xi32>
      %swap3A = arith.index_cast %scan3A_158 : i32 to index
      %swap3A_164 = arith.constant 0 : index
      %swap3A_165 = tpu.vector_load %arg6[%swap3A, %swap3A_164] {strides = array<i32>} : memref<160x128xi32, #tpu.memory_space<vmem>>, vector<1x16xi32>,
      %swap3A_166 = vector.shape_cast %swap3A_165 : vector<1x16xi32> to vector<16xi32>
      %swap3A_167 = vector.shape_cast %add3A_163 : vector<16xi32> to vector<1x16xi32>
      tpu.vector_store %arg6[%swap3A, %swap3A_164], %swap3A_167 {strides = array<i32>} : memref<160x128xi32, #tpu.memory_space<vmem>>, vector<1x16xi32>,
      %get3A_168 = arith.index_cast %scan3A_158 : i32 to index
      %get3A_169 = arith.constant 16 : index
      %get3A_170 = tpu.vector_load %arg6[%get3A_168, %get3A_169] {strides = array<i32>} : memref<160x128xi32, #tpu.memory_space<vmem>>, vector<1x16xi32>,
      %get3A_171 = vector.shape_cast %get3A_170 : vector<1x16xi32> to vector<16xi32>
      %add3A_172 = arith.addi %get3A_171, %mul3A_1 : vector<16xi32>
      %swap3A_173 = arith.index_cast %scan3A_158 : i32 to index
      %swap3A_174 = arith.constant 16 : index
      %swap3A_175 = tpu.vector_load %arg6[%swap3A_173, %swap3A_174] {strides = array<i32>} : memref<160x128xi32, #tpu.memory_space<vmem>>, vector<1x16xi32>,
      %swap3A_176 = vector.shape_cast %swap3A_175 : vector<1x16xi32> to vector<16xi32>
      %swap3A_177 = vector.shape_cast %add3A_172 : vector<16xi32> to vector<1x16xi32>
      tpu.vector_store %arg6[%swap3A_173, %swap3A_174], %swap3A_177 {strides = array<i32>} : memref<160x128xi32, #tpu.memory_space<vmem>>, vector<1x16xi32>,
      %get3A_178 = arith.index_cast %scan3A_158 : i32 to index
      %get3A_179 = arith.constant 32 : index
      %get3A_180 = tpu.vector_load %arg6[%get3A_178, %get3A_179] {strides = array<i32>} : memref<160x128xi32, #tpu.memory_space<vmem>>, vector<1x16xi32>,
      %get3A_181 = vector.shape_cast %get3A_180 : vector<1x16xi32> to vector<16xi32>
      %add3A_182 = arith.addi %get3A_181, %mul3A_1 : vector<16xi32>
      %swap3A_183 = arith.index_cast %scan3A_158 : i32 to index
      %swap3A_184 = arith.constant 32 : index
      %swap3A_185 = tpu.vector_load %arg6[%swap3A_183, %swap3A_184] {strides = array<i32>} : memref<160x128xi32, #tpu.memory_space<vmem>>, vector<1x16xi32>,
      %swap3A_186 = vector.shape_cast %swap3A_185 : vector<1x16xi32> to vector<16xi32>
      %swap3A_187 = vector.shape_cast %add3A_182 : vector<16xi32> to vector<1x16xi32>
      tpu.vector_store %arg6[%swap3A_183, %swap3A_184], %swap3A_187 {strides = array<i32>} : memref<160x128xi32, #tpu.memory_space<vmem>>, vector<1x16xi32>,
      %get3A_188 = arith.index_cast %scan3A_158 : i32 to index
      %get3A_189 = arith.constant 48 : index
      %get3A_190 = tpu.vector_load %arg6[%get3A_188, %get3A_189] {strides = array<i32>} : memref<160x128xi32, #tpu.memory_space<vmem>>, vector<1x16xi32>,
      %get3A_191 = vector.shape_cast %get3A_190 : vector<1x16xi32> to vector<16xi32>
      %add3A_192 = arith.addi %get3A_191, %mul3A_1 : vector<16xi32>
      %swap3A_193 = arith.index_cast %scan3A_158 : i32 to index
      %swap3A_194 = arith.constant 48 : index
      %swap3A_195 = tpu.vector_load %arg6[%swap3A_193, %swap3A_194] {strides = array<i32>} : memref<160x128xi32, #tpu.memory_space<vmem>>, vector<1x16xi32>,
      %swap3A_196 = vector.shape_cast %swap3A_195 : vector<1x16xi32> to vector<16xi32>
      %swap3A_197 = vector.shape_cast %add3A_192 : vector<16xi32> to vector<1x16xi32>
      tpu.vector_store %arg6[%swap3A_193, %swap3A_194], %swap3A_197 {strides = array<i32>} : memref<160x128xi32, #tpu.memory_space<vmem>>, vector<1x16xi32>,
      %get3A_198 = arith.index_cast %scan3A_158 : i32 to index
      %get3A_199 = arith.constant 64 : index
      %get3A_200 = tpu.vector_load %arg6[%get3A_198, %get3A_199] {strides = array<i32>} : memref<160x128xi32, #tpu.memory_space<vmem>>, vector<1x16xi32>,
      %get3A_201 = vector.shape_cast %get3A_200 : vector<1x16xi32> to vector<16xi32>
      %add3A_202 = arith.addi %get3A_201, %mul3A_1 : vector<16xi32>
      %swap3A_203 = arith.index_cast %scan3A_158 : i32 to index
      %swap3A_204 = arith.constant 64 : index
      %swap3A_205 = tpu.vector_load %arg6[%swap3A_203, %swap3A_204] {strides = array<i32>} : memref<160x128xi32, #tpu.memory_space<vmem>>, vector<1x16xi32>,
      %swap3A_206 = vector.shape_cast %swap3A_205 : vector<1x16xi32> to vector<16xi32>
      %swap3A_207 = vector.shape_cast %add3A_202 : vector<16xi32> to vector<1x16xi32>
      tpu.vector_store %arg6[%swap3A_203, %swap3A_204], %swap3A_207 {strides = array<i32>} : memref<160x128xi32, #tpu.memory_space<vmem>>, vector<1x16xi32>,
      %get3A_208 = arith.index_cast %scan3A_158 : i32 to index
      %get3A_209 = arith.constant 80 : index
      %get3A_210 = tpu.vector_load %arg6[%get3A_208, %get3A_209] {strides = array<i32>} : memref<160x128xi32, #tpu.memory_space<vmem>>, vector<1x16xi32>,
      %get3A_211 = vector.shape_cast %get3A_210 : vector<1x16xi32> to vector<16xi32>
      %add3A_212 = arith.addi %get3A_211, %mul3A_1 : vector<16xi32>
      %swap3A_213 = arith.index_cast %scan3A_158 : i32 to index
      %swap3A_214 = arith.constant 80 : index
      %swap3A_215 = tpu.vector_load %arg6[%swap3A_213, %swap3A_214] {strides = array<i32>} : memref<160x128xi32, #tpu.memory_space<vmem>>, vector<1x16xi32>,
      %swap3A_216 = vector.shape_cast %swap3A_215 : vector<1x16xi32> to vector<16xi32>
      %swap3A_217 = vector.shape_cast %add3A_212 : vector<16xi32> to vector<1x16xi32>
      tpu.vector_store %arg6[%swap3A_213, %swap3A_214], %swap3A_217 {strides = array<i32>} : memref<160x128xi32, #tpu.memory_space<vmem>>, vector<1x16xi32>,
      %get3A_218 = arith.index_cast %scan3A_158 : i32 to index
      %get3A_219 = arith.constant 96 : index
      %get3A_220 = tpu.vector_load %arg6[%get3A_218, %get3A_219] {strides = array<i32>} : memref<160x128xi32, #tpu.memory_space<vmem>>, vector<1x16xi32>,
      %get3A_221 = vector.shape_cast %get3A_220 : vector<1x16xi32> to vector<16xi32>
      %add3A_222 = arith.addi %get3A_221, %mul3A_1 : vector<16xi32>
      %swap3A_223 = arith.index_cast %scan3A_158 : i32 to index
      %swap3A_224 = arith.constant 96 : index
      %swap3A_225 = tpu.vector_load %arg6[%swap3A_223, %swap3A_224] {strides = array<i32>} : memref<160x128xi32, #tpu.memory_space<vmem>>, vector<1x16xi32>,
      %swap3A_226 = vector.shape_cast %swap3A_225 : vector<1x16xi32> to vector<16xi32>
      %swap3A_227 = vector.shape_cast %add3A_222 : vector<16xi32> to vector<1x16xi32>
      tpu.vector_store %arg6[%swap3A_223, %swap3A_224], %swap3A_227 {strides = array<i32>} : memref<160x128xi32, #tpu.memory_space<vmem>>, vector<1x16xi32>,
      %get3A_228 = arith.index_cast %scan3A_158 : i32 to index
      %get3A_229 = arith.constant 112 : index
      %get3A_230 = tpu.vector_load %arg6[%get3A_228, %get3A_229] {strides = array<i32>} : memref<160x128xi32, #tpu.memory_space<vmem>>, vector<1x16xi32>,
      %get3A_231 = vector.shape_cast %get3A_230 : vector<1x16xi32> to vector<16xi32>
      %add3A_232 = arith.addi %get3A_231, %mul3A_1 : vector<16xi32>
      %swap3A_233 = arith.index_cast %scan3A_158 : i32 to index
      %swap3A_234 = arith.constant 112 : index
      %swap3A_235 = tpu.vector_load %arg6[%swap3A_233, %swap3A_234] {strides = array<i32>} : memref<160x128xi32, #tpu.memory_space<vmem>>, vector<1x16xi32>,
      %swap3A_236 = vector.shape_cast %swap3A_235 : vector<1x16xi32> to vector<16xi32>
      %swap3A_237 = vector.shape_cast %add3A_232 : vector<16xi32> to vector<1x16xi32>
      tpu.vector_store %arg6[%swap3A_233, %swap3A_234], %swap3A_237 {strides = array<i32>} : memref<160x128xi32, #tpu.memory_space<vmem>>, vector<1x16xi32>,
      %scan3A_238 = arith.constant 0 : i32
      scf.yield %scan3A_238 : i32
    }
    %scan3A_7 = arith.constant 160 : i32
    %broadcast_in_dim3A_8 = arith.constant 0.000000e+00 : bf16
    %broadcast_in_dim3A_9 = vector.broadcast %broadcast_in_dim3A_8 : bf16 to vector<32xbf16>
    %scan3A_10 = arith.constant 0 : i32
    %scan3A_11 = arith.constant 0 : i32
    %scan3A_12 = arith.constant 128 : i32
    %scan3A_13 = arith.addi %scan3A_11, %scan3A_12 : i32
    %scan3A_14 = arith.constant 1 : i32
    %scan3A_15 = scf.for %scan3A_158 = %scan3A_11 to %scan3A_13 step %scan3A_14 iter_args(%scan3A_159 = %scan3A_10) -> (i32)  : i32 {
      %swap3A = arith.index_cast %scan3A_158 : i32 to index
      %swap3A_160 = arith.constant 0 : index
      %swap3A_161 = tpu.vector_load %arg12[%swap3A, %swap3A_160] {strides = array<i32>} : memref<128x128xbf16, #tpu.memory_space<vmem>>, vector<1x32xbf16>,
      %swap3A_162 = vector.shape_cast %swap3A_161 : vector<1x32xbf16> to vector<32xbf16>
      %swap3A_163 = vector.shape_cast %broadcast_in_dim3A_9 : vector<32xbf16> to vector<1x32xbf16>
      tpu.vector_store %arg12[%swap3A, %swap3A_160], %swap3A_163 {strides = array<i32>} : memref<128x128xbf16, #tpu.memory_space<vmem>>, vector<1x32xbf16>,
      %swap3A_164 = arith.index_cast %scan3A_158 : i32 to index
      %swap3A_165 = arith.constant 32 : index
      %swap3A_166 = tpu.vector_load %arg12[%swap3A_164, %swap3A_165] {strides = array<i32>} : memref<128x128xbf16, #tpu.memory_space<vmem>>, vector<1x32xbf16>,
      %swap3A_167 = vector.shape_cast %swap3A_166 : vector<1x32xbf16> to vector<32xbf16>
      %swap3A_168 = vector.shape_cast %broadcast_in_dim3A_9 : vector<32xbf16> to vector<1x32xbf16>
      tpu.vector_store %arg12[%swap3A_164, %swap3A_165], %swap3A_168 {strides = array<i32>} : memref<128x128xbf16, #tpu.memory_space<vmem>>, vector<1x32xbf16>,
      %swap3A_169 = arith.index_cast %scan3A_158 : i32 to index
      %swap3A_170 = arith.constant 64 : index
      %swap3A_171 = tpu.vector_load %arg12[%swap3A_169, %swap3A_170] {strides = array<i32>} : memref<128x128xbf16, #tpu.memory_space<vmem>>, vector<1x32xbf16>,
      %swap3A_172 = vector.shape_cast %swap3A_171 : vector<1x32xbf16> to vector<32xbf16>
      %swap3A_173 = vector.shape_cast %broadcast_in_dim3A_9 : vector<32xbf16> to vector<1x32xbf16>
      tpu.vector_store %arg12[%swap3A_169, %swap3A_170], %swap3A_173 {strides = array<i32>} : memref<128x128xbf16, #tpu.memory_space<vmem>>, vector<1x32xbf16>,
      %swap3A_174 = arith.index_cast %scan3A_158 : i32 to index
      %swap3A_175 = arith.constant 96 : index
      %swap3A_176 = tpu.vector_load %arg12[%swap3A_174, %swap3A_175] {strides = array<i32>} : memref<128x128xbf16, #tpu.memory_space<vmem>>, vector<1x32xbf16>,
      %swap3A_177 = vector.shape_cast %swap3A_176 : vector<1x32xbf16> to vector<32xbf16>
      %swap3A_178 = vector.shape_cast %broadcast_in_dim3A_9 : vector<32xbf16> to vector<1x32xbf16>
      tpu.vector_store %arg12[%swap3A_174, %swap3A_175], %swap3A_178 {strides = array<i32>} : memref<128x128xbf16, #tpu.memory_space<vmem>>, vector<1x32xbf16>,
      %scan3A_179 = arith.constant 0 : i32
      scf.yield %scan3A_179 : i32
    }
    %scan3A_16 = arith.constant 128 : i32
    %mul3A_17 = arith.constant 640 : i32
    %mul3A_18 = arith.muli %arg1, %mul3A_17 : i32
    %add3A = arith.constant 0 : i32
    %add3A_19 = arith.addi %mul3A_18, %add3A : i32
    "tpu.region"() ({
      %run_scoped3A = tpu.sem_alloc : memref<!tpu.dma_semaphore, #tpu.memory_space<semaphore_mem>>
      %dma_start3A_158 = arith.constant 0 : i32
      %dma_start3A_159 = tpu.memref_slice %arg13[%add3A_19, %dma_start3A_158] : memref<10240x128xbf16, #tpu.memory_space<vmem_shared>> -> memref<128x128xbf16, #tpu.memory_space<vmem_shared>>
      %dma_start3A_160 = arith.constant 0 : i32
      %dma_start3A_161 = tpu.memref_slice %arg13[%add3A_19, %dma_start3A_160] : memref<10240x128xbf16, #tpu.memory_space<vmem_shared>> -> memref<128x128xbf16, #tpu.memory_space<vmem_shared>>
      tpu.enqueue_dma source(%arg12 : memref<128x128xbf16, #tpu.memory_space<vmem>>) target(%dma_start3A_161 : memref<128x128xbf16, #tpu.memory_space<vmem_shared>>) target_semaphore(%run_scoped3A : memref<!tpu.dma_semaphore, #tpu.memory_space<semaphore_mem>>)
      %dma_wait3A_162 = arith.constant 0 : i32
      %dma_wait3A_163 = tpu.memref_slice %arg13[%add3A_19, %dma_wait3A_162] : memref<10240x128xbf16, #tpu.memory_space<vmem_shared>> -> memref<128x128xbf16, #tpu.memory_space<vmem_shared>>
      %dma_wait3A_164 = arith.constant 0 : i32
      %dma_wait3A_165 = tpu.memref_slice %arg13[%add3A_19, %dma_wait3A_164] : memref<10240x128xbf16, #tpu.memory_space<vmem_shared>> -> memref<128x128xbf16, #tpu.memory_space<vmem_shared>>
      tpu.wait_dma2 semaphore(%run_scoped3A : memref<!tpu.dma_semaphore, #tpu.memory_space<semaphore_mem>>) src(%arg12 : memref<128x128xbf16, #tpu.memory_space<vmem>>) dst(%dma_wait3A_165 : memref<128x128xbf16, #tpu.memory_space<vmem_shared>>)
      tpu.yield
    }) : () -> ()
    %mul3A_20 = arith.constant 640 : i32
    %mul3A_21 = arith.muli %arg1, %mul3A_20 : i32
    %add3A_22 = arith.constant 128 : i32
    %add3A_23 = arith.addi %mul3A_21, %add3A_22 : i32
    "tpu.region"() ({
      %run_scoped3A = tpu.sem_alloc : memref<!tpu.dma_semaphore, #tpu.memory_space<semaphore_mem>>
      %dma_start3A_158 = arith.constant 0 : i32
      %dma_start3A_159 = tpu.memref_slice %arg13[%add3A_23, %dma_start3A_158] : memref<10240x128xbf16, #tpu.memory_space<vmem_shared>> -> memref<128x128xbf16, #tpu.memory_space<vmem_shared>>
      %dma_start3A_160 = arith.constant 0 : i32
      %dma_start3A_161 = tpu.memref_slice %arg13[%add3A_23, %dma_start3A_160] : memref<10240x128xbf16, #tpu.memory_space<vmem_shared>> -> memref<128x128xbf16, #tpu.memory_space<vmem_shared>>
      tpu.enqueue_dma source(%arg12 : memref<128x128xbf16, #tpu.memory_space<vmem>>) target(%dma_start3A_161 : memref<128x128xbf16, #tpu.memory_space<vmem_shared>>) target_semaphore(%run_scoped3A : memref<!tpu.dma_semaphore, #tpu.memory_space<semaphore_mem>>)
      %dma_wait3A_162 = arith.constant 0 : i32
      %dma_wait3A_163 = tpu.memref_slice %arg13[%add3A_23, %dma_wait3A_162] : memref<10240x128xbf16, #tpu.memory_space<vmem_shared>> -> memref<128x128xbf16, #tpu.memory_space<vmem_shared>>
      %dma_wait3A_164 = arith.constant 0 : i32
      %dma_wait3A_165 = tpu.memref_slice %arg13[%add3A_23, %dma_wait3A_164] : memref<10240x128xbf16, #tpu.memory_space<vmem_shared>> -> memref<128x128xbf16, #tpu.memory_space<vmem_shared>>
      tpu.wait_dma2 semaphore(%run_scoped3A : memref<!tpu.dma_semaphore, #tpu.memory_space<semaphore_mem>>) src(%arg12 : memref<128x128xbf16, #tpu.memory_space<vmem>>) dst(%dma_wait3A_165 : memref<128x128xbf16, #tpu.memory_space<vmem_shared>>)
      tpu.yield
    }) : () -> ()
    %mul3A_24 = arith.constant 640 : i32
    %mul3A_25 = arith.muli %arg1, %mul3A_24 : i32
    %add3A_26 = arith.constant 256 : i32
    %add3A_27 = arith.addi %mul3A_25, %add3A_26 : i32
    "tpu.region"() ({
      %run_scoped3A = tpu.sem_alloc : memref<!tpu.dma_semaphore, #tpu.memory_space<semaphore_mem>>
      %dma_start3A_158 = arith.constant 0 : i32
      %dma_start3A_159 = tpu.memref_slice %arg13[%add3A_27, %dma_start3A_158] : memref<10240x128xbf16, #tpu.memory_space<vmem_shared>> -> memref<128x128xbf16, #tpu.memory_space<vmem_shared>>
      %dma_start3A_160 = arith.constant 0 : i32
      %dma_start3A_161 = tpu.memref_slice %arg13[%add3A_27, %dma_start3A_160] : memref<10240x128xbf16, #tpu.memory_space<vmem_shared>> -> memref<128x128xbf16, #tpu.memory_space<vmem_shared>>
      tpu.enqueue_dma source(%arg12 : memref<128x128xbf16, #tpu.memory_space<vmem>>) target(%dma_start3A_161 : memref<128x128xbf16, #tpu.memory_space<vmem_shared>>) target_semaphore(%run_scoped3A : memref<!tpu.dma_semaphore, #tpu.memory_space<semaphore_mem>>)
      %dma_wait3A_162 = arith.constant 0 : i32
      %dma_wait3A_163 = tpu.memref_slice %arg13[%add3A_27, %dma_wait3A_162] : memref<10240x128xbf16, #tpu.memory_space<vmem_shared>> -> memref<128x128xbf16, #tpu.memory_space<vmem_shared>>
      %dma_wait3A_164 = arith.constant 0 : i32
      %dma_wait3A_165 = tpu.memref_slice %arg13[%add3A_27, %dma_wait3A_164] : memref<10240x128xbf16, #tpu.memory_space<vmem_shared>> -> memref<128x128xbf16, #tpu.memory_space<vmem_shared>>
      tpu.wait_dma2 semaphore(%run_scoped3A : memref<!tpu.dma_semaphore, #tpu.memory_space<semaphore_mem>>) src(%arg12 : memref<128x128xbf16, #tpu.memory_space<vmem>>) dst(%dma_wait3A_165 : memref<128x128xbf16, #tpu.memory_space<vmem_shared>>)
      tpu.yield
    }) : () -> ()
    %mul3A_28 = arith.constant 640 : i32
    %mul3A_29 = arith.muli %arg1, %mul3A_28 : i32
    %add3A_30 = arith.constant 384 : i32
    %add3A_31 = arith.addi %mul3A_29, %add3A_30 : i32
    "tpu.region"() ({
      %run_scoped3A = tpu.sem_alloc : memref<!tpu.dma_semaphore, #tpu.memory_space<semaphore_mem>>
      %dma_start3A_158 = arith.constant 0 : i32
      %dma_start3A_159 = tpu.memref_slice %arg13[%add3A_31, %dma_start3A_158] : memref<10240x128xbf16, #tpu.memory_space<vmem_shared>> -> memref<128x128xbf16, #tpu.memory_space<vmem_shared>>
      %dma_start3A_160 = arith.constant 0 : i32
      %dma_start3A_161 = tpu.memref_slice %arg13[%add3A_31, %dma_start3A_160] : memref<10240x128xbf16, #tpu.memory_space<vmem_shared>> -> memref<128x128xbf16, #tpu.memory_space<vmem_shared>>
      tpu.enqueue_dma source(%arg12 : memref<128x128xbf16, #tpu.memory_space<vmem>>) target(%dma_start3A_161 : memref<128x128xbf16, #tpu.memory_space<vmem_shared>>) target_semaphore(%run_scoped3A : memref<!tpu.dma_semaphore, #tpu.memory_space<semaphore_mem>>)
      %dma_wait3A_162 = arith.constant 0 : i32
      %dma_wait3A_163 = tpu.memref_slice %arg13[%add3A_31, %dma_wait3A_162] : memref<10240x128xbf16, #tpu.memory_space<vmem_shared>> -> memref<128x128xbf16, #tpu.memory_space<vmem_shared>>
      %dma_wait3A_164 = arith.constant 0 : i32
      %dma_wait3A_165 = tpu.memref_slice %arg13[%add3A_31, %dma_wait3A_164] : memref<10240x128xbf16, #tpu.memory_space<vmem_shared>> -> memref<128x128xbf16, #tpu.memory_space<vmem_shared>>
      tpu.wait_dma2 semaphore(%run_scoped3A : memref<!tpu.dma_semaphore, #tpu.memory_space<semaphore_mem>>) src(%arg12 : memref<128x128xbf16, #tpu.memory_space<vmem>>) dst(%dma_wait3A_165 : memref<128x128xbf16, #tpu.memory_space<vmem_shared>>)
      tpu.yield
    }) : () -> ()
    %mul3A_32 = arith.constant 640 : i32
    %mul3A_33 = arith.muli %arg1, %mul3A_32 : i32
    %add3A_34 = arith.constant 512 : i32
    %add3A_35 = arith.addi %mul3A_33, %add3A_34 : i32
    "tpu.region"() ({
      %run_scoped3A = tpu.sem_alloc : memref<!tpu.dma_semaphore, #tpu.memory_space<semaphore_mem>>
      %dma_start3A_158 = arith.constant 0 : i32
      %dma_start3A_159 = tpu.memref_slice %arg13[%add3A_35, %dma_start3A_158] : memref<10240x128xbf16, #tpu.memory_space<vmem_shared>> -> memref<128x128xbf16, #tpu.memory_space<vmem_shared>>
      %dma_start3A_160 = arith.constant 0 : i32
      %dma_start3A_161 = tpu.memref_slice %arg13[%add3A_35, %dma_start3A_160] : memref<10240x128xbf16, #tpu.memory_space<vmem_shared>> -> memref<128x128xbf16, #tpu.memory_space<vmem_shared>>
      tpu.enqueue_dma source(%arg12 : memref<128x128xbf16, #tpu.memory_space<vmem>>) target(%dma_start3A_161 : memref<128x128xbf16, #tpu.memory_space<vmem_shared>>) target_semaphore(%run_scoped3A : memref<!tpu.dma_semaphore, #tpu.memory_space<semaphore_mem>>)
      %dma_wait3A_162 = arith.constant 0 : i32
      %dma_wait3A_163 = tpu.memref_slice %arg13[%add3A_35, %dma_wait3A_162] : memref<10240x128xbf16, #tpu.memory_space<vmem_shared>> -> memref<128x128xbf16, #tpu.memory_space<vmem_shared>>
      %dma_wait3A_164 = arith.constant 0 : i32
      %dma_wait3A_165 = tpu.memref_slice %arg13[%add3A_35, %dma_wait3A_164] : memref<10240x128xbf16, #tpu.memory_space<vmem_shared>> -> memref<128x128xbf16, #tpu.memory_space<vmem_shared>>
      tpu.wait_dma2 semaphore(%run_scoped3A : memref<!tpu.dma_semaphore, #tpu.memory_space<semaphore_mem>>) src(%arg12 : memref<128x128xbf16, #tpu.memory_space<vmem>>) dst(%dma_wait3A_165 : memref<128x128xbf16, #tpu.memory_space<vmem_shared>>)
      tpu.yield
    }) : () -> ()
    %barrier3A = arith.constant 0 : index
    tpu.barrier barrier_id(%barrier3A)
    %dma_start3A = arith.constant 0 : i32
    %dma_start3A_36 = arith.constant 0 : i32
    %dma_start3A_37 = tpu.memref_slice %arg6[%dma_start3A, %dma_start3A_36] : memref<160x128xi32, #tpu.memory_space<vmem>> -> memref<1x128xi32, #tpu.memory_space<vmem>>
    %dma_start3A_38 = tpu.memref_squeeze %dma_start3A_37 : memref<1x128xi32, #tpu.memory_space<vmem>> -> memref<128xi32, #tpu.memory_space<vmem>>
    %dma_start3A_39 = arith.constant 0 : i32
    %dma_start3A_40 = arith.constant 0 : i32
    %dma_start3A_41 = tpu.memref_slice %arg2[%dma_start3A_39, %dma_start3A_40] : memref<20480x128xbf16, #tpu.memory_space<hbm>> -> memref<20480x128xbf16, #tpu.memory_space<hbm>>
    tpu.enqueue_indirect_dma source(%dma_start3A_41 : memref<20480x128xbf16, #tpu.memory_space<hbm>>) target(%arg8 : memref<128x128xbf16, #tpu.memory_space<vmem>>) offsets(%dma_start3A_38 : memref<128xi32, #tpu.memory_space<vmem>>) semaphore(%arg14 : memref<!tpu.dma_semaphore, #tpu.memory_space<semaphore_mem>>)
    %dma_start3A_42 = arith.constant 1 : i32
    %dma_start3A_43 = arith.constant 0 : i32
    %dma_start3A_44 = tpu.memref_slice %arg6[%dma_start3A_42, %dma_start3A_43] : memref<160x128xi32, #tpu.memory_space<vmem>> -> memref<1x128xi32, #tpu.memory_space<vmem>>
    %dma_start3A_45 = tpu.memref_squeeze %dma_start3A_44 : memref<1x128xi32, #tpu.memory_space<vmem>> -> memref<128xi32, #tpu.memory_space<vmem>>
    %dma_start3A_46 = arith.constant 0 : i32
    %dma_start3A_47 = arith.constant 0 : i32
    %dma_start3A_48 = tpu.memref_slice %arg2[%dma_start3A_46, %dma_start3A_47] : memref<20480x128xbf16, #tpu.memory_space<hbm>> -> memref<20480x128xbf16, #tpu.memory_space<hbm>>
    tpu.enqueue_indirect_dma source(%dma_start3A_48 : memref<20480x128xbf16, #tpu.memory_space<hbm>>) target(%arg9 : memref<128x128xbf16, #tpu.memory_space<vmem>>) offsets(%dma_start3A_45 : memref<128xi32, #tpu.memory_space<vmem>>) semaphore(%arg15 : memref<!tpu.dma_semaphore, #tpu.memory_space<semaphore_mem>>)
    %dma_start3A_49 = arith.constant 2 : i32
    %dma_start3A_50 = arith.constant 0 : i32
    %dma_start3A_51 = tpu.memref_slice %arg6[%dma_start3A_49, %dma_start3A_50] : memref<160x128xi32, #tpu.memory_space<vmem>> -> memref<1x128xi32, #tpu.memory_space<vmem>>
    %dma_start3A_52 = tpu.memref_squeeze %dma_start3A_51 : memref<1x128xi32, #tpu.memory_space<vmem>> -> memref<128xi32, #tpu.memory_space<vmem>>
    %dma_start3A_53 = arith.constant 0 : i32
    %dma_start3A_54 = arith.constant 0 : i32
    %dma_start3A_55 = tpu.memref_slice %arg2[%dma_start3A_53, %dma_start3A_54] : memref<20480x128xbf16, #tpu.memory_space<hbm>> -> memref<20480x128xbf16, #tpu.memory_space<hbm>>
    tpu.enqueue_indirect_dma source(%dma_start3A_55 : memref<20480x128xbf16, #tpu.memory_space<hbm>>) target(%arg10 : memref<128x128xbf16, #tpu.memory_space<vmem>>) offsets(%dma_start3A_52 : memref<128xi32, #tpu.memory_space<vmem>>) semaphore(%arg16 : memref<!tpu.dma_semaphore, #tpu.memory_space<semaphore_mem>>)
    %dma_start3A_56 = arith.constant 3 : i32
    %dma_start3A_57 = arith.constant 0 : i32
    %dma_start3A_58 = tpu.memref_slice %arg6[%dma_start3A_56, %dma_start3A_57] : memref<160x128xi32, #tpu.memory_space<vmem>> -> memref<1x128xi32, #tpu.memory_space<vmem>>
    %dma_start3A_59 = tpu.memref_squeeze %dma_start3A_58 : memref<1x128xi32, #tpu.memory_space<vmem>> -> memref<128xi32, #tpu.memory_space<vmem>>
    %dma_start3A_60 = arith.constant 0 : i32
    %dma_start3A_61 = arith.constant 0 : i32
    %dma_start3A_62 = tpu.memref_slice %arg2[%dma_start3A_60, %dma_start3A_61] : memref<20480x128xbf16, #tpu.memory_space<hbm>> -> memref<20480x128xbf16, #tpu.memory_space<hbm>>
    tpu.enqueue_indirect_dma source(%dma_start3A_62 : memref<20480x128xbf16, #tpu.memory_space<hbm>>) target(%arg11 : memref<128x128xbf16, #tpu.memory_space<vmem>>) offsets(%dma_start3A_59 : memref<128xi32, #tpu.memory_space<vmem>>) semaphore(%arg17 : memref<!tpu.dma_semaphore, #tpu.memory_space<semaphore_mem>>)
    %scan3A_63 = arith.constant 0 : i32
    %scan3A_64 = arith.constant 0 : i32
    %scan3A_65 = arith.constant 39 : i32
    %scan3A_66 = arith.addi %scan3A_64, %scan3A_65 : i32
    %scan3A_67 = arith.constant 1 : i32
    %scan3A_68 = scf.for %scan3A_158 = %scan3A_64 to %scan3A_66 step %scan3A_67 iter_args(%scan3A_159 = %scan3A_63) -> (i32)  : i32 {
      %mul3A_160 = arith.constant 4 : i32
      %mul3A_161 = arith.muli %scan3A_158, %mul3A_160 : i32
      %add3A_162 = arith.constant 0 : i32
      %add3A_163 = arith.addi %mul3A_161, %add3A_162 : i32
      %dma_wait3A_164 = arith.constant 0 : i32
      %dma_wait3A_165 = tpu.memref_slice %arg6[%add3A_163, %dma_wait3A_164] : memref<160x128xi32, #tpu.memory_space<vmem>> -> memref<1x128xi32, #tpu.memory_space<vmem>>
      %dma_wait3A_166 = tpu.memref_squeeze %dma_wait3A_165 : memref<1x128xi32, #tpu.memory_space<vmem>> -> memref<128xi32, #tpu.memory_space<vmem>>
      %dma_wait3A_167 = arith.constant 0 : i32
      %dma_wait3A_168 = arith.constant 0 : i32
      %dma_wait3A_169 = tpu.memref_slice %arg2[%dma_wait3A_167, %dma_wait3A_168] : memref<20480x128xbf16, #tpu.memory_space<hbm>> -> memref<20480x128xbf16, #tpu.memory_space<hbm>>
      tpu.wait_indirect_dma semaphore(%arg14 : memref<!tpu.dma_semaphore, #tpu.memory_space<semaphore_mem>>) src(%dma_wait3A_169 : memref<20480x128xbf16, #tpu.memory_space<hbm>>) dst(%arg8 : memref<128x128xbf16, #tpu.memory_space<vmem>>)
      %dma_start3A_170 = arith.constant 0 : i32
      %dma_start3A_171 = tpu.memref_slice %arg7[%add3A_163, %dma_start3A_170] : memref<160x128xi32, #tpu.memory_space<vmem>> -> memref<1x128xi32, #tpu.memory_space<vmem>>
      %dma_start3A_172 = tpu.memref_squeeze %dma_start3A_171 : memref<1x128xi32, #tpu.memory_space<vmem>> -> memref<128xi32, #tpu.memory_space<vmem>>
      %dma_start3A_173 = arith.constant 0 : i32
      %dma_start3A_174 = arith.constant 0 : i32
      %dma_start3A_175 = tpu.memref_slice %arg13[%dma_start3A_173, %dma_start3A_174] : memref<10240x128xbf16, #tpu.memory_space<vmem_shared>> -> memref<10240x128xbf16, #tpu.memory_space<vmem_shared>>
      tpu.enqueue_indirect_dma source(%arg8 : memref<128x128xbf16, #tpu.memory_space<vmem>>) target(%dma_start3A_175 : memref<10240x128xbf16, #tpu.memory_space<vmem_shared>>) offsets(%dma_start3A_172 : memref<128xi32, #tpu.memory_space<vmem>>) semaphore(%arg18 : memref<!tpu.dma_semaphore, #tpu.memory_space<semaphore_mem>>) {add = true}
      %dma_wait3A_176 = arith.constant 0 : i32
      %dma_wait3A_177 = tpu.memref_slice %arg7[%add3A_163, %dma_wait3A_176] : memref<160x128xi32, #tpu.memory_space<vmem>> -> memref<1x128xi32, #tpu.memory_space<vmem>>
      %dma_wait3A_178 = tpu.memref_squeeze %dma_wait3A_177 : memref<1x128xi32, #tpu.memory_space<vmem>> -> memref<128xi32, #tpu.memory_space<vmem>>
      %dma_wait3A_179 = arith.constant 0 : i32
      %dma_wait3A_180 = arith.constant 0 : i32
      %dma_wait3A_181 = tpu.memref_slice %arg13[%dma_wait3A_179, %dma_wait3A_180] : memref<10240x128xbf16, #tpu.memory_space<vmem_shared>> -> memref<10240x128xbf16, #tpu.memory_space<vmem_shared>>
      tpu.wait_indirect_dma semaphore(%arg18 : memref<!tpu.dma_semaphore, #tpu.memory_space<semaphore_mem>>) src(%arg8 : memref<128x128xbf16, #tpu.memory_space<vmem>>) dst(%dma_wait3A_181 : memref<10240x128xbf16, #tpu.memory_space<vmem_shared>>)
      %add3A_182 = arith.constant 4 : i32
      %add3A_183 = arith.addi %add3A_163, %add3A_182 : i32
      %dma_start3A_184 = arith.constant 0 : i32
      %dma_start3A_185 = tpu.memref_slice %arg6[%add3A_183, %dma_start3A_184] : memref<160x128xi32, #tpu.memory_space<vmem>> -> memref<1x128xi32, #tpu.memory_space<vmem>>
      %dma_start3A_186 = tpu.memref_squeeze %dma_start3A_185 : memref<1x128xi32, #tpu.memory_space<vmem>> -> memref<128xi32, #tpu.memory_space<vmem>>
      %dma_start3A_187 = arith.constant 0 : i32
      %dma_start3A_188 = arith.constant 0 : i32
      %dma_start3A_189 = tpu.memref_slice %arg2[%dma_start3A_187, %dma_start3A_188] : memref<20480x128xbf16, #tpu.memory_space<hbm>> -> memref<20480x128xbf16, #tpu.memory_space<hbm>>
      tpu.enqueue_indirect_dma source(%dma_start3A_189 : memref<20480x128xbf16, #tpu.memory_space<hbm>>) target(%arg8 : memref<128x128xbf16, #tpu.memory_space<vmem>>) offsets(%dma_start3A_186 : memref<128xi32, #tpu.memory_space<vmem>>) semaphore(%arg14 : memref<!tpu.dma_semaphore, #tpu.memory_space<semaphore_mem>>)
      %mul3A_190 = arith.constant 4 : i32
      %mul3A_191 = arith.muli %scan3A_158, %mul3A_190 : i32
      %add3A_192 = arith.constant 1 : i32
      %add3A_193 = arith.addi %mul3A_191, %add3A_192 : i32
      %dma_wait3A_194 = arith.constant 0 : i32
      %dma_wait3A_195 = tpu.memref_slice %arg6[%add3A_193, %dma_wait3A_194] : memref<160x128xi32, #tpu.memory_space<vmem>> -> memref<1x128xi32, #tpu.memory_space<vmem>>
      %dma_wait3A_196 = tpu.memref_squeeze %dma_wait3A_195 : memref<1x128xi32, #tpu.memory_space<vmem>> -> memref<128xi32, #tpu.memory_space<vmem>>
      %dma_wait3A_197 = arith.constant 0 : i32
      %dma_wait3A_198 = arith.constant 0 : i32
      %dma_wait3A_199 = tpu.memref_slice %arg2[%dma_wait3A_197, %dma_wait3A_198] : memref<20480x128xbf16, #tpu.memory_space<hbm>> -> memref<20480x128xbf16, #tpu.memory_space<hbm>>
      tpu.wait_indirect_dma semaphore(%arg15 : memref<!tpu.dma_semaphore, #tpu.memory_space<semaphore_mem>>) src(%dma_wait3A_199 : memref<20480x128xbf16, #tpu.memory_space<hbm>>) dst(%arg9 : memref<128x128xbf16, #tpu.memory_space<vmem>>)
      %dma_start3A_200 = arith.constant 0 : i32
      %dma_start3A_201 = tpu.memref_slice %arg7[%add3A_193, %dma_start3A_200] : memref<160x128xi32, #tpu.memory_space<vmem>> -> memref<1x128xi32, #tpu.memory_space<vmem>>
      %dma_start3A_202 = tpu.memref_squeeze %dma_start3A_201 : memref<1x128xi32, #tpu.memory_space<vmem>> -> memref<128xi32, #tpu.memory_space<vmem>>
      %dma_start3A_203 = arith.constant 0 : i32
      %dma_start3A_204 = arith.constant 0 : i32
      %dma_start3A_205 = tpu.memref_slice %arg13[%dma_start3A_203, %dma_start3A_204] : memref<10240x128xbf16, #tpu.memory_space<vmem_shared>> -> memref<10240x128xbf16, #tpu.memory_space<vmem_shared>>
      tpu.enqueue_indirect_dma source(%arg9 : memref<128x128xbf16, #tpu.memory_space<vmem>>) target(%dma_start3A_205 : memref<10240x128xbf16, #tpu.memory_space<vmem_shared>>) offsets(%dma_start3A_202 : memref<128xi32, #tpu.memory_space<vmem>>) semaphore(%arg19 : memref<!tpu.dma_semaphore, #tpu.memory_space<semaphore_mem>>) {add = true}
      %dma_wait3A_206 = arith.constant 0 : i32
      %dma_wait3A_207 = tpu.memref_slice %arg7[%add3A_193, %dma_wait3A_206] : memref<160x128xi32, #tpu.memory_space<vmem>> -> memref<1x128xi32, #tpu.memory_space<vmem>>
      %dma_wait3A_208 = tpu.memref_squeeze %dma_wait3A_207 : memref<1x128xi32, #tpu.memory_space<vmem>> -> memref<128xi32, #tpu.memory_space<vmem>>
      %dma_wait3A_209 = arith.constant 0 : i32
      %dma_wait3A_210 = arith.constant 0 : i32
      %dma_wait3A_211 = tpu.memref_slice %arg13[%dma_wait3A_209, %dma_wait3A_210] : memref<10240x128xbf16, #tpu.memory_space<vmem_shared>> -> memref<10240x128xbf16, #tpu.memory_space<vmem_shared>>
      tpu.wait_indirect_dma semaphore(%arg19 : memref<!tpu.dma_semaphore, #tpu.memory_space<semaphore_mem>>) src(%arg9 : memref<128x128xbf16, #tpu.memory_space<vmem>>) dst(%dma_wait3A_211 : memref<10240x128xbf16, #tpu.memory_space<vmem_shared>>)
      %add3A_212 = arith.constant 4 : i32
      %add3A_213 = arith.addi %add3A_193, %add3A_212 : i32
      %dma_start3A_214 = arith.constant 0 : i32
      %dma_start3A_215 = tpu.memref_slice %arg6[%add3A_213, %dma_start3A_214] : memref<160x128xi32, #tpu.memory_space<vmem>> -> memref<1x128xi32, #tpu.memory_space<vmem>>
      %dma_start3A_216 = tpu.memref_squeeze %dma_start3A_215 : memref<1x128xi32, #tpu.memory_space<vmem>> -> memref<128xi32, #tpu.memory_space<vmem>>
      %dma_start3A_217 = arith.constant 0 : i32
      %dma_start3A_218 = arith.constant 0 : i32
      %dma_start3A_219 = tpu.memref_slice %arg2[%dma_start3A_217, %dma_start3A_218] : memref<20480x128xbf16, #tpu.memory_space<hbm>> -> memref<20480x128xbf16, #tpu.memory_space<hbm>>
      tpu.enqueue_indirect_dma source(%dma_start3A_219 : memref<20480x128xbf16, #tpu.memory_space<hbm>>) target(%arg9 : memref<128x128xbf16, #tpu.memory_space<vmem>>) offsets(%dma_start3A_216 : memref<128xi32, #tpu.memory_space<vmem>>) semaphore(%arg15 : memref<!tpu.dma_semaphore, #tpu.memory_space<semaphore_mem>>)
      %mul3A_220 = arith.constant 4 : i32
      %mul3A_221 = arith.muli %scan3A_158, %mul3A_220 : i32
      %add3A_222 = arith.constant 2 : i32
      %add3A_223 = arith.addi %mul3A_221, %add3A_222 : i32
      %dma_wait3A_224 = arith.constant 0 : i32
      %dma_wait3A_225 = tpu.memref_slice %arg6[%add3A_223, %dma_wait3A_224] : memref<160x128xi32, #tpu.memory_space<vmem>> -> memref<1x128xi32, #tpu.memory_space<vmem>>
      %dma_wait3A_226 = tpu.memref_squeeze %dma_wait3A_225 : memref<1x128xi32, #tpu.memory_space<vmem>> -> memref<128xi32, #tpu.memory_space<vmem>>
      %dma_wait3A_227 = arith.constant 0 : i32
      %dma_wait3A_228 = arith.constant 0 : i32
      %dma_wait3A_229 = tpu.memref_slice %arg2[%dma_wait3A_227, %dma_wait3A_228] : memref<20480x128xbf16, #tpu.memory_space<hbm>> -> memref<20480x128xbf16, #tpu.memory_space<hbm>>
      tpu.wait_indirect_dma semaphore(%arg16 : memref<!tpu.dma_semaphore, #tpu.memory_space<semaphore_mem>>) src(%dma_wait3A_229 : memref<20480x128xbf16, #tpu.memory_space<hbm>>) dst(%arg10 : memref<128x128xbf16, #tpu.memory_space<vmem>>)
      %dma_start3A_230 = arith.constant 0 : i32
      %dma_start3A_231 = tpu.memref_slice %arg7[%add3A_223, %dma_start3A_230] : memref<160x128xi32, #tpu.memory_space<vmem>> -> memref<1x128xi32, #tpu.memory_space<vmem>>
      %dma_start3A_232 = tpu.memref_squeeze %dma_start3A_231 : memref<1x128xi32, #tpu.memory_space<vmem>> -> memref<128xi32, #tpu.memory_space<vmem>>
      %dma_start3A_233 = arith.constant 0 : i32
      %dma_start3A_234 = arith.constant 0 : i32
      %dma_start3A_235 = tpu.memref_slice %arg13[%dma_start3A_233, %dma_start3A_234] : memref<10240x128xbf16, #tpu.memory_space<vmem_shared>> -> memref<10240x128xbf16, #tpu.memory_space<vmem_shared>>
      tpu.enqueue_indirect_dma source(%arg10 : memref<128x128xbf16, #tpu.memory_space<vmem>>) target(%dma_start3A_235 : memref<10240x128xbf16, #tpu.memory_space<vmem_shared>>) offsets(%dma_start3A_232 : memref<128xi32, #tpu.memory_space<vmem>>) semaphore(%arg20 : memref<!tpu.dma_semaphore, #tpu.memory_space<semaphore_mem>>) {add = true}
      %dma_wait3A_236 = arith.constant 0 : i32
      %dma_wait3A_237 = tpu.memref_slice %arg7[%add3A_223, %dma_wait3A_236] : memref<160x128xi32, #tpu.memory_space<vmem>> -> memref<1x128xi32, #tpu.memory_space<vmem>>
      %dma_wait3A_238 = tpu.memref_squeeze %dma_wait3A_237 : memref<1x128xi32, #tpu.memory_space<vmem>> -> memref<128xi32, #tpu.memory_space<vmem>>
      %dma_wait3A_239 = arith.constant 0 : i32
      %dma_wait3A_240 = arith.constant 0 : i32
      %dma_wait3A_241 = tpu.memref_slice %arg13[%dma_wait3A_239, %dma_wait3A_240] : memref<10240x128xbf16, #tpu.memory_space<vmem_shared>> -> memref<10240x128xbf16, #tpu.memory_space<vmem_shared>>
      tpu.wait_indirect_dma semaphore(%arg20 : memref<!tpu.dma_semaphore, #tpu.memory_space<semaphore_mem>>) src(%arg10 : memref<128x128xbf16, #tpu.memory_space<vmem>>) dst(%dma_wait3A_241 : memref<10240x128xbf16, #tpu.memory_space<vmem_shared>>)
      %add3A_242 = arith.constant 4 : i32
      %add3A_243 = arith.addi %add3A_223, %add3A_242 : i32
      %dma_start3A_244 = arith.constant 0 : i32
      %dma_start3A_245 = tpu.memref_slice %arg6[%add3A_243, %dma_start3A_244] : memref<160x128xi32, #tpu.memory_space<vmem>> -> memref<1x128xi32, #tpu.memory_space<vmem>>
      %dma_start3A_246 = tpu.memref_squeeze %dma_start3A_245 : memref<1x128xi32, #tpu.memory_space<vmem>> -> memref<128xi32, #tpu.memory_space<vmem>>
      %dma_start3A_247 = arith.constant 0 : i32
      %dma_start3A_248 = arith.constant 0 : i32
      %dma_start3A_249 = tpu.memref_slice %arg2[%dma_start3A_247, %dma_start3A_248] : memref<20480x128xbf16, #tpu.memory_space<hbm>> -> memref<20480x128xbf16, #tpu.memory_space<hbm>>
      tpu.enqueue_indirect_dma source(%dma_start3A_249 : memref<20480x128xbf16, #tpu.memory_space<hbm>>) target(%arg10 : memref<128x128xbf16, #tpu.memory_space<vmem>>) offsets(%dma_start3A_246 : memref<128xi32, #tpu.memory_space<vmem>>) semaphore(%arg16 : memref<!tpu.dma_semaphore, #tpu.memory_space<semaphore_mem>>)
      %mul3A_250 = arith.constant 4 : i32
      %mul3A_251 = arith.muli %scan3A_158, %mul3A_250 : i32
      %add3A_252 = arith.constant 3 : i32
      %add3A_253 = arith.addi %mul3A_251, %add3A_252 : i32
      %dma_wait3A_254 = arith.constant 0 : i32
      %dma_wait3A_255 = tpu.memref_slice %arg6[%add3A_253, %dma_wait3A_254] : memref<160x128xi32, #tpu.memory_space<vmem>> -> memref<1x128xi32, #tpu.memory_space<vmem>>
      %dma_wait3A_256 = tpu.memref_squeeze %dma_wait3A_255 : memref<1x128xi32, #tpu.memory_space<vmem>> -> memref<128xi32, #tpu.memory_space<vmem>>
      %dma_wait3A_257 = arith.constant 0 : i32
      %dma_wait3A_258 = arith.constant 0 : i32
      %dma_wait3A_259 = tpu.memref_slice %arg2[%dma_wait3A_257, %dma_wait3A_258] : memref<20480x128xbf16, #tpu.memory_space<hbm>> -> memref<20480x128xbf16, #tpu.memory_space<hbm>>
      tpu.wait_indirect_dma semaphore(%arg17 : memref<!tpu.dma_semaphore, #tpu.memory_space<semaphore_mem>>) src(%dma_wait3A_259 : memref<20480x128xbf16, #tpu.memory_space<hbm>>) dst(%arg11 : memref<128x128xbf16, #tpu.memory_space<vmem>>)
      %dma_start3A_260 = arith.constant 0 : i32
      %dma_start3A_261 = tpu.memref_slice %arg7[%add3A_253, %dma_start3A_260] : memref<160x128xi32, #tpu.memory_space<vmem>> -> memref<1x128xi32, #tpu.memory_space<vmem>>
      %dma_start3A_262 = tpu.memref_squeeze %dma_start3A_261 : memref<1x128xi32, #tpu.memory_space<vmem>> -> memref<128xi32, #tpu.memory_space<vmem>>
      %dma_start3A_263 = arith.constant 0 : i32
      %dma_start3A_264 = arith.constant 0 : i32
      %dma_start3A_265 = tpu.memref_slice %arg13[%dma_start3A_263, %dma_start3A_264] : memref<10240x128xbf16, #tpu.memory_space<vmem_shared>> -> memref<10240x128xbf16, #tpu.memory_space<vmem_shared>>
      tpu.enqueue_indirect_dma source(%arg11 : memref<128x128xbf16, #tpu.memory_space<vmem>>) target(%dma_start3A_265 : memref<10240x128xbf16, #tpu.memory_space<vmem_shared>>) offsets(%dma_start3A_262 : memref<128xi32, #tpu.memory_space<vmem>>) semaphore(%arg21 : memref<!tpu.dma_semaphore, #tpu.memory_space<semaphore_mem>>) {add = true}
      %dma_wait3A_266 = arith.constant 0 : i32
      %dma_wait3A_267 = tpu.memref_slice %arg7[%add3A_253, %dma_wait3A_266] : memref<160x128xi32, #tpu.memory_space<vmem>> -> memref<1x128xi32, #tpu.memory_space<vmem>>
      %dma_wait3A_268 = tpu.memref_squeeze %dma_wait3A_267 : memref<1x128xi32, #tpu.memory_space<vmem>> -> memref<128xi32, #tpu.memory_space<vmem>>
      %dma_wait3A_269 = arith.constant 0 : i32
      %dma_wait3A_270 = arith.constant 0 : i32
      %dma_wait3A_271 = tpu.memref_slice %arg13[%dma_wait3A_269, %dma_wait3A_270] : memref<10240x128xbf16, #tpu.memory_space<vmem_shared>> -> memref<10240x128xbf16, #tpu.memory_space<vmem_shared>>
      tpu.wait_indirect_dma semaphore(%arg21 : memref<!tpu.dma_semaphore, #tpu.memory_space<semaphore_mem>>) src(%arg11 : memref<128x128xbf16, #tpu.memory_space<vmem>>) dst(%dma_wait3A_271 : memref<10240x128xbf16, #tpu.memory_space<vmem_shared>>)
      %add3A_272 = arith.constant 4 : i32
      %add3A_273 = arith.addi %add3A_253, %add3A_272 : i32
      %dma_start3A_274 = arith.constant 0 : i32
      %dma_start3A_275 = tpu.memref_slice %arg6[%add3A_273, %dma_start3A_274] : memref<160x128xi32, #tpu.memory_space<vmem>> -> memref<1x128xi32, #tpu.memory_space<vmem>>
      %dma_start3A_276 = tpu.memref_squeeze %dma_start3A_275 : memref<1x128xi32, #tpu.memory_space<vmem>> -> memref<128xi32, #tpu.memory_space<vmem>>
      %dma_start3A_277 = arith.constant 0 : i32
      %dma_start3A_278 = arith.constant 0 : i32
      %dma_start3A_279 = tpu.memref_slice %arg2[%dma_start3A_277, %dma_start3A_278] : memref<20480x128xbf16, #tpu.memory_space<hbm>> -> memref<20480x128xbf16, #tpu.memory_space<hbm>>
      tpu.enqueue_indirect_dma source(%dma_start3A_279 : memref<20480x128xbf16, #tpu.memory_space<hbm>>) target(%arg11 : memref<128x128xbf16, #tpu.memory_space<vmem>>) offsets(%dma_start3A_276 : memref<128xi32, #tpu.memory_space<vmem>>) semaphore(%arg17 : memref<!tpu.dma_semaphore, #tpu.memory_space<semaphore_mem>>)
      %scan3A_280 = arith.constant 0 : i32
      scf.yield %scan3A_280 : i32
    }
    %scan3A_69 = arith.constant 39 : i32
    %dma_wait3A = arith.constant 156 : i32
    %dma_wait3A_70 = arith.constant 0 : i32
    %dma_wait3A_71 = tpu.memref_slice %arg6[%dma_wait3A, %dma_wait3A_70] : memref<160x128xi32, #tpu.memory_space<vmem>> -> memref<1x128xi32, #tpu.memory_space<vmem>>
    %dma_wait3A_72 = tpu.memref_squeeze %dma_wait3A_71 : memref<1x128xi32, #tpu.memory_space<vmem>> -> memref<128xi32, #tpu.memory_space<vmem>>
    %dma_wait3A_73 = arith.constant 0 : i32
    %dma_wait3A_74 = arith.constant 0 : i32
    %dma_wait3A_75 = tpu.memref_slice %arg2[%dma_wait3A_73, %dma_wait3A_74] : memref<20480x128xbf16, #tpu.memory_space<hbm>> -> memref<20480x128xbf16, #tpu.memory_space<hbm>>
    tpu.wait_indirect_dma semaphore(%arg14 : memref<!tpu.dma_semaphore, #tpu.memory_space<semaphore_mem>>) src(%dma_wait3A_75 : memref<20480x128xbf16, #tpu.memory_space<hbm>>) dst(%arg8 : memref<128x128xbf16, #tpu.memory_space<vmem>>)
    %dma_start3A_76 = arith.constant 156 : i32
    %dma_start3A_77 = arith.constant 0 : i32
    %dma_start3A_78 = tpu.memref_slice %arg7[%dma_start3A_76, %dma_start3A_77] : memref<160x128xi32, #tpu.memory_space<vmem>> -> memref<1x128xi32, #tpu.memory_space<vmem>>
    %dma_start3A_79 = tpu.memref_squeeze %dma_start3A_78 : memref<1x128xi32, #tpu.memory_space<vmem>> -> memref<128xi32, #tpu.memory_space<vmem>>
    %dma_start3A_80 = arith.constant 0 : i32
    %dma_start3A_81 = arith.constant 0 : i32
    %dma_start3A_82 = tpu.memref_slice %arg13[%dma_start3A_80, %dma_start3A_81] : memref<10240x128xbf16, #tpu.memory_space<vmem_shared>> -> memref<10240x128xbf16, #tpu.memory_space<vmem_shared>>
    tpu.enqueue_indirect_dma source(%arg8 : memref<128x128xbf16, #tpu.memory_space<vmem>>) target(%dma_start3A_82 : memref<10240x128xbf16, #tpu.memory_space<vmem_shared>>) offsets(%dma_start3A_79 : memref<128xi32, #tpu.memory_space<vmem>>) semaphore(%arg18 : memref<!tpu.dma_semaphore, #tpu.memory_space<semaphore_mem>>) {add = true}
    %dma_wait3A_83 = arith.constant 156 : i32
    %dma_wait3A_84 = arith.constant 0 : i32
    %dma_wait3A_85 = tpu.memref_slice %arg7[%dma_wait3A_83, %dma_wait3A_84] : memref<160x128xi32, #tpu.memory_space<vmem>> -> memref<1x128xi32, #tpu.memory_space<vmem>>
    %dma_wait3A_86 = tpu.memref_squeeze %dma_wait3A_85 : memref<1x128xi32, #tpu.memory_space<vmem>> -> memref<128xi32, #tpu.memory_space<vmem>>
    %dma_wait3A_87 = arith.constant 0 : i32
    %dma_wait3A_88 = arith.constant 0 : i32
    %dma_wait3A_89 = tpu.memref_slice %arg13[%dma_wait3A_87, %dma_wait3A_88] : memref<10240x128xbf16, #tpu.memory_space<vmem_shared>> -> memref<10240x128xbf16, #tpu.memory_space<vmem_shared>>
    tpu.wait_indirect_dma semaphore(%arg18 : memref<!tpu.dma_semaphore, #tpu.memory_space<semaphore_mem>>) src(%arg8 : memref<128x128xbf16, #tpu.memory_space<vmem>>) dst(%dma_wait3A_89 : memref<10240x128xbf16, #tpu.memory_space<vmem_shared>>)
    %dma_wait3A_90 = arith.constant 157 : i32
    %dma_wait3A_91 = arith.constant 0 : i32
    %dma_wait3A_92 = tpu.memref_slice %arg6[%dma_wait3A_90, %dma_wait3A_91] : memref<160x128xi32, #tpu.memory_space<vmem>> -> memref<1x128xi32, #tpu.memory_space<vmem>>
    %dma_wait3A_93 = tpu.memref_squeeze %dma_wait3A_92 : memref<1x128xi32, #tpu.memory_space<vmem>> -> memref<128xi32, #tpu.memory_space<vmem>>
    %dma_wait3A_94 = arith.constant 0 : i32
    %dma_wait3A_95 = arith.constant 0 : i32
    %dma_wait3A_96 = tpu.memref_slice %arg2[%dma_wait3A_94, %dma_wait3A_95] : memref<20480x128xbf16, #tpu.memory_space<hbm>> -> memref<20480x128xbf16, #tpu.memory_space<hbm>>
    tpu.wait_indirect_dma semaphore(%arg15 : memref<!tpu.dma_semaphore, #tpu.memory_space<semaphore_mem>>) src(%dma_wait3A_96 : memref<20480x128xbf16, #tpu.memory_space<hbm>>) dst(%arg9 : memref<128x128xbf16, #tpu.memory_space<vmem>>)
    %dma_start3A_97 = arith.constant 157 : i32
    %dma_start3A_98 = arith.constant 0 : i32
    %dma_start3A_99 = tpu.memref_slice %arg7[%dma_start3A_97, %dma_start3A_98] : memref<160x128xi32, #tpu.memory_space<vmem>> -> memref<1x128xi32, #tpu.memory_space<vmem>>
    %dma_start3A_100 = tpu.memref_squeeze %dma_start3A_99 : memref<1x128xi32, #tpu.memory_space<vmem>> -> memref<128xi32, #tpu.memory_space<vmem>>
    %dma_start3A_101 = arith.constant 0 : i32
    %dma_start3A_102 = arith.constant 0 : i32
    %dma_start3A_103 = tpu.memref_slice %arg13[%dma_start3A_101, %dma_start3A_102] : memref<10240x128xbf16, #tpu.memory_space<vmem_shared>> -> memref<10240x128xbf16, #tpu.memory_space<vmem_shared>>
    tpu.enqueue_indirect_dma source(%arg9 : memref<128x128xbf16, #tpu.memory_space<vmem>>) target(%dma_start3A_103 : memref<10240x128xbf16, #tpu.memory_space<vmem_shared>>) offsets(%dma_start3A_100 : memref<128xi32, #tpu.memory_space<vmem>>) semaphore(%arg19 : memref<!tpu.dma_semaphore, #tpu.memory_space<semaphore_mem>>) {add = true}
    %dma_wait3A_104 = arith.constant 157 : i32
    %dma_wait3A_105 = arith.constant 0 : i32
    %dma_wait3A_106 = tpu.memref_slice %arg7[%dma_wait3A_104, %dma_wait3A_105] : memref<160x128xi32, #tpu.memory_space<vmem>> -> memref<1x128xi32, #tpu.memory_space<vmem>>
    %dma_wait3A_107 = tpu.memref_squeeze %dma_wait3A_106 : memref<1x128xi32, #tpu.memory_space<vmem>> -> memref<128xi32, #tpu.memory_space<vmem>>
    %dma_wait3A_108 = arith.constant 0 : i32
    %dma_wait3A_109 = arith.constant 0 : i32
    %dma_wait3A_110 = tpu.memref_slice %arg13[%dma_wait3A_108, %dma_wait3A_109] : memref<10240x128xbf16, #tpu.memory_space<vmem_shared>> -> memref<10240x128xbf16, #tpu.memory_space<vmem_shared>>
    tpu.wait_indirect_dma semaphore(%arg19 : memref<!tpu.dma_semaphore, #tpu.memory_space<semaphore_mem>>) src(%arg9 : memref<128x128xbf16, #tpu.memory_space<vmem>>) dst(%dma_wait3A_110 : memref<10240x128xbf16, #tpu.memory_space<vmem_shared>>)
    %dma_wait3A_111 = arith.constant 158 : i32
    %dma_wait3A_112 = arith.constant 0 : i32
    %dma_wait3A_113 = tpu.memref_slice %arg6[%dma_wait3A_111, %dma_wait3A_112] : memref<160x128xi32, #tpu.memory_space<vmem>> -> memref<1x128xi32, #tpu.memory_space<vmem>>
    %dma_wait3A_114 = tpu.memref_squeeze %dma_wait3A_113 : memref<1x128xi32, #tpu.memory_space<vmem>> -> memref<128xi32, #tpu.memory_space<vmem>>
    %dma_wait3A_115 = arith.constant 0 : i32
    %dma_wait3A_116 = arith.constant 0 : i32
    %dma_wait3A_117 = tpu.memref_slice %arg2[%dma_wait3A_115, %dma_wait3A_116] : memref<20480x128xbf16, #tpu.memory_space<hbm>> -> memref<20480x128xbf16, #tpu.memory_space<hbm>>
    tpu.wait_indirect_dma semaphore(%arg16 : memref<!tpu.dma_semaphore, #tpu.memory_space<semaphore_mem>>) src(%dma_wait3A_117 : memref<20480x128xbf16, #tpu.memory_space<hbm>>) dst(%arg10 : memref<128x128xbf16, #tpu.memory_space<vmem>>)
    %dma_start3A_118 = arith.constant 158 : i32
    %dma_start3A_119 = arith.constant 0 : i32
    %dma_start3A_120 = tpu.memref_slice %arg7[%dma_start3A_118, %dma_start3A_119] : memref<160x128xi32, #tpu.memory_space<vmem>> -> memref<1x128xi32, #tpu.memory_space<vmem>>
    %dma_start3A_121 = tpu.memref_squeeze %dma_start3A_120 : memref<1x128xi32, #tpu.memory_space<vmem>> -> memref<128xi32, #tpu.memory_space<vmem>>
    %dma_start3A_122 = arith.constant 0 : i32
    %dma_start3A_123 = arith.constant 0 : i32
    %dma_start3A_124 = tpu.memref_slice %arg13[%dma_start3A_122, %dma_start3A_123] : memref<10240x128xbf16, #tpu.memory_space<vmem_shared>> -> memref<10240x128xbf16, #tpu.memory_space<vmem_shared>>
    tpu.enqueue_indirect_dma source(%arg10 : memref<128x128xbf16, #tpu.memory_space<vmem>>) target(%dma_start3A_124 : memref<10240x128xbf16, #tpu.memory_space<vmem_shared>>) offsets(%dma_start3A_121 : memref<128xi32, #tpu.memory_space<vmem>>) semaphore(%arg20 : memref<!tpu.dma_semaphore, #tpu.memory_space<semaphore_mem>>) {add = true}
    %dma_wait3A_125 = arith.constant 158 : i32
    %dma_wait3A_126 = arith.constant 0 : i32
    %dma_wait3A_127 = tpu.memref_slice %arg7[%dma_wait3A_125, %dma_wait3A_126] : memref<160x128xi32, #tpu.memory_space<vmem>> -> memref<1x128xi32, #tpu.memory_space<vmem>>
    %dma_wait3A_128 = tpu.memref_squeeze %dma_wait3A_127 : memref<1x128xi32, #tpu.memory_space<vmem>> -> memref<128xi32, #tpu.memory_space<vmem>>
    %dma_wait3A_129 = arith.constant 0 : i32
    %dma_wait3A_130 = arith.constant 0 : i32
    %dma_wait3A_131 = tpu.memref_slice %arg13[%dma_wait3A_129, %dma_wait3A_130] : memref<10240x128xbf16, #tpu.memory_space<vmem_shared>> -> memref<10240x128xbf16, #tpu.memory_space<vmem_shared>>
    tpu.wait_indirect_dma semaphore(%arg20 : memref<!tpu.dma_semaphore, #tpu.memory_space<semaphore_mem>>) src(%arg10 : memref<128x128xbf16, #tpu.memory_space<vmem>>) dst(%dma_wait3A_131 : memref<10240x128xbf16, #tpu.memory_space<vmem_shared>>)
    %dma_wait3A_132 = arith.constant 159 : i32
    %dma_wait3A_133 = arith.constant 0 : i32
    %dma_wait3A_134 = tpu.memref_slice %arg6[%dma_wait3A_132, %dma_wait3A_133] : memref<160x128xi32, #tpu.memory_space<vmem>> -> memref<1x128xi32, #tpu.memory_space<vmem>>
    %dma_wait3A_135 = tpu.memref_squeeze %dma_wait3A_134 : memref<1x128xi32, #tpu.memory_space<vmem>> -> memref<128xi32, #tpu.memory_space<vmem>>
    %dma_wait3A_136 = arith.constant 0 : i32
    %dma_wait3A_137 = arith.constant 0 : i32
    %dma_wait3A_138 = tpu.memref_slice %arg2[%dma_wait3A_136, %dma_wait3A_137] : memref<20480x128xbf16, #tpu.memory_space<hbm>> -> memref<20480x128xbf16, #tpu.memory_space<hbm>>
    tpu.wait_indirect_dma semaphore(%arg17 : memref<!tpu.dma_semaphore, #tpu.memory_space<semaphore_mem>>) src(%dma_wait3A_138 : memref<20480x128xbf16, #tpu.memory_space<hbm>>) dst(%arg11 : memref<128x128xbf16, #tpu.memory_space<vmem>>)
    %dma_start3A_139 = arith.constant 159 : i32
    %dma_start3A_140 = arith.constant 0 : i32
    %dma_start3A_141 = tpu.memref_slice %arg7[%dma_start3A_139, %dma_start3A_140] : memref<160x128xi32, #tpu.memory_space<vmem>> -> memref<1x128xi32, #tpu.memory_space<vmem>>
    %dma_start3A_142 = tpu.memref_squeeze %dma_start3A_141 : memref<1x128xi32, #tpu.memory_space<vmem>> -> memref<128xi32, #tpu.memory_space<vmem>>
    %dma_start3A_143 = arith.constant 0 : i32
    %dma_start3A_144 = arith.constant 0 : i32
    %dma_start3A_145 = tpu.memref_slice %arg13[%dma_start3A_143, %dma_start3A_144] : memref<10240x128xbf16, #tpu.memory_space<vmem_shared>> -> memref<10240x128xbf16, #tpu.memory_space<vmem_shared>>
    tpu.enqueue_indirect_dma source(%arg11 : memref<128x128xbf16, #tpu.memory_space<vmem>>) target(%dma_start3A_145 : memref<10240x128xbf16, #tpu.memory_space<vmem_shared>>) offsets(%dma_start3A_142 : memref<128xi32, #tpu.memory_space<vmem>>) semaphore(%arg21 : memref<!tpu.dma_semaphore, #tpu.memory_space<semaphore_mem>>) {add = true}
    %dma_wait3A_146 = arith.constant 159 : i32
    %dma_wait3A_147 = arith.constant 0 : i32
    %dma_wait3A_148 = tpu.memref_slice %arg7[%dma_wait3A_146, %dma_wait3A_147] : memref<160x128xi32, #tpu.memory_space<vmem>> -> memref<1x128xi32, #tpu.memory_space<vmem>>
    %dma_wait3A_149 = tpu.memref_squeeze %dma_wait3A_148 : memref<1x128xi32, #tpu.memory_space<vmem>> -> memref<128xi32, #tpu.memory_space<vmem>>
    %dma_wait3A_150 = arith.constant 0 : i32
    %dma_wait3A_151 = arith.constant 0 : i32
    %dma_wait3A_152 = tpu.memref_slice %arg13[%dma_wait3A_150, %dma_wait3A_151] : memref<10240x128xbf16, #tpu.memory_space<vmem_shared>> -> memref<10240x128xbf16, #tpu.memory_space<vmem_shared>>
    tpu.wait_indirect_dma semaphore(%arg21 : memref<!tpu.dma_semaphore, #tpu.memory_space<semaphore_mem>>) src(%arg11 : memref<128x128xbf16, #tpu.memory_space<vmem>>) dst(%dma_wait3A_152 : memref<10240x128xbf16, #tpu.memory_space<vmem_shared>>)
    %barrier3A_153 = arith.constant 0 : index
    tpu.barrier barrier_id(%barrier3A_153)
    %mul3A_154 = arith.constant 640 : i32
    %mul3A_155 = arith.muli %arg1, %mul3A_154 : i32
    %mul3A_156 = arith.constant 640 : i32
    %mul3A_157 = arith.muli %arg1, %mul3A_156 : i32
    "tpu.region"() ({
      %run_scoped3A = tpu.sem_alloc : memref<!tpu.dma_semaphore, #tpu.memory_space<semaphore_mem>>
      %dma_start3A_158 = arith.constant 0 : i32
      %dma_start3A_159 = tpu.memref_slice %arg5[%arg0, %mul3A_157, %dma_start3A_158] : memref<2x10240x128xbf16, #tpu.memory_space<hbm>> -> memref<1x640x128xbf16, #tpu.memory_space<hbm>>
      %dma_start3A_160 = tpu.memref_squeeze %dma_start3A_159 : memref<1x640x128xbf16, #tpu.memory_space<hbm>> -> memref<640x128xbf16, #tpu.memory_space<hbm>>
      %dma_start3A_161 = arith.constant 0 : i32
      %dma_start3A_162 = tpu.memref_slice %arg13[%mul3A_155, %dma_start3A_161] : memref<10240x128xbf16, #tpu.memory_space<vmem_shared>> -> memref<640x128xbf16, #tpu.memory_space<vmem_shared>>
      tpu.enqueue_dma source(%dma_start3A_162 : memref<640x128xbf16, #tpu.memory_space<vmem_shared>>) target(%dma_start3A_160 : memref<640x128xbf16, #tpu.memory_space<hbm>>) target_semaphore(%run_scoped3A : memref<!tpu.dma_semaphore, #tpu.memory_space<semaphore_mem>>)
      %dma_wait3A_163 = arith.constant 0 : i32
      %dma_wait3A_164 = tpu.memref_slice %arg5[%arg0, %mul3A_157, %dma_wait3A_163] : memref<2x10240x128xbf16, #tpu.memory_space<hbm>> -> memref<1x640x128xbf16, #tpu.memory_space<hbm>>
      %dma_wait3A_165 = tpu.memref_squeeze %dma_wait3A_164 : memref<1x640x128xbf16, #tpu.memory_space<hbm>> -> memref<640x128xbf16, #tpu.memory_space<hbm>>
      %dma_wait3A_166 = arith.constant 0 : i32
      %dma_wait3A_167 = tpu.memref_slice %arg13[%mul3A_155, %dma_wait3A_166] : memref<10240x128xbf16, #tpu.memory_space<vmem_shared>> -> memref<640x128xbf16, #tpu.memory_space<vmem_shared>>
      tpu.wait_dma2 semaphore(%run_scoped3A : memref<!tpu.dma_semaphore, #tpu.memory_space<semaphore_mem>>) src(%dma_wait3A_167 : memref<640x128xbf16, #tpu.memory_space<vmem_shared>>) dst(%dma_wait3A_165 : memref<640x128xbf16, #tpu.memory_space<hbm>>)
      tpu.yield
    }) : () -> ()
    return
  }
}

module attributes {stable_mosaic.version = 14 : i64} {
  func.func @_mm1_body(%arg0: i32, %arg1: i32, %arg2: memref<1024x128xf32, #tpu.memory_space<vmem>>, %arg3: memref<128x128xf32, #tpu.memory_space<vmem>>, %arg4: memref<1024x128xbf16, #tpu.memory_space<vmem>>) attributes {dimension_semantics = [#tpu.dimension_semantics<arbitrary>, #tpu.dimension_semantics<arbitrary>], iteration_bounds = array<i64: 2, 10>, scalar_prefetch = 0 : i64, scratch_operands = 0 : i64, tpu.core_type = #tpu.core_type<tc>, window_params = [{transform_indices = @transform_0, window_bounds = array<i64: 1024, 128>}, {transform_indices = @transform_1, window_bounds = array<i64: 128, 128>}, {transform_indices = @transform_2, window_bounds = array<i64: 1024, 128>}]} {
    %get3A = arith.constant 0 : index
    %get3A_0 = arith.constant 0 : index
    %get3A_1 = vector.load %arg2[%get3A, %get3A_0] : memref<1024x128xf32, #tpu.memory_space<vmem>>, vector<1024x128xf32>
    %get3A_2 = arith.constant 0 : index
    %get3A_3 = arith.constant 0 : index
    %get3A_4 = vector.load %arg3[%get3A_2, %get3A_3] : memref<128x128xf32, #tpu.memory_space<vmem>>, vector<128x128xf32>
    %dot_general3A = arith.constant dense<0.000000e+00> : vector<1024x128xf32>
    %dot_general3A_5 = tpu.matmul %get3A_1, %get3A_4, %dot_general3A {dimension_numbers = #tpu.dot_dimension_numbers<[1], [0], [0], [1], [0, 0, 1, 1], [], []>, transpose_lhs_hint = false} : vector<1024x128xf32>, vector<128x128xf32>, vector<1024x128xf32> -> vector<1024x128xf32>
    %convert_element_type3A = arith.truncf %dot_general3A_5 : vector<1024x128xf32> to vector<1024x128xbf16>
    %swap3A = arith.constant 0 : index
    %swap3A_6 = arith.constant 0 : index
    %swap3A_7 = vector.load %arg4[%swap3A, %swap3A_6] : memref<1024x128xbf16, #tpu.memory_space<vmem>>, vector<1024x128xbf16>
    tpu.vector_store %arg4[%swap3A, %swap3A_6], %convert_element_type3A {strides = array<i32>} : memref<1024x128xbf16, #tpu.memory_space<vmem>>, vector<1024x128xbf16>,
    return
  }
  func.func @transform_0(%arg0: i32, %arg1: i32) -> (i32, i32) {
    %c0_i32 = arith.constant 0 : i32
    %c0_i32_0 = arith.constant 0 : i32
    return %arg1, %c0_i32 : i32, i32
  }
  func.func @transform_1(%arg0: i32, %arg1: i32) -> (i32, i32) {
    %c0_i32 = arith.constant 0 : i32
    %c0_i32_0 = arith.constant 0 : i32
    return %c0_i32, %arg0 : i32, i32
  }
  func.func @transform_2(%arg0: i32, %arg1: i32) -> (i32, i32) {
    %mul3A = arith.constant 10 : i32
    %mul3A_0 = arith.muli %arg0, %mul3A : i32
    %add3A = arith.addi %mul3A_0, %arg1 : i32
    %c0_i32 = arith.constant 0 : i32
    %c0_i32_1 = arith.constant 0 : i32
    return %add3A, %c0_i32 : i32, i32
  }
}

module attributes {stable_mosaic.version = 14 : i64} {
  func.func @_mm_body(%arg0: i32, %arg1: i32, %arg2: memref<2x1024x128xbf16, #tpu.memory_space<vmem>>, %arg3: memref<2x128xf32, #tpu.memory_space<vmem>>, %arg4: memref<256x128xf32, #tpu.memory_space<vmem>>, %arg5: memref<1024x128xbf16, #tpu.memory_space<vmem>>) attributes {dimension_semantics = [#tpu.dimension_semantics<arbitrary>, #tpu.dimension_semantics<arbitrary>], iteration_bounds = array<i64: 2, 10>, scalar_prefetch = 0 : i64, scratch_operands = 0 : i64, tpu.core_type = #tpu.core_type<tc>, window_params = [{transform_indices = @transform_0, window_bounds = array<i64: 2, 1024, 128>}, {pipeline_mode = #tpu.pipeline_mode<synchronous>, transform_indices = @transform_1, window_bounds = array<i64: 2, 128>}, {transform_indices = @transform_2, window_bounds = array<i64: 256, 128>}, {transform_indices = @transform_3, window_bounds = array<i64: 1024, 128>}]} {
    %get3A = arith.constant 0 : index
    %get3A_0 = arith.constant 0 : index
    %get3A_1 = arith.constant 0 : index
    %get3A_2 = vector.load %arg2[%get3A, %get3A_0, %get3A_1] : memref<2x1024x128xbf16, #tpu.memory_space<vmem>>, vector<1x1024x128xbf16>
    %get3A_3 = vector.shape_cast %get3A_2 : vector<1x1024x128xbf16> to vector<1024x128xbf16>
    %convert_element_type3A = arith.extf %get3A_3 : vector<1024x128xbf16> to vector<1024x128xf32>
    %get3A_4 = arith.constant 0 : index
    %get3A_5 = arith.constant 0 : index
    %get3A_6 = vector.load %arg3[%get3A_4, %get3A_5] : memref<2x128xf32, #tpu.memory_space<vmem>>, vector<1x128xf32>
    %get3A_7 = vector.shape_cast %get3A_6 : vector<1x128xf32> to vector<128xf32>
    %broadcast_in_dim3A = vector.shape_cast %get3A_7 : vector<128xf32> to vector<1x128xf32>
    %add3A = vector.broadcast %broadcast_in_dim3A : vector<1x128xf32> to vector<1024x128xf32>
    %add3A_8 = arith.addf %convert_element_type3A, %add3A : vector<1024x128xf32>
    %max3A = arith.constant 0.000000e+00 : f32
    %max3A_9 = vector.broadcast %max3A : f32 to vector<1024x128xf32>
    %max3A_10 = arith.maximumf %add3A_8, %max3A_9 : vector<1024x128xf32>
    %get3A_11 = arith.constant 1 : index
    %get3A_12 = arith.constant 0 : index
    %get3A_13 = arith.constant 0 : index
    %get3A_14 = vector.load %arg2[%get3A_11, %get3A_12, %get3A_13] : memref<2x1024x128xbf16, #tpu.memory_space<vmem>>, vector<1x1024x128xbf16>
    %get3A_15 = vector.shape_cast %get3A_14 : vector<1x1024x128xbf16> to vector<1024x128xbf16>
    %convert_element_type3A_16 = arith.extf %get3A_15 : vector<1024x128xbf16> to vector<1024x128xf32>
    %get3A_17 = arith.constant 1 : index
    %get3A_18 = arith.constant 0 : index
    %get3A_19 = vector.load %arg3[%get3A_17, %get3A_18] : memref<2x128xf32, #tpu.memory_space<vmem>>, vector<1x128xf32>
    %get3A_20 = vector.shape_cast %get3A_19 : vector<1x128xf32> to vector<128xf32>
    %broadcast_in_dim3A_21 = vector.shape_cast %get3A_20 : vector<128xf32> to vector<1x128xf32>
    %add3A_22 = vector.broadcast %broadcast_in_dim3A_21 : vector<1x128xf32> to vector<1024x128xf32>
    %add3A_23 = arith.addf %convert_element_type3A_16, %add3A_22 : vector<1024x128xf32>
    %max3A_24 = arith.constant 0.000000e+00 : f32
    %max3A_25 = vector.broadcast %max3A_24 : f32 to vector<1024x128xf32>
    %max3A_26 = arith.maximumf %add3A_23, %max3A_25 : vector<1024x128xf32>
    %concatenate3A = tpu.concatenate %max3A_10, %max3A_26 in 1 : vector<1024x128xf32>, vector<1024x128xf32> -> vector<1024x256xf32>
    %get3A_27 = arith.constant 0 : index
    %get3A_28 = arith.constant 0 : index
    %get3A_29 = vector.load %arg4[%get3A_27, %get3A_28] : memref<256x128xf32, #tpu.memory_space<vmem>>, vector<256x128xf32>
    %dot_general3A = arith.constant dense<0.000000e+00> : vector<1024x128xf32>
    %dot_general3A_30 = tpu.matmul %concatenate3A, %get3A_29, %dot_general3A {dimension_numbers = #tpu.dot_dimension_numbers<[1], [0], [0], [1], [0, 0, 1, 1], [], []>, transpose_lhs_hint = false} : vector<1024x256xf32>, vector<256x128xf32>, vector<1024x128xf32> -> vector<1024x128xf32>
    %convert_element_type3A_31 = arith.truncf %dot_general3A_30 : vector<1024x128xf32> to vector<1024x128xbf16>
    %swap3A = arith.constant 0 : index
    %swap3A_32 = arith.constant 0 : index
    %swap3A_33 = vector.load %arg5[%swap3A, %swap3A_32] : memref<1024x128xbf16, #tpu.memory_space<vmem>>, vector<1024x128xbf16>
    tpu.vector_store %arg5[%swap3A, %swap3A_32], %convert_element_type3A_31 {strides = array<i32>} : memref<1024x128xbf16, #tpu.memory_space<vmem>>, vector<1024x128xbf16>,
    return
  }
  func.func @transform_0(%arg0: i32, %arg1: i32) -> (i32, i32, i32) {
    %c0_i32 = arith.constant 0 : i32
    %c0_i32_0 = arith.constant 0 : i32
    %c0_i32_1 = arith.constant 0 : i32
    return %c0_i32, %arg1, %c0_i32_0 : i32, i32, i32
  }
  func.func @transform_1(%arg0: i32, %arg1: i32) -> (i32, i32) {
    %c0_i32 = arith.constant 0 : i32
    %c0_i32_0 = arith.constant 0 : i32
    %c0_i32_1 = arith.constant 0 : i32
    return %c0_i32, %c0_i32_0 : i32, i32
  }
  func.func @transform_2(%arg0: i32, %arg1: i32) -> (i32, i32) {
    %c0_i32 = arith.constant 0 : i32
    %c0_i32_0 = arith.constant 0 : i32
    return %c0_i32, %arg0 : i32, i32
  }
  func.func @transform_3(%arg0: i32, %arg1: i32) -> (i32, i32) {
    %mul3A = arith.constant 10 : i32
    %mul3A_0 = arith.muli %arg0, %mul3A : i32
    %add3A = arith.addi %mul3A_0, %arg1 : i32
    %c0_i32 = arith.constant 0 : i32
    %c0_i32_1 = arith.constant 0 : i32
    return %add3A, %c0_i32 : i32, i32
  }
}

module attributes {stable_mosaic.version = 14 : i64} {
  func.func @_final_body(%arg0: i32, %arg1: memref<2x1000x128xbf16, #tpu.memory_space<vmem>>, %arg2: memref<2x128xf32, #tpu.memory_space<vmem>>, %arg3: memref<1000x256xf32, #tpu.memory_space<vmem>>) attributes {dimension_semantics = [#tpu.dimension_semantics<arbitrary>], iteration_bounds = array<i64: 10>, scalar_prefetch = 0 : i64, scratch_operands = 0 : i64, tpu.core_type = #tpu.core_type<tc>, window_params = [{transform_indices = @transform_0, window_bounds = array<i64: 2, 1000, 128>}, {pipeline_mode = #tpu.pipeline_mode<synchronous>, transform_indices = @transform_1, window_bounds = array<i64: 2, 128>}, {transform_indices = @transform_2, window_bounds = array<i64: 1000, 256>}]} {
    %get3A = arith.constant 0 : index
    %get3A_0 = arith.constant 0 : index
    %get3A_1 = arith.constant 0 : index
    %get3A_2 = vector.load %arg1[%get3A, %get3A_0, %get3A_1] : memref<2x1000x128xbf16, #tpu.memory_space<vmem>>, vector<1x1000x128xbf16>
    %get3A_3 = vector.shape_cast %get3A_2 : vector<1x1000x128xbf16> to vector<1000x128xbf16>
    %convert_element_type3A = arith.extf %get3A_3 : vector<1000x128xbf16> to vector<1000x128xf32>
    %get3A_4 = arith.constant 0 : index
    %get3A_5 = arith.constant 0 : index
    %get3A_6 = vector.load %arg2[%get3A_4, %get3A_5] : memref<2x128xf32, #tpu.memory_space<vmem>>, vector<1x128xf32>
    %get3A_7 = vector.shape_cast %get3A_6 : vector<1x128xf32> to vector<128xf32>
    %broadcast_in_dim3A = vector.shape_cast %get3A_7 : vector<128xf32> to vector<1x128xf32>
    %add3A = vector.broadcast %broadcast_in_dim3A : vector<1x128xf32> to vector<1000x128xf32>
    %add3A_8 = arith.addf %convert_element_type3A, %add3A : vector<1000x128xf32>
    %max3A = arith.constant 0.000000e+00 : f32
    %max3A_9 = vector.broadcast %max3A : f32 to vector<1000x128xf32>
    %max3A_10 = arith.maximumf %add3A_8, %max3A_9 : vector<1000x128xf32>
    %get3A_11 = arith.constant 1 : index
    %get3A_12 = arith.constant 0 : index
    %get3A_13 = arith.constant 0 : index
    %get3A_14 = vector.load %arg1[%get3A_11, %get3A_12, %get3A_13] : memref<2x1000x128xbf16, #tpu.memory_space<vmem>>, vector<1x1000x128xbf16>
    %get3A_15 = vector.shape_cast %get3A_14 : vector<1x1000x128xbf16> to vector<1000x128xbf16>
    %convert_element_type3A_16 = arith.extf %get3A_15 : vector<1000x128xbf16> to vector<1000x128xf32>
    %get3A_17 = arith.constant 1 : index
    %get3A_18 = arith.constant 0 : index
    %get3A_19 = vector.load %arg2[%get3A_17, %get3A_18] : memref<2x128xf32, #tpu.memory_space<vmem>>, vector<1x128xf32>
    %get3A_20 = vector.shape_cast %get3A_19 : vector<1x128xf32> to vector<128xf32>
    %broadcast_in_dim3A_21 = vector.shape_cast %get3A_20 : vector<128xf32> to vector<1x128xf32>
    %add3A_22 = vector.broadcast %broadcast_in_dim3A_21 : vector<1x128xf32> to vector<1000x128xf32>
    %add3A_23 = arith.addf %convert_element_type3A_16, %add3A_22 : vector<1000x128xf32>
    %max3A_24 = arith.constant 0.000000e+00 : f32
    %max3A_25 = vector.broadcast %max3A_24 : f32 to vector<1000x128xf32>
    %max3A_26 = arith.maximumf %add3A_23, %max3A_25 : vector<1000x128xf32>
    %concatenate3A = tpu.concatenate %max3A_10, %max3A_26 in 1 : vector<1000x128xf32>, vector<1000x128xf32> -> vector<1000x256xf32>
    %swap3A = arith.constant 0 : index
    %swap3A_27 = arith.constant 0 : index
    %swap3A_28 = vector.load %arg3[%swap3A, %swap3A_27] : memref<1000x256xf32, #tpu.memory_space<vmem>>, vector<1000x256xf32>
    tpu.vector_store %arg3[%swap3A, %swap3A_27], %concatenate3A {strides = array<i32>} : memref<1000x256xf32, #tpu.memory_space<vmem>>, vector<1000x256xf32>,
    return
  }
  func.func @transform_0(%arg0: i32) -> (i32, i32, i32) {
    %c0_i32 = arith.constant 0 : i32
    %c0_i32_0 = arith.constant 0 : i32
    %c0_i32_1 = arith.constant 0 : i32
    return %c0_i32, %arg0, %c0_i32_0 : i32, i32, i32
  }
  func.func @transform_1(%arg0: i32) -> (i32, i32) {
    %c0_i32 = arith.constant 0 : i32
    %c0_i32_0 = arith.constant 0 : i32
    %c0_i32_1 = arith.constant 0 : i32
    return %c0_i32, %c0_i32_0 : i32, i32
  }
  func.func @transform_2(%arg0: i32) -> (i32, i32) {
    %c0_i32 = arith.constant 0 : i32
    %c0_i32_0 = arith.constant 0 : i32
    return %arg0, %c0_i32 : i32, i32
  }
}

</mosaic_0001>

<sc_bundles>
// kernel: kernel.12.cloned.1.call-start
scs
__scs_entry_jumppad:
0x0: {  	(pc) =	sbr.rel $0x88, $3  }
0x1: {  	(tag) =	ssettag $0x0;
	lr =	simm.s32 $0x1  }
0x2: {  	[smem:$0x3F99] =	sst lr;
	_ =	strace $0xD0000000  }
0x3: {  	_ = 	snop  }
0x4: {  	_ = 	snop  }
0x5: {  	_ = 	snop  }
0x6: {  	_ = 	snop  }
0x7: {  	_ = 	snop  }
__scs_overlays_trampoline_lowered:
0x8: {  	[smem:$0x3FA8] =	sst s0  }
0x9: {  	[smem:$0x3FA9] =	sst s1  }
0xa: {  	[smem:$0x3FAA] =	sst s2  }
0xb: {  	[smem:$0x3FAB] =	sst s3  }
0xc: {  	[smem:$0x3FAC] =	sst s4  }
0xd: {  	[smem:$0x3FAD] =	sst s5  }
0xe: {  	[smem:$0x3FAE] =	sst s6  }
0xf: {  	[smem:$0x3FAF] =	sst s7  }
0x10: {  	[smem:$0x3FB0] =	sst s8  }
0x11: {  	[smem:$0x3FB1] =	sst s9;
	s0 =	simm.s32 @!p0 $0x0  }
0x12: {  	s1 =	sld [smem:$0x3F97];
	s0 =	simm.s32 @p0 $0x1  }
0x13: {  	[smem:$0x3FB2] =	sst s0;
	s0 =	simm.s32 @!p1 $0x0  }
0x14: {  	s2 =	sld [smem:$0x3F96];
	s0 =	simm.s32 @p1 $0x1  }
0x15: {  	[smem:$0x3FB3] =	sst s0;
	s0 =	simm.s32 @!p2 $0x0  }
0x16: {  	s3 =	sld [smem:$0x3FDB];
	s0 =	simm.s32 @p2 $0x1  }
0x17: {  	s4 =	simm.s32 $0x1BF5;
	[smem:$0x3FB5] =	sst s0  }
0x18: {  	s0 =	sld [smem:$0x3F98];
	_ =	swait.ge [sflag:s4], $0x0  }
0x19: {  	s7 =	sld [smem:$0x3F99]  }
0x1a: {  	s8 =	sadd.s32 $0xFFFFE003, lr  }
0x1b: {  	s9 =	sadd.s32 $0xFFFFFEF7, lr;
	s5 =	simm.s32 $0xFFFFFFFF;
	p2 =	slt.u32 s8, $0xFFFFF086  }
0x1c: {  	p1 =	slt.u32 s9, $0xF7A;
	s5 =	simm.s32 @!p2 $0x0  }
0x1d: {  	s5 =	simm.s32 @p1 $0x1;
	p0 =	seq.s32 s7, s2  }
0x1e: {  	s7 =	smul.u32 @!p0 $0xF7A, s2;
	p2 =	seq.s32 @!p0 s5, $0x0  }
0x1f: {  	s9 =	smul.u32 $0xF7A, s1;
	s8 =	simm.s32 @!p0 $0x1BF5;
	p2 =	por !p2, p0  }
0x20: {  	[sflag:s8] =	ssyncset.s32 @!p0 $0xFFFFF086;
	s6 =	sadd.s32 @!p0 s3, s7;
	s7 =	simm.s32 @!p0 $0x108  }
0x21: {  	s3 =	sadd.s32 s3, s9;
	s6 =	sadd.s32 @!p0 $0x88, s6;
	s7 =	simm.s32 @p2 $0x1082  }
0x22: {  	[simem:s7], [sflag:s8] =	dma.local @!p0 [hbm:s6], $0xF7A  }
0x23: {  	s9 =	sor.u32 $0xD0000000, s2;
	s6 =	simm.s32 $0x108;
	_ =	swait.ge @!p0 [sflag:s8], $0x0  }
0x24: {  	s3 =	sadd.s32 $0x88, s3;
	s6 =	simm.s32 @!p1 $0x1082;
	[sflag:s4] =	ssyncset.s32 $0xFFFFF086  }
0x25: {  	[simem:s6], [sflag:s4] =	dma.local [hbm:s3], $0xF7A  }
0x26: {  	[smem:$0x3F99] =	sst s1;
	(tag) =	ssettag s2;
	_ =	strace s9  }
0x27: {  	s1 =	sld [smem:$0x3FA9]  }
0x28: {  	s2 =	sld [smem:$0x3FAA]  }
0x29: {  	s4 =	sld [smem:$0x3FAC]  }
0x2a: {  	p0 =	seq.s32 s5, $0x0;
	s5 =	sld [smem:$0x3FAD]  }
0x2b: {  	s6 =	sld [smem:$0x3FAE]  }
0x2c: {  	s7 =	sld [smem:$0x3FAF]  }
0x2d: {  	s3 =	simm.s32 $0x108;
	s8 =	sld [smem:$0x3FB0]  }
0x2e: {  	s3 =	simm.s32 @!p0 $0x1082;
	s9 =	sld [smem:$0x3FB1]  }
0x2f: {  	lr =	sadd.s32 s0, s3;
	s0 =	sld [smem:$0x3FA8]  }
0x30: {  	s3 =	sld [smem:$0x3FAB]  }
0x31: {  	[smem:$0x3FB4] =	sst s10  }
0x32: {  	s10 =	sld [smem:$0x3FB2];
	_ =	sdelay $0x3  }
0x33: {  	p0 =	seq.s32 s10, $0x1;
	s10 =	sld [smem:$0x3FB4];
	_ =	sdelay $0x3  }
0x34: {  	[smem:$0x3FB4] =	sst s10  }
0x35: {  	s10 =	sld [smem:$0x3FB3];
	_ =	sdelay $0x3  }
0x36: {  	p1 =	seq.s32 s10, $0x1;
	s10 =	sld [smem:$0x3FB4];
	_ =	sdelay $0x3  }
0x37: {  	[smem:$0x3FB4] =	sst s10  }
0x38: {  	s10 =	sld [smem:$0x3FB5]  }
0x39: {  	_ = 	snop;
	(pc) =	sbr.ind lr, $3  }
0x3a: {  	_ = 	snop  }
0x3b: {  	_ = 	snop  }
0x3c: {  	p2 =	seq.s32 s10, $0x1;
	s10 =	sld [smem:$0x3FB4]  }
0x3d: {  	_ =	shalt  }
0x3e: {  	_ =	shalt  }
0x3f: {  	_ =	shalt  }
0x40: {  	_ =	shalt  }
0x41: {  	_ =	shalt  }
0x42: {  	_ =	shalt  }
0x43: {  	_ =	shalt  }
0x44: {  	_ =	shalt  }
0x45: {  	_ =	shalt  }
0x46: {  	_ =	shalt  }
0x47: {  	_ =	shalt  }
0x48: {  	_ =	shalt  }
0x49: {  	_ =	shalt  }
0x4a: {  	_ =	shalt  }
0x4b: {  	_ =	shalt  }
0x4c: {  	_ =	shalt  }
0x4d: {  	_ =	shalt  }
0x4e: {  	_ =	shalt  }
0x4f: {  	_ =	shalt  }
0x50: {  	_ =	shalt  }
0x51: {  	_ =	shalt  }
0x52: {  	_ =	shalt  }
0x53: {  	_ =	shalt  }
0x54: {  	_ =	shalt  }
0x55: {  	_ =	shalt  }
0x56: {  	_ =	shalt  }
0x57: {  	_ =	shalt  }
0x58: {  	_ =	shalt  }
0x59: {  	_ =	shalt  }
0x5a: {  	_ =	shalt  }
0x5b: {  	_ =	shalt  }
0x5c: {  	_ =	shalt  }
0x5d: {  	_ =	shalt  }
0x5e: {  	_ =	shalt  }
0x5f: {  	_ =	shalt  }
0x60: {  	_ =	shalt  }
0x61: {  	_ =	shalt  }
0x62: {  	_ =	shalt  }
0x63: {  	_ =	shalt  }
0x64: {  	_ =	shalt  }
0x65: {  	_ =	shalt  }
0x66: {  	_ =	shalt  }
0x67: {  	_ =	shalt  }
0x68: {  	_ =	shalt  }
0x69: {  	_ =	shalt  }
0x6a: {  	_ =	shalt  }
0x6b: {  	_ =	shalt  }
0x6c: {  	_ =	shalt  }
0x6d: {  	_ =	shalt  }
0x6e: {  	_ =	shalt  }
0x6f: {  	_ =	shalt  }
0x70: {  	_ =	shalt  }
0x71: {  	_ =	shalt  }
0x72: {  	_ =	shalt  }
0x73: {  	_ =	shalt  }
0x74: {  	_ =	shalt  }
0x75: {  	_ =	shalt  }
0x76: {  	_ =	shalt  }
0x77: {  	_ =	shalt  }
0x78: {  	_ =	shalt  }
0x79: {  	_ =	shalt  }
0x7a: {  	_ =	shalt  }
0x7b: {  	_ =	shalt  }
0x7c: {  	_ =	shalt  }
0x7d: {  	_ =	shalt  }
0x7e: {  	_ =	shalt  }
0x7f: {  	_ =	shalt  }
0x80: {  	_ =	shalt  }
0x81: {  	_ =	shalt  }
0x82: {  	_ =	shalt  }
0x83: {  	_ =	shalt  }
0x84: {  	_ =	shalt  }
0x85: {  	_ =	shalt  }
0x86: {  	_ =	shalt  }
0x87: {  	_ =	shalt  }
.Lfunc_end0:
.L_simem_size_0:
called_computation.1_lowered:
.L_overlay_start_0:
0x88: {  	s2 =	sld [smem:$0x3FD9]  }
0x89: {  	s3 =	sld [smem:$0x3FFE];
	_ =	sdelay $0x1  }
0x8a: {  	s1 =	srdreg.scid  }
0x8b: {  	s0 =	sand.u32 $0x1, s1  }
0x8c: {  	s17 =	sshll.u32 s0, $0xA;
	s2 =	sadd.s32 s3, s2  }
0x8d: {  	s2 =	sadd.s32 s2, s17  }
0x8e: {  	[smem:$0x3FC0] =	sst s2  }
0x8f: {  	_ = 	snop  }
0x90: {  	s2 =	sld [smem:$0x3FD0];
	(tm) =	ssettm $0x1  }
0x91: {  	s18 =	sld [smem:$0x3FFB];
	_ =	sdelay $0x3  }
0x92: {  	_ =	strace s18  }
0x93: {  	s3 =	sld [smem:$0x3FFC];
	_ =	sdelay $0x3  }
0x94: {  	_ =	strace s3  }
0x95: {  	s3 =	sld [smem:$0x3FFD];
	_ =	sdelay $0x3  }
0x96: {  	_ =	strace s3  }
0x97: {  	_ =	strace $0x8FFFFFFF  }
0x98: {  	s19 =	sld [smem:$0x3FDB];
	_ =	sdelay $0x1  }
0x99: {  	s4 =	simm.s32 $_scs_section_size  }
0x9a: {  	s5 =	simm.s32 $_size__tile_overlayer_lowered;
	s6 =	simm.s32 $_tile_overlayer_lowered  }
0x9b: {  	s22 =	simm.s32 $0x1BFF;
	s21 =	sshll.u32 s6, $0x1;
	s3 =	sadd.s32 s4, s19  }
0x9c: {  	s7 =	simm.s32 $0x0;
	s20 =	sshll.u32 s5, $0x1;
	s5 =	sadd.s32 s21, s3  }
0x9d: {  	[timem:s7], [sflag:s22] =	dma.local [hbm:s5], s20  }
0x9e: {  	_ =	swait.ge [sflag:s22], s20  }
0x9f: {  	s4 =	ssub.s32 $0x0, s20;
	[sflag:s22] =	ssyncset.done $0x0  }
0xa0: {  	[sflag:s22] =	ssyncadd.s32 s4;
	_ =	sdelay $0x1  }
0xa1: {  	s23 =	simm.s32 $0x1B8B  }
0xa2: {  	_ =	swait.ge [sflag:s23], $0x1  }
0xa3: {  	[sflag:s23] =	ssyncset.done $0x0  }
0xa4: {  	s25 =	simm.s32 $0x1B8E;
	s24 =	sld [smem:$0x3FFE];
	[sflag:s23] =	ssyncadd.s32 $0xFFFFFFFF  }
0xa5: {  	s26 =	simm.s32 $execute0_lowered;
	[smem:$0x3FD2] =	sst s25  }
0xa6: {  	s5 =	sshll.u32 s26, $0x1;
	_ =	strace $0x80000049;
	[dreg:$0x1] =	wrdreg $0xFFFFFFFF  }
0xa7: {  	s28 =	simm.s32 $_size_execute0_lowered;
	s3 =	sadd.s32 s3, s5;
	[dreg:$0x0] =	wrdreg $0x0  }
0xa8: {  	s5 =	sshll.u32 s28, $0x1;
	[dreg:$0x2] =	wrdreg s3  }
0xa9: {  	[dreg:$0x3] =	wrdreg s5  }
0xaa: {  	[dreg:$0x4] =	wrdreg $0xC0  }
0xab: {  	_ =	task [dreg:s7], $0x5FFFF  }
0xac: {  	[dreg:$0x1] =	wrdreg $0xFFFFFFFF  }
0xad: {  	[dreg:$0x0] =	wrdreg $0x60  }
0xae: {  	[dreg:$0x2] =	wrdreg s2  }
0xaf: {  	[dreg:$0x3] =	wrdreg s24  }
0xb0: {  	[dreg:$0x4] =	wrdreg $0x140000  }
0xb1: {  	[dreg:$0x5] =	wrdreg $0x9  }
0xb2: {  	_ =	task.clear_ibuf [dreg:s7], $0x6FFFF;
	_ =	strace $0x90000049  }
0xb3: {  	s29 =	simm.s32 $0x9;
	_ =	strace $0x8000004B  }
0xb4: {  	_ =	swait.ge [sflag:s29], $0x1  }
0xb5: {  	[sflag:s29] =	ssyncadd.s32 $0xFFFFFFFF  }
0xb6: {  	_ =	strace $0x9000004B  }
0xb7: {  	_ =	sfence  }
0xb8: {  	s30 =	sld [smem:$0x0];
	_ =	sdelay $0x2  }
0xb9: {  	s31 =	sshll.u32 s1, $0xD;
	s1 =	sshrl.u32 s1, $0x2  }
0xba: {  	s3 =	sand.u32 $0x4000, s31;
	s1 =	sadd.s32 s1, s30  }
0xbb: {  	s0 =	sor.u32 s3, s0;
	s1 =	sshll.u32 s1, $0x11  }
0xbc: {  	s0 =	sor.u32 s1, s0  }
0xbd: {  	s0 =	sadd.s32 $0x8F2B, s0  }
0xbe: {  	[sflag:s0] =	ssyncadd.remote.s32 $0x1  }
0xbf: {  	_ =	sfence.sel $0xFFFF  }
0xc0: {  	[dreg:$0x0] =	wrdreg $0xFFFFFFFF;
	(pc) =	sbr.abs _section_cstart, $3  }
0xc1: {  	[dreg:$0x1] =	wrdreg $0xFFFFFFFF  }
0xc2: {  	_ =	task.clear_ibuf [dreg:s7], $0x2FFFF;
	_ =	strace $0x9FFFFFFF  }
0xc3: {  	(tm) =	ssettm $0x7FFFFFFF  }
tec
execute0_lowered:
.L_overlay_start_1:
0x0: {  	(tag) =	ssettag $0x1  }
0x1: {  	s1 =	rddreg [dreg:$0x0]  }
0x2: {  	s0 =	rddreg [dreg:$0x1];
	s9 =	stileid.u32  }
0x3: {  	s2 =	srdreg.scid;
	s3 =	rddreg [dreg:$0x2];
	s4 =	simm.s32 $0x0  }
0x4: {  	s14 =	simm.s32 $0x9;
	s16 =	simm.s32 $0x12000;
	s17 =	simm.s32 $0x80  }
0x5: {  	s18 =	simm.s32 $0xA000;
	s19 =	simm.s32 $0xC000;
	s21 =	simm.s32 $0xE000  }
0x6: {  	s23 =	simm.s32 $0x10000;
	s24 =	simm.s32 $0x1;
	s28 =	simm.s32 $0x6  }
0x7: {  	s29 =	simm.s32 $0x3;
	s30 =	simm.s32 $0x7;
	s7 =	smul.u32 $0x14000, s9  }
0x8: {  	s31 =	simm.s32 $0x4;
	s15 =	simm.s32 $0x0;
	s6 =	smul.u32 $0xA00, s9  }
0x9: {  	s2 =	sand.u32 $0x1, s2;
	[smem:$0x7FF] =	sst s4;
	s9 =	smul.u32 $0x28000, s9  }
0xa: {  	s5 =	smul.u32 $0x140000, s2;
	_ =	strace $0x8000004A;
	s8 =	ssub.s32 $0x2, s2  }
0xb: {  	v0 =	vmov s2;
	s2 =	simm.s32 $0x8;
	s6 =	sadd.s32 s6, s0;
	s25 =	sshrl.u32 s8, $0x1  }
0xc: {  	s26 =	sshrl.u32 s9, $0x2;
	s5 =	sadd.s32 s7, s5;
	s13 =	ssub.s32 s8, s25  }
0xd: {  	s7 =	sshrl.u32 s7, $0x1;
	s11 =	sadd.s32 s26, s3;
	s25 =	simm.s32 $0x5  }
0xe: {  	v0 =	vmul.u32 $0x2800, v0;
	s26 =	simm.s32 $0x2;
	s5 =	sshrl.u32 s5, $0x4;
	s7 =	sadd.s32 s7, s3  }
0xf: {  	s8 =	sadd.s32 $0x2000, s11;
	s9 =	sadd.s32 $0x4000, s11;
	s10 =	sadd.s32 $0x6000, s11  }
0x10: {  	s11 =	sadd.s32 $0x8000, s11;
	s13 =	smax.u32 s13, $0x1;
	v0 =	vbroadcast v0, $0x0;
	s0 =	sadd.s32 s5, s0  }
0x11: {  	v1 =	vimm.bf16 $0.0e+00;
	s5 =	sadd.s32 $0xB800, s6;
	s6 =	sadd.s32 $0x1800, s6;
	s12 =	sadd.s32 $0x15800, s0  }
.LBB2_1:
0x12: {  	[tilespmem:s4], [sflag:$0x9] =	stream.linear.gather [hbm4b:s5+s4], $0x5000, $0x38;
	[tilespmem:$0x1E000] =	vst v63  }
0x13: {  	_ =	swait.ge [sflag:s14], $0x5000  }
0x14: {  	[sflag:s14] =	ssyncset.done $0x0  }
0x15: {  	s0 =	simm.s32 $0x5000;
	[sflag:s14] =	ssyncadd.s32 $0xFFFFB000  }
0x16: {  	[tilespmem:s0], [sflag:$0x9] =	stream.linear.gather [hbm4b:s6+s4], $0x5000, $0x38;
	[tilespmem:$0x1E000] =	vst v63  }
0x17: {  	_ =	swait.ge [sflag:s14], $0x5000  }
0x18: {  	[sflag:s14] =	ssyncset.done $0x0  }
0x19: {  	s0 =	simm.s32 $0x0;
	[sflag:s14] =	ssyncadd.s32 $0xFFFFB000  }
0x1a: {  	v4 =	vld [tilespmem:s0+$0x0]  }
0x1b: {  	v6 =	vld [tilespmem:s0+$0x10]  }
0x1c: {  	v5 =	vld [tilespmem:s0+$0x20]  }
0x1d: {  	v3 =	vld [tilespmem:s0+$0x30]  }
0x1e: {  	v2 =	vld [tilespmem:s0+$0x40]  }
0x1f: {  	v7 =	vadd.s32 v0, v4;
	v4 =	vld [tilespmem:s0+$0x50]  }
0x20: {  	s20 =	simm.s32 $0x200;
	[tilespmem:s0+$0x0] =	vst v7;
	v7 =	vadd.s32 v0, v6;
	v6 =	vld [tilespmem:s0+$0x60]  }
.LBB2_2:
0x21: {  	s22 =	sshra.s32 s20, $0x2;
	p0 =	sne.s32 s20, $0x13E00;
	[tilespmem:s0+$0x10] =	vst v7;
	v5 =	vadd.s32 v0, v5;
	v7 =	vld [tilespmem:s0+$0x70]  }
0x22: {  	v8 =	vld [tilespmem:s22+$0x0];
	[tilespmem:s0+$0x20] =	vst v5;
	v3 =	vadd.s32 v0, v3  }
0x23: {  	v9 =	vld [tilespmem:s22+$0x10];
	[tilespmem:s0+$0x30] =	vst v3;
	v2 =	vadd.s32 v0, v2  }
.Ltmp0:
0x24: {  	v5 =	vld [tilespmem:s22+$0x20];
	[tilespmem:s0+$0x40] =	vst v2;
	v2 =	vadd.s32 v0, v4;
	(pc) =	sbr.rel @p0 .LBB2_2-.Ltmp0, $4  }
0x25: {  	v3 =	vld [tilespmem:s22+$0x30];
	[tilespmem:s0+$0x50] =	vst v2;
	v4 =	vadd.s32 v0, v6  }
0x26: {  	v2 =	vld [tilespmem:s22+$0x40];
	[tilespmem:s0+$0x60] =	vst v4;
	v6 =	vadd.s32 v0, v7  }
0x27: {  	v7 =	vadd.s32 v0, v8;
	v4 =	vld [tilespmem:s22+$0x50];
	[tilespmem:s0+$0x70] =	vst v6;
	s0 =	smov.u32 s22  }
0x28: {  	s20 =	sadd.s32 $0x200, s20;
	[tilespmem:s0+$0x0] =	vst v7;
	v7 =	vadd.s32 v0, v9;
	v6 =	vld [tilespmem:s0+$0x60]  }
0x29: {  	[tilespmem:s0+$0x10] =	vst v7;
	v5 =	vadd.s32 v0, v5;
	v63 =	vld [tilespmem:s0+$0x70]  }
0x2a: {  	[tilespmem:s0+$0x20] =	vst v5;
	v3 =	vadd.s32 v0, v3  }
0x2b: {  	[tilespmem:s0+$0x30] =	vst v3;
	v2 =	vadd.s32 v0, v2  }
0x2c: {  	[tilespmem:s0+$0x40] =	vst v2;
	v2 =	vadd.s32 v0, v4  }
0x2d: {  	[tilespmem:s0+$0x50] =	vst v2;
	v2 =	vadd.s32 v0, v6  }
0x2e: {  	[tilespmem:s0+$0x60] =	vst v2;
	v2 =	vadd.s32 v0, v63  }
0x2f: {  	s20 =	simm.s32 $0x100;
	[tilespmem:s0+$0x70] =	vst v2;
	s0 =	simm.s32 $0x0  }
.LBB2_4:
0x30: {  	p0 =	sne.s32 s20, $0x7F00;
	[tilespmem:s0+$0x12030] =	vst v1;
	s22 =	smov.u32 s20;
	s20 =	sadd.s32 $0x100, s20  }
.Ltmp1:
0x31: {  	[tilespmem:s0+$0x12020] =	vst v1;
	(pc) =	sbr.rel @p0 .LBB2_4-.Ltmp1, $3  }
0x32: {  	[tilespmem:s0+$0x12000] =	vst v1  }
0x33: {  	[tilespmem:s0+$0x12010] =	vst v1;
	_ =	sdelay $0x1  }
0x34: {  	s0 =	sshra.s32 s22, $0x2  }
0x35: {  	[tilespmem:s0+$0x12030] =	vst v1  }
0x36: {  	[tilespmem:s0+$0x12020] =	vst v1  }
0x37: {  	[tilespmem:s0+$0x12000] =	vst v1  }
0x38: {  	[tilespmem:s0+$0x12010] =	vst v1  }
0x39: {  	[spmem:s7] =	stream.linear.scatter [tilespmem:s16], [sflag:$0x9], $0x2000, $0x38;
	[tilespmem:$0x1E000] =	vst v63  }
0x3a: {  	_ =	swait.ge [sflag:s14], $0x2000  }
0x3b: {  	[sflag:s14] =	ssyncset.done $0x0  }
0x3c: {  	[sflag:s14] =	ssyncadd.s32 $0xFFFFE000  }
0x3d: {  	[spmem:s8] =	stream.linear.scatter [tilespmem:s16], [sflag:$0x9], $0x2000, $0x38;
	[tilespmem:$0x1E000] =	vst v63  }
0x3e: {  	_ =	swait.ge [sflag:s14], $0x2000  }
0x3f: {  	[sflag:s14] =	ssyncset.done $0x0  }
0x40: {  	[sflag:s14] =	ssyncadd.s32 $0xFFFFE000  }
0x41: {  	[spmem:s9] =	stream.linear.scatter [tilespmem:s16], [sflag:$0x9], $0x2000, $0x38;
	[tilespmem:$0x1E000] =	vst v63  }
0x42: {  	_ =	swait.ge [sflag:s14], $0x2000  }
0x43: {  	[sflag:s14] =	ssyncset.done $0x0  }
0x44: {  	[sflag:s14] =	ssyncadd.s32 $0xFFFFE000  }
0x45: {  	[spmem:s10] =	stream.linear.scatter [tilespmem:s16], [sflag:$0x9], $0x2000, $0x38;
	[tilespmem:$0x1E000] =	vst v63  }
0x46: {  	_ =	swait.ge [sflag:s14], $0x2000  }
0x47: {  	[sflag:s14] =	ssyncset.done $0x0  }
0x48: {  	[sflag:s14] =	ssyncadd.s32 $0xFFFFE000  }
0x49: {  	[spmem:s11] =	stream.linear.scatter [tilespmem:s16], [sflag:$0x9], $0x2000, $0x38;
	[tilespmem:$0x1E000] =	vst v63  }
0x4a: {  	_ =	swait.ge [sflag:s14], $0x2000  }
0x4b: {  	[sflag:s14] =	ssyncset.done $0x0  }
0x4c: {  	[sflag:s14] =	ssyncadd.s32 $0xFFFFE000  }
0x4d: {  	s20 =	simm.s32 $0x0;
	[bflag:$0x0] =	sbarrier.arrive $0xFFFF  }
0x4e: {  	[tilespmem:s18], [sflag:$0x1] =	stream.indirect.gather [hbm4b:s1+s17], $0x40, s20, s17, $0xb8;
	[tilespmem:$0x1E000] =	vst v63  }
0x4f: {  	_ = 	snop  }
0x50: {  	[tilespmem:s19], [sflag:$0x2] =	stream.indirect.gather [hbm4b:s1+s17], $0x40, s17, s17, $0xb8;
	[tilespmem:$0x1E000] =	vst v63  }
0x51: {  	s22 =	simm.s32 $0x100  }
0x52: {  	[tilespmem:s21], [sflag:$0x3] =	stream.indirect.gather [hbm4b:s1+s17], $0x40, s22, s17, $0xb8;
	[tilespmem:$0x1E000] =	vst v63  }
0x53: {  	s20 =	simm.s32 $0x180  }
0x54: {  	[tilespmem:s23], [sflag:$0x4] =	stream.indirect.gather [hbm4b:s1+s17], $0x40, s20, s17, $0xb8;
	[tilespmem:$0x1E000] =	vst v63  }
0x55: {  	_ =	swait.ge [sflag:s24], $0x2000  }
0x56: {  	[sflag:s24] =	ssyncset.done $0x0  }
0x57: {  	s22 =	simm.s32 $0x5000;
	[sflag:s24] =	ssyncadd.s32 $0xFFFFE000  }
0x58: {  	[spmem:s3] =	stream.indirect.scatter.add.bf16 [tilespmem:s18], [sflag:$0x5], $0x40, s22, s17, $0xb8;
	[tilespmem:$0x1E000] =	vst v63  }
0x59: {  	_ =	swait.ge [sflag:s25], $0x2000  }
0x5a: {  	[sflag:s25] =	ssyncset.done $0x0  }
0x5b: {  	s20 =	simm.s32 $0x200;
	[sflag:s25] =	ssyncadd.s32 $0xFFFFE000  }
0x5c: {  	[tilespmem:s18], [sflag:$0x1] =	stream.indirect.gather [hbm4b:s1+s17], $0x40, s20, s17, $0xb8;
	[tilespmem:$0x1E000] =	vst v63  }
0x5d: {  	_ =	swait.ge [sflag:s26], $0x2000  }
0x5e: {  	[sflag:s26] =	ssyncset.done $0x0  }
0x5f: {  	s22 =	simm.s32 $0x5080;
	[sflag:s26] =	ssyncadd.s32 $0xFFFFE000  }
0x60: {  	[spmem:s3] =	stream.indirect.scatter.add.bf16 [tilespmem:s19], [sflag:$0x6], $0x40, s22, s17, $0xb8;
	[tilespmem:$0x1E000] =	vst v63  }
0x61: {  	_ =	swait.ge [sflag:s28], $0x2000  }
0x62: {  	[sflag:s28] =	ssyncset.done $0x0  }
0x63: {  	s20 =	simm.s32 $0x280;
	[sflag:s28] =	ssyncadd.s32 $0xFFFFE000  }
0x64: {  	[tilespmem:s19], [sflag:$0x2] =	stream.indirect.gather [hbm4b:s1+s17], $0x40, s20, s17, $0xb8;
	[tilespmem:$0x1E000] =	vst v63  }
0x65: {  	_ =	swait.ge [sflag:s29], $0x2000  }
0x66: {  	[sflag:s29] =	ssyncset.done $0x0  }
0x67: {  	s22 =	simm.s32 $0x5100;
	[sflag:s29] =	ssyncadd.s32 $0xFFFFE000  }
0x68: {  	[spmem:s3] =	stream.indirect.scatter.add.bf16 [tilespmem:s21], [sflag:$0x7], $0x40, s22, s17, $0xb8;
	[tilespmem:$0x1E000] =	vst v63  }
0x69: {  	_ =	swait.ge [sflag:s30], $0x2000  }
0x6a: {  	[sflag:s30] =	ssyncset.done $0x0  }
0x6b: {  	s20 =	simm.s32 $0x300;
	[sflag:s30] =	ssyncadd.s32 $0xFFFFE000  }
0x6c: {  	[tilespmem:s21], [sflag:$0x3] =	stream.indirect.gather [hbm4b:s1+s17], $0x40, s20, s17, $0xb8;
	[tilespmem:$0x1E000] =	vst v63  }
0x6d: {  	_ =	swait.ge [sflag:s31], $0x2000  }
0x6e: {  	[sflag:s31] =	ssyncset.done $0x0  }
0x6f: {  	s22 =	simm.s32 $0x5180;
	[sflag:s31] =	ssyncadd.s32 $0xFFFFE000  }
0x70: {  	[spmem:s3] =	stream.indirect.scatter.add.bf16 [tilespmem:s23], [sflag:$0x8], $0x40, s22, s17, $0xb8;
	[tilespmem:$0x1E000] =	vst v63  }
0x71: {  	_ =	swait.ge [sflag:s2], $0x2000  }
0x72: {  	[sflag:s2] =	ssyncset.done $0x0  }
0x73: {  	s0 =	simm.s32 $0x800;
	s20 =	simm.s32 $0x380;
	[sflag:s2] =	ssyncadd.s32 $0xFFFFE000  }
.LBB2_6:
0x74: {  	[tilespmem:s23], [sflag:$0x4] =	stream.indirect.gather [hbm4b:s1+s17], $0x40, s20, s17, $0xb8;
	[tilespmem:$0x1E000] =	vst v63  }
0x75: {  	s20 =	smov.u32 s0  }
0x76: {  	p0 =	sne.s32 s0, $0x13000;
	s0 =	sadd.s32 $0x800, s0;
	_ =	swait.ge [sflag:s24], $0x2000  }
0x77: {  	s20 =	sshra.s32 s20, $0x2;
	[sflag:s24] =	ssyncset.done $0x0  }
0x78: {  	s22 =	sadd.s32 $0x5000, s20;
	[sflag:s24] =	ssyncadd.s32 $0xFFFFE000  }
0x79: {  	[spmem:s3] =	stream.indirect.scatter.add.bf16 [tilespmem:s18], [sflag:$0x5], $0x40, s22, s17, $0xb8;
	[tilespmem:$0x1E000] =	vst v63  }
0x7a: {  	_ =	swait.ge [sflag:s25], $0x2000  }
0x7b: {  	[sflag:s25] =	ssyncset.done $0x0  }
0x7c: {  	s22 =	sadd.s32 $0x200, s20;
	[sflag:s25] =	ssyncadd.s32 $0xFFFFE000  }
0x7d: {  	[tilespmem:s18], [sflag:$0x1] =	stream.indirect.gather [hbm4b:s1+s17], $0x40, s22, s17, $0xb8;
	[tilespmem:$0x1E000] =	vst v63  }
0x7e: {  	_ =	swait.ge [sflag:s26], $0x2000  }
0x7f: {  	[sflag:s26] =	ssyncset.done $0x0  }
0x80: {  	s22 =	sadd.s32 $0x5080, s20;
	[sflag:s26] =	ssyncadd.s32 $0xFFFFE000  }
0x81: {  	[spmem:s3] =	stream.indirect.scatter.add.bf16 [tilespmem:s19], [sflag:$0x6], $0x40, s22, s17, $0xb8;
	[tilespmem:$0x1E000] =	vst v63  }
0x82: {  	_ =	swait.ge [sflag:s28], $0x2000  }
0x83: {  	[sflag:s28] =	ssyncset.done $0x0  }
0x84: {  	s22 =	sadd.s32 $0x280, s20;
	[sflag:s28] =	ssyncadd.s32 $0xFFFFE000  }
0x85: {  	[tilespmem:s19], [sflag:$0x2] =	stream.indirect.gather [hbm4b:s1+s17], $0x40, s22, s17, $0xb8;
	[tilespmem:$0x1E000] =	vst v63  }
0x86: {  	_ =	swait.ge [sflag:s29], $0x2000  }
0x87: {  	[sflag:s29] =	ssyncset.done $0x0  }
0x88: {  	s22 =	sadd.s32 $0x5100, s20;
	[sflag:s29] =	ssyncadd.s32 $0xFFFFE000  }
0x89: {  	[spmem:s3] =	stream.indirect.scatter.add.bf16 [tilespmem:s21], [sflag:$0x7], $0x40, s22, s17, $0xb8;
	[tilespmem:$0x1E000] =	vst v63  }
0x8a: {  	_ =	swait.ge [sflag:s30], $0x2000  }
0x8b: {  	[sflag:s30] =	ssyncset.done $0x0  }
0x8c: {  	s22 =	sadd.s32 $0x300, s20;
	[sflag:s30] =	ssyncadd.s32 $0xFFFFE000  }
0x8d: {  	[tilespmem:s21], [sflag:$0x3] =	stream.indirect.gather [hbm4b:s1+s17], $0x40, s22, s17, $0xb8;
	[tilespmem:$0x1E000] =	vst v63  }
0x8e: {  	_ =	swait.ge [sflag:s31], $0x2000  }
0x8f: {  	[sflag:s31] =	ssyncset.done $0x0  }
.Ltmp2:
0x90: {  	s22 =	sadd.s32 $0x5180, s20;
	[sflag:s31] =	ssyncadd.s32 $0xFFFFE000;
	(pc) =	sbr.rel @p0 .LBB2_6-.Ltmp2, $4  }
0x91: {  	[spmem:s3] =	stream.indirect.scatter.add.bf16 [tilespmem:s23], [sflag:$0x8], $0x40, s22, s17, $0xb8;
	[tilespmem:$0x1E000] =	vst v63  }
0x92: {  	_ =	swait.ge [sflag:s2], $0x2000  }
0x93: {  	[sflag:s2] =	ssyncset.done $0x0  }
0x94: {  	s20 =	sadd.s32 $0x380, s20;
	[sflag:s2] =	ssyncadd.s32 $0xFFFFE000  }
0x95: {  	[tilespmem:s23], [sflag:$0x4] =	stream.indirect.gather [hbm4b:s1+s17], $0x40, s20, s17, $0xb8;
	[tilespmem:$0x1E000] =	vst v63  }
0x96: {  	_ =	swait.ge [sflag:s24], $0x2000  }
0x97: {  	[sflag:s24] =	ssyncset.done $0x0  }
0x98: {  	s0 =	simm.s32 $0x9E00;
	[sflag:s24] =	ssyncadd.s32 $0xFFFFE000  }
0x99: {  	[spmem:s3] =	stream.indirect.scatter.add.bf16 [tilespmem:s18], [sflag:$0x5], $0x40, s0, s17, $0xb8;
	[tilespmem:$0x1E000] =	vst v63  }
0x9a: {  	_ =	swait.ge [sflag:s25], $0x2000  }
0x9b: {  	[sflag:s25] =	ssyncset.done $0x0  }
0x9c: {  	[sflag:s25] =	ssyncadd.s32 $0xFFFFE000  }
0x9d: {  	_ =	swait.ge [sflag:s26], $0x2000  }
0x9e: {  	[sflag:s26] =	ssyncset.done $0x0  }
0x9f: {  	s22 =	simm.s32 $0x9E80;
	[sflag:s26] =	ssyncadd.s32 $0xFFFFE000  }
0xa0: {  	[spmem:s3] =	stream.indirect.scatter.add.bf16 [tilespmem:s19], [sflag:$0x6], $0x40, s22, s17, $0xb8;
	[tilespmem:$0x1E000] =	vst v63  }
0xa1: {  	_ =	swait.ge [sflag:s28], $0x2000  }
0xa2: {  	[sflag:s28] =	ssyncset.done $0x0  }
0xa3: {  	[sflag:s28] =	ssyncadd.s32 $0xFFFFE000  }
0xa4: {  	_ =	swait.ge [sflag:s29], $0x2000  }
0xa5: {  	[sflag:s29] =	ssyncset.done $0x0  }
0xa6: {  	s20 =	simm.s32 $0x9F00;
	[sflag:s29] =	ssyncadd.s32 $0xFFFFE000  }
0xa7: {  	[spmem:s3] =	stream.indirect.scatter.add.bf16 [tilespmem:s21], [sflag:$0x7], $0x40, s20, s17, $0xb8;
	[tilespmem:$0x1E000] =	vst v63  }
0xa8: {  	_ =	swait.ge [sflag:s30], $0x2000  }
0xa9: {  	[sflag:s30] =	ssyncset.done $0x0  }
0xaa: {  	[sflag:s30] =	ssyncadd.s32 $0xFFFFE000  }
0xab: {  	_ =	swait.ge [sflag:s31], $0x2000  }
0xac: {  	[sflag:s31] =	ssyncset.done $0x0  }
0xad: {  	s22 =	simm.s32 $0x9F80;
	[sflag:s31] =	ssyncadd.s32 $0xFFFFE000  }
0xae: {  	[spmem:s3] =	stream.indirect.scatter.add.bf16 [tilespmem:s23], [sflag:$0x8], $0x40, s22, s17, $0xb8;
	[tilespmem:$0x1E000] =	vst v63  }
0xaf: {  	s20 =	stileid.u32;
	_ =	swait.ge [sflag:s2], $0x2000  }
0xb0: {  	s15 =	sadd.s32 $0x1, s15;
	s0 =	sshll.u32 s20, $0x6;
	[sflag:s2] =	ssyncset.done $0x0  }
0xb1: {  	p0 =	sne.s32 s15, s13;
	s0 =	sor.u32 $0x1C09, s0;
	[sflag:s2] =	ssyncadd.s32 $0xFFFFE000  }
.Ltmp3:
0xb2: {  	s22 =	sshrl.u32 s7, $0x3;
	[bflag:$0x0] =	sbarrier.arrive $0xFFFF;
	(pc) =	sbr.rel @p0 .LBB2_1-.Ltmp3, $4  }
0xb3: {  	[hbm:s12], [sflag:s0] =	dma.local [spmem:s22], $0x1400  }
0xb4: {  	_ =	swait.ge [sflag:s14], $0x1400  }
0xb5: {  	[sflag:s14] =	ssyncset.done $0x0  }
0xb6: {  	[sflag:s14] =	ssyncadd.s32 $0xFFFFEC00  }
0xb7: {  	_ =	sfence.sel $0x180000  }
0xb8: {  	[bflag:$0x0] =	sbarrier.arrive $0xFFFF  }
0xb9: {  	_ =	strace $0x9000004A  }
0xba: {  	s0 =	stileid.u32;
	[bflag:$0x2] =	sbarrier.arrive $0xFFFF  }
0xbb: {  	p0 =	sne.s32 s0, $0x0;
	s0 =	rddreg [dreg:$0x3]  }
0xbc: {  	s0 =	sadd.s32 @!p0 $0x100000, s0  }
0xbd: {  	[sflag:s0] =	ssyncadd.tile.s32 @!p0 $0x1;
	_ =	shalt  }
.Lfunc_end2:
_tile_overlayer_lowered:
.L_overlay_start_2:
0xbe: {  	(tag) =	ssettag $0x2  }
0xbf: {  	s0 =	rddreg [dreg:$0x0];
	s2 =	stileid.u32  }
0xc0: {  	s1 =	rddreg [dreg:$0x1];
	p0 =	sne.s32 s2, $0x0  }
0xc1: {  	s3 =	rddreg [dreg:$0x2];
	[bflag:$0x3] =	sbarrier.arrive $0xFFFF;
	s2 =	simm.s32 @!p0 $0x1C09  }
0xc2: {  	[timem:s3], [sflag:s2] =	dma.local @!p0 [hbm:s0], s1  }
0xc3: {  	s0 =	simm.s32 @!p0 $0x9  }
0xc4: {  	_ =	swait.ge @!p0 [sflag:s0], s1  }
0xc5: {  	s1 =	ssub.s32 @!p0 $0x0, s1;
	[sflag:s0] =	ssyncset.done @!p0 $0x0  }
0xc6: {  	[sflag:s0] =	ssyncadd.s32 @!p0 s1  }
0xc7: {  	[bflag:$0x3] =	sbarrier.arrive $0xFFFF  }
0xc8: {  	_ =	shalt  }

// kernel: kernel.15.cloned.1.call-start
scs
__scs_entry_jumppad:
0x0: {  	(pc) =	sbr.rel $0x88, $3  }
0x1: {  	(tag) =	ssettag $0x0;
	lr =	simm.s32 $0x1  }
0x2: {  	[smem:$0x3F99] =	sst lr;
	_ =	strace $0xD0000000  }
0x3: {  	_ = 	snop  }
0x4: {  	_ = 	snop  }
0x5: {  	_ = 	snop  }
0x6: {  	_ = 	snop  }
0x7: {  	_ = 	snop  }
__scs_overlays_trampoline_lowered:
0x8: {  	[smem:$0x3FA8] =	sst s0  }
0x9: {  	[smem:$0x3FA9] =	sst s1  }
0xa: {  	[smem:$0x3FAA] =	sst s2  }
0xb: {  	[smem:$0x3FAB] =	sst s3  }
0xc: {  	[smem:$0x3FAC] =	sst s4  }
0xd: {  	[smem:$0x3FAD] =	sst s5  }
0xe: {  	[smem:$0x3FAE] =	sst s6  }
0xf: {  	[smem:$0x3FAF] =	sst s7  }
0x10: {  	[smem:$0x3FB0] =	sst s8  }
0x11: {  	[smem:$0x3FB1] =	sst s9;
	s0 =	simm.s32 @!p0 $0x0  }
0x12: {  	s1 =	sld [smem:$0x3F97];
	s0 =	simm.s32 @p0 $0x1  }
0x13: {  	[smem:$0x3FB2] =	sst s0;
	s0 =	simm.s32 @!p1 $0x0  }
0x14: {  	s2 =	sld [smem:$0x3F96];
	s0 =	simm.s32 @p1 $0x1  }
0x15: {  	[smem:$0x3FB3] =	sst s0;
	s0 =	simm.s32 @!p2 $0x0  }
0x16: {  	s3 =	sld [smem:$0x3FDB];
	s0 =	simm.s32 @p2 $0x1  }
0x17: {  	s4 =	simm.s32 $0x1BF5;
	[smem:$0x3FB5] =	sst s0  }
0x18: {  	s0 =	sld [smem:$0x3F98];
	_ =	swait.ge [sflag:s4], $0x0  }
0x19: {  	s7 =	sld [smem:$0x3F99]  }
0x1a: {  	s8 =	sadd.s32 $0xFFFFE003, lr  }
0x1b: {  	s9 =	sadd.s32 $0xFFFFFEF7, lr;
	s5 =	simm.s32 $0xFFFFFFFF;
	p2 =	slt.u32 s8, $0xFFFFF086  }
0x1c: {  	p1 =	slt.u32 s9, $0xF7A;
	s5 =	simm.s32 @!p2 $0x0  }
0x1d: {  	s5 =	simm.s32 @p1 $0x1;
	p0 =	seq.s32 s7, s2  }
0x1e: {  	s7 =	smul.u32 @!p0 $0xF7A, s2;
	p2 =	seq.s32 @!p0 s5, $0x0  }
0x1f: {  	s9 =	smul.u32 $0xF7A, s1;
	s8 =	simm.s32 @!p0 $0x1BF5;
	p2 =	por !p2, p0  }
0x20: {  	[sflag:s8] =	ssyncset.s32 @!p0 $0xFFFFF086;
	s6 =	sadd.s32 @!p0 s3, s7;
	s7 =	simm.s32 @!p0 $0x108  }
0x21: {  	s3 =	sadd.s32 s3, s9;
	s6 =	sadd.s32 @!p0 $0x88, s6;
	s7 =	simm.s32 @p2 $0x1082  }
0x22: {  	[simem:s7], [sflag:s8] =	dma.local @!p0 [hbm:s6], $0xF7A  }
0x23: {  	s9 =	sor.u32 $0xD0000000, s2;
	s6 =	simm.s32 $0x108;
	_ =	swait.ge @!p0 [sflag:s8], $0x0  }
0x24: {  	s3 =	sadd.s32 $0x88, s3;
	s6 =	simm.s32 @!p1 $0x1082;
	[sflag:s4] =	ssyncset.s32 $0xFFFFF086  }
0x25: {  	[simem:s6], [sflag:s4] =	dma.local [hbm:s3], $0xF7A  }
0x26: {  	[smem:$0x3F99] =	sst s1;
	(tag) =	ssettag s2;
	_ =	strace s9  }
0x27: {  	s1 =	sld [smem:$0x3FA9]  }
0x28: {  	s2 =	sld [smem:$0x3FAA]  }
0x29: {  	s4 =	sld [smem:$0x3FAC]  }
0x2a: {  	p0 =	seq.s32 s5, $0x0;
	s5 =	sld [smem:$0x3FAD]  }
0x2b: {  	s6 =	sld [smem:$0x3FAE]  }
0x2c: {  	s7 =	sld [smem:$0x3FAF]  }
0x2d: {  	s3 =	simm.s32 $0x108;
	s8 =	sld [smem:$0x3FB0]  }
0x2e: {  	s3 =	simm.s32 @!p0 $0x1082;
	s9 =	sld [smem:$0x3FB1]  }
0x2f: {  	lr =	sadd.s32 s0, s3;
	s0 =	sld [smem:$0x3FA8]  }
0x30: {  	s3 =	sld [smem:$0x3FAB]  }
0x31: {  	[smem:$0x3FB4] =	sst s10  }
0x32: {  	s10 =	sld [smem:$0x3FB2];
	_ =	sdelay $0x3  }
0x33: {  	p0 =	seq.s32 s10, $0x1;
	s10 =	sld [smem:$0x3FB4];
	_ =	sdelay $0x3  }
0x34: {  	[smem:$0x3FB4] =	sst s10  }
0x35: {  	s10 =	sld [smem:$0x3FB3];
	_ =	sdelay $0x3  }
0x36: {  	p1 =	seq.s32 s10, $0x1;
	s10 =	sld [smem:$0x3FB4];
	_ =	sdelay $0x3  }
0x37: {  	[smem:$0x3FB4] =	sst s10  }
0x38: {  	s10 =	sld [smem:$0x3FB5]  }
0x39: {  	_ = 	snop;
	(pc) =	sbr.ind lr, $3  }
0x3a: {  	_ = 	snop  }
0x3b: {  	_ = 	snop  }
0x3c: {  	p2 =	seq.s32 s10, $0x1;
	s10 =	sld [smem:$0x3FB4]  }
0x3d: {  	_ =	shalt  }
0x3e: {  	_ =	shalt  }
0x3f: {  	_ =	shalt  }
0x40: {  	_ =	shalt  }
0x41: {  	_ =	shalt  }
0x42: {  	_ =	shalt  }
0x43: {  	_ =	shalt  }
0x44: {  	_ =	shalt  }
0x45: {  	_ =	shalt  }
0x46: {  	_ =	shalt  }
0x47: {  	_ =	shalt  }
0x48: {  	_ =	shalt  }
0x49: {  	_ =	shalt  }
0x4a: {  	_ =	shalt  }
0x4b: {  	_ =	shalt  }
0x4c: {  	_ =	shalt  }
0x4d: {  	_ =	shalt  }
0x4e: {  	_ =	shalt  }
0x4f: {  	_ =	shalt  }
0x50: {  	_ =	shalt  }
0x51: {  	_ =	shalt  }
0x52: {  	_ =	shalt  }
0x53: {  	_ =	shalt  }
0x54: {  	_ =	shalt  }
0x55: {  	_ =	shalt  }
0x56: {  	_ =	shalt  }
0x57: {  	_ =	shalt  }
0x58: {  	_ =	shalt  }
0x59: {  	_ =	shalt  }
0x5a: {  	_ =	shalt  }
0x5b: {  	_ =	shalt  }
0x5c: {  	_ =	shalt  }
0x5d: {  	_ =	shalt  }
0x5e: {  	_ =	shalt  }
0x5f: {  	_ =	shalt  }
0x60: {  	_ =	shalt  }
0x61: {  	_ =	shalt  }
0x62: {  	_ =	shalt  }
0x63: {  	_ =	shalt  }
0x64: {  	_ =	shalt  }
0x65: {  	_ =	shalt  }
0x66: {  	_ =	shalt  }
0x67: {  	_ =	shalt  }
0x68: {  	_ =	shalt  }
0x69: {  	_ =	shalt  }
0x6a: {  	_ =	shalt  }
0x6b: {  	_ =	shalt  }
0x6c: {  	_ =	shalt  }
0x6d: {  	_ =	shalt  }
0x6e: {  	_ =	shalt  }
0x6f: {  	_ =	shalt  }
0x70: {  	_ =	shalt  }
0x71: {  	_ =	shalt  }
0x72: {  	_ =	shalt  }
0x73: {  	_ =	shalt  }
0x74: {  	_ =	shalt  }
0x75: {  	_ =	shalt  }
0x76: {  	_ =	shalt  }
0x77: {  	_ =	shalt  }
0x78: {  	_ =	shalt  }
0x79: {  	_ =	shalt  }
0x7a: {  	_ =	shalt  }
0x7b: {  	_ =	shalt  }
0x7c: {  	_ =	shalt  }
0x7d: {  	_ =	shalt  }
0x7e: {  	_ =	shalt  }
0x7f: {  	_ =	shalt  }
0x80: {  	_ =	shalt  }
0x81: {  	_ =	shalt  }
0x82: {  	_ =	shalt  }
0x83: {  	_ =	shalt  }
0x84: {  	_ =	shalt  }
0x85: {  	_ =	shalt  }
0x86: {  	_ =	shalt  }
0x87: {  	_ =	shalt  }
.Lfunc_end0:
.L_simem_size_0:
called_computation.2_lowered:
.L_overlay_start_0:
0x88: {  	s2 =	sld [smem:$0x3FD9]  }
0x89: {  	s3 =	sld [smem:$0x3FFE];
	_ =	sdelay $0x1  }
0x8a: {  	s1 =	srdreg.scid  }
0x8b: {  	s0 =	sand.u32 $0x1, s1  }
0x8c: {  	s17 =	sshll.u32 s0, $0xA;
	s2 =	sadd.s32 s3, s2  }
0x8d: {  	s2 =	sadd.s32 s2, s17  }
0x8e: {  	[smem:$0x3FC0] =	sst s2  }
0x8f: {  	_ = 	snop  }
0x90: {  	s2 =	sld [smem:$0x3FD0];
	(tm) =	ssettm $0x1  }
0x91: {  	s18 =	sld [smem:$0x3FFB];
	_ =	sdelay $0x3  }
0x92: {  	_ =	strace s18  }
0x93: {  	s3 =	sld [smem:$0x3FFC];
	_ =	sdelay $0x3  }
0x94: {  	_ =	strace s3  }
0x95: {  	s3 =	sld [smem:$0x3FFD];
	_ =	sdelay $0x3  }
0x96: {  	_ =	strace s3  }
0x97: {  	_ =	strace $0x8FFFFFFF  }
0x98: {  	s19 =	sld [smem:$0x3FDB];
	_ =	sdelay $0x1  }
0x99: {  	s4 =	simm.s32 $_scs_section_size  }
0x9a: {  	s5 =	simm.s32 $_size__tile_overlayer_lowered;
	s6 =	simm.s32 $_tile_overlayer_lowered  }
0x9b: {  	s22 =	simm.s32 $0x1BFF;
	s21 =	sshll.u32 s6, $0x1;
	s3 =	sadd.s32 s4, s19  }
0x9c: {  	s7 =	simm.s32 $0x0;
	s20 =	sshll.u32 s5, $0x1;
	s5 =	sadd.s32 s21, s3  }
0x9d: {  	[timem:s7], [sflag:s22] =	dma.local [hbm:s5], s20  }
0x9e: {  	_ =	swait.ge [sflag:s22], s20  }
0x9f: {  	s4 =	ssub.s32 $0x0, s20;
	[sflag:s22] =	ssyncset.done $0x0  }
0xa0: {  	[sflag:s22] =	ssyncadd.s32 s4;
	_ =	sdelay $0x1  }
0xa1: {  	s23 =	simm.s32 $0x1B8B  }
0xa2: {  	_ =	swait.ge [sflag:s23], $0x1  }
0xa3: {  	[sflag:s23] =	ssyncset.done $0x0  }
0xa4: {  	s25 =	simm.s32 $0x1B8E;
	s24 =	sld [smem:$0x3FFE];
	[sflag:s23] =	ssyncadd.s32 $0xFFFFFFFF  }
0xa5: {  	s26 =	simm.s32 $execute0_lowered;
	[smem:$0x3FD2] =	sst s25  }
0xa6: {  	s5 =	sshll.u32 s26, $0x1;
	_ =	strace $0x8000004C;
	[dreg:$0x1] =	wrdreg $0xFFFFFFFF  }
0xa7: {  	s28 =	simm.s32 $_size_execute0_lowered;
	s3 =	sadd.s32 s3, s5;
	[dreg:$0x0] =	wrdreg $0x0  }
0xa8: {  	s5 =	sshll.u32 s28, $0x1;
	[dreg:$0x2] =	wrdreg s3  }
0xa9: {  	[dreg:$0x3] =	wrdreg s5  }
0xaa: {  	[dreg:$0x4] =	wrdreg $0xC0  }
0xab: {  	_ =	task [dreg:s7], $0x5FFFF  }
0xac: {  	[dreg:$0x1] =	wrdreg $0xFFFFFFFF  }
0xad: {  	[dreg:$0x0] =	wrdreg $0x60  }
0xae: {  	[dreg:$0x2] =	wrdreg s2  }
0xaf: {  	[dreg:$0x3] =	wrdreg s24  }
0xb0: {  	[dreg:$0x4] =	wrdreg $0x140000  }
0xb1: {  	[dreg:$0x5] =	wrdreg $0x9  }
0xb2: {  	_ =	task.clear_ibuf [dreg:s7], $0x6FFFF;
	_ =	strace $0x9000004C  }
0xb3: {  	s29 =	simm.s32 $0x9;
	_ =	strace $0x8000004E  }
0xb4: {  	_ =	swait.ge [sflag:s29], $0x1  }
0xb5: {  	[sflag:s29] =	ssyncadd.s32 $0xFFFFFFFF  }
0xb6: {  	_ =	strace $0x9000004E  }
0xb7: {  	_ =	sfence  }
0xb8: {  	s30 =	sld [smem:$0x0];
	_ =	sdelay $0x2  }
0xb9: {  	s31 =	sshll.u32 s1, $0xD;
	s1 =	sshrl.u32 s1, $0x2  }
0xba: {  	s3 =	sand.u32 $0x4000, s31;
	s1 =	sadd.s32 s1, s30  }
0xbb: {  	s0 =	sor.u32 s3, s0;
	s1 =	sshll.u32 s1, $0x11  }
0xbc: {  	s0 =	sor.u32 s1, s0  }
0xbd: {  	s0 =	sadd.s32 $0x8F2B, s0  }
0xbe: {  	[sflag:s0] =	ssyncadd.remote.s32 $0x1  }
0xbf: {  	_ =	sfence.sel $0xFFFF  }
0xc0: {  	[dreg:$0x0] =	wrdreg $0xFFFFFFFF;
	(pc) =	sbr.abs _section_cstart, $3  }
0xc1: {  	[dreg:$0x1] =	wrdreg $0xFFFFFFFF  }
0xc2: {  	_ =	task.clear_ibuf [dreg:s7], $0x2FFFF;
	_ =	strace $0x9FFFFFFF  }
0xc3: {  	(tm) =	ssettm $0x7FFFFFFF  }
tec
execute0_lowered:
.L_overlay_start_1:
0x0: {  	(tag) =	ssettag $0x1  }
0x1: {  	s1 =	rddreg [dreg:$0x0]  }
0x2: {  	s0 =	rddreg [dreg:$0x1];
	s9 =	stileid.u32  }
0x3: {  	s2 =	srdreg.scid;
	s3 =	rddreg [dreg:$0x2];
	s4 =	simm.s32 $0x0  }
0x4: {  	s14 =	simm.s32 $0x9;
	s16 =	simm.s32 $0x12000;
	s17 =	simm.s32 $0x80  }
0x5: {  	s18 =	simm.s32 $0xA000;
	s19 =	simm.s32 $0xC000;
	s21 =	simm.s32 $0xE000  }
0x6: {  	s23 =	simm.s32 $0x10000;
	s24 =	simm.s32 $0x1;
	s28 =	simm.s32 $0x6  }
0x7: {  	s29 =	simm.s32 $0x3;
	s30 =	simm.s32 $0x7;
	s7 =	smul.u32 $0x14000, s9  }
0x8: {  	s31 =	simm.s32 $0x4;
	s15 =	simm.s32 $0x0;
	s6 =	smul.u32 $0xA00, s9  }
0x9: {  	s2 =	sand.u32 $0x1, s2;
	[smem:$0x7FF] =	sst s4;
	s9 =	smul.u32 $0x28000, s9  }
0xa: {  	s5 =	smul.u32 $0x140000, s2;
	_ =	strace $0x8000004D;
	s8 =	ssub.s32 $0x2, s2  }
0xb: {  	v0 =	vmov s2;
	s2 =	simm.s32 $0x8;
	s6 =	sadd.s32 s6, s0;
	s25 =	sshrl.u32 s8, $0x1  }
0xc: {  	s26 =	sshrl.u32 s9, $0x2;
	s5 =	sadd.s32 s7, s5;
	s13 =	ssub.s32 s8, s25  }
0xd: {  	s7 =	sshrl.u32 s7, $0x1;
	s11 =	sadd.s32 s26, s3;
	s25 =	simm.s32 $0x5  }
0xe: {  	v0 =	vmul.u32 $0x2800, v0;
	s26 =	simm.s32 $0x2;
	s5 =	sshrl.u32 s5, $0x4;
	s7 =	sadd.s32 s7, s3  }
0xf: {  	s8 =	sadd.s32 $0x2000, s11;
	s9 =	sadd.s32 $0x4000, s11;
	s10 =	sadd.s32 $0x6000, s11  }
0x10: {  	s11 =	sadd.s32 $0x8000, s11;
	s13 =	smax.u32 s13, $0x1;
	v0 =	vbroadcast v0, $0x0;
	s0 =	sadd.s32 s5, s0  }
0x11: {  	v1 =	vimm.bf16 $0.0e+00;
	s5 =	sadd.s32 $0xB800, s6;
	s6 =	sadd.s32 $0x1800, s6;
	s12 =	sadd.s32 $0x15800, s0  }
.LBB2_1:
0x12: {  	[tilespmem:s4], [sflag:$0x9] =	stream.linear.gather [hbm4b:s5+s4], $0x5000, $0x38;
	[tilespmem:$0x1E000] =	vst v63  }
0x13: {  	_ =	swait.ge [sflag:s14], $0x5000  }
0x14: {  	[sflag:s14] =	ssyncset.done $0x0  }
0x15: {  	s0 =	simm.s32 $0x5000;
	[sflag:s14] =	ssyncadd.s32 $0xFFFFB000  }
0x16: {  	[tilespmem:s0], [sflag:$0x9] =	stream.linear.gather [hbm4b:s6+s4], $0x5000, $0x38;
	[tilespmem:$0x1E000] =	vst v63  }
0x17: {  	_ =	swait.ge [sflag:s14], $0x5000  }
0x18: {  	[sflag:s14] =	ssyncset.done $0x0  }
0x19: {  	s0 =	simm.s32 $0x0;
	[sflag:s14] =	ssyncadd.s32 $0xFFFFB000  }
0x1a: {  	v4 =	vld [tilespmem:s0+$0x0]  }
0x1b: {  	v6 =	vld [tilespmem:s0+$0x10]  }
0x1c: {  	v5 =	vld [tilespmem:s0+$0x20]  }
0x1d: {  	v3 =	vld [tilespmem:s0+$0x30]  }
0x1e: {  	v2 =	vld [tilespmem:s0+$0x40]  }
0x1f: {  	v7 =	vadd.s32 v0, v4;
	v4 =	vld [tilespmem:s0+$0x50]  }
0x20: {  	s20 =	simm.s32 $0x200;
	[tilespmem:s0+$0x0] =	vst v7;
	v7 =	vadd.s32 v0, v6;
	v6 =	vld [tilespmem:s0+$0x60]  }
.LBB2_2:
0x21: {  	s22 =	sshra.s32 s20, $0x2;
	p0 =	sne.s32 s20, $0x13E00;
	[tilespmem:s0+$0x10] =	vst v7;
	v5 =	vadd.s32 v0, v5;
	v7 =	vld [tilespmem:s0+$0x70]  }
0x22: {  	v8 =	vld [tilespmem:s22+$0x0];
	[tilespmem:s0+$0x20] =	vst v5;
	v3 =	vadd.s32 v0, v3  }
0x23: {  	v9 =	vld [tilespmem:s22+$0x10];
	[tilespmem:s0+$0x30] =	vst v3;
	v2 =	vadd.s32 v0, v2  }
.Ltmp0:
0x24: {  	v5 =	vld [tilespmem:s22+$0x20];
	[tilespmem:s0+$0x40] =	vst v2;
	v2 =	vadd.s32 v0, v4;
	(pc) =	sbr.rel @p0 .LBB2_2-.Ltmp0, $4  }
0x25: {  	v3 =	vld [tilespmem:s22+$0x30];
	[tilespmem:s0+$0x50] =	vst v2;
	v4 =	vadd.s32 v0, v6  }
0x26: {  	v2 =	vld [tilespmem:s22+$0x40];
	[tilespmem:s0+$0x60] =	vst v4;
	v6 =	vadd.s32 v0, v7  }
0x27: {  	v7 =	vadd.s32 v0, v8;
	v4 =	vld [tilespmem:s22+$0x50];
	[tilespmem:s0+$0x70] =	vst v6;
	s0 =	smov.u32 s22  }
0x28: {  	s20 =	sadd.s32 $0x200, s20;
	[tilespmem:s0+$0x0] =	vst v7;
	v7 =	vadd.s32 v0, v9;
	v6 =	vld [tilespmem:s0+$0x60]  }
0x29: {  	[tilespmem:s0+$0x10] =	vst v7;
	v5 =	vadd.s32 v0, v5;
	v63 =	vld [tilespmem:s0+$0x70]  }
0x2a: {  	[tilespmem:s0+$0x20] =	vst v5;
	v3 =	vadd.s32 v0, v3  }
0x2b: {  	[tilespmem:s0+$0x30] =	vst v3;
	v2 =	vadd.s32 v0, v2  }
0x2c: {  	[tilespmem:s0+$0x40] =	vst v2;
	v2 =	vadd.s32 v0, v4  }
0x2d: {  	[tilespmem:s0+$0x50] =	vst v2;
	v2 =	vadd.s32 v0, v6  }
0x2e: {  	[tilespmem:s0+$0x60] =	vst v2;
	v2 =	vadd.s32 v0, v63  }
0x2f: {  	s20 =	simm.s32 $0x100;
	[tilespmem:s0+$0x70] =	vst v2;
	s0 =	simm.s32 $0x0  }
.LBB2_4:
0x30: {  	p0 =	sne.s32 s20, $0x7F00;
	[tilespmem:s0+$0x12030] =	vst v1;
	s22 =	smov.u32 s20;
	s20 =	sadd.s32 $0x100, s20  }
.Ltmp1:
0x31: {  	[tilespmem:s0+$0x12020] =	vst v1;
	(pc) =	sbr.rel @p0 .LBB2_4-.Ltmp1, $3  }
0x32: {  	[tilespmem:s0+$0x12000] =	vst v1  }
0x33: {  	[tilespmem:s0+$0x12010] =	vst v1;
	_ =	sdelay $0x1  }
0x34: {  	s0 =	sshra.s32 s22, $0x2  }
0x35: {  	[tilespmem:s0+$0x12030] =	vst v1  }
0x36: {  	[tilespmem:s0+$0x12020] =	vst v1  }
0x37: {  	[tilespmem:s0+$0x12000] =	vst v1  }
0x38: {  	[tilespmem:s0+$0x12010] =	vst v1  }
0x39: {  	[spmem:s7] =	stream.linear.scatter [tilespmem:s16], [sflag:$0x9], $0x2000, $0x38;
	[tilespmem:$0x1E000] =	vst v63  }
0x3a: {  	_ =	swait.ge [sflag:s14], $0x2000  }
0x3b: {  	[sflag:s14] =	ssyncset.done $0x0  }
0x3c: {  	[sflag:s14] =	ssyncadd.s32 $0xFFFFE000  }
0x3d: {  	[spmem:s8] =	stream.linear.scatter [tilespmem:s16], [sflag:$0x9], $0x2000, $0x38;
	[tilespmem:$0x1E000] =	vst v63  }
0x3e: {  	_ =	swait.ge [sflag:s14], $0x2000  }
0x3f: {  	[sflag:s14] =	ssyncset.done $0x0  }
0x40: {  	[sflag:s14] =	ssyncadd.s32 $0xFFFFE000  }
0x41: {  	[spmem:s9] =	stream.linear.scatter [tilespmem:s16], [sflag:$0x9], $0x2000, $0x38;
	[tilespmem:$0x1E000] =	vst v63  }
0x42: {  	_ =	swait.ge [sflag:s14], $0x2000  }
0x43: {  	[sflag:s14] =	ssyncset.done $0x0  }
0x44: {  	[sflag:s14] =	ssyncadd.s32 $0xFFFFE000  }
0x45: {  	[spmem:s10] =	stream.linear.scatter [tilespmem:s16], [sflag:$0x9], $0x2000, $0x38;
	[tilespmem:$0x1E000] =	vst v63  }
0x46: {  	_ =	swait.ge [sflag:s14], $0x2000  }
0x47: {  	[sflag:s14] =	ssyncset.done $0x0  }
0x48: {  	[sflag:s14] =	ssyncadd.s32 $0xFFFFE000  }
0x49: {  	[spmem:s11] =	stream.linear.scatter [tilespmem:s16], [sflag:$0x9], $0x2000, $0x38;
	[tilespmem:$0x1E000] =	vst v63  }
0x4a: {  	_ =	swait.ge [sflag:s14], $0x2000  }
0x4b: {  	[sflag:s14] =	ssyncset.done $0x0  }
0x4c: {  	[sflag:s14] =	ssyncadd.s32 $0xFFFFE000  }
0x4d: {  	s20 =	simm.s32 $0x0;
	[bflag:$0x0] =	sbarrier.arrive $0xFFFF  }
0x4e: {  	[tilespmem:s18], [sflag:$0x1] =	stream.indirect.gather [hbm4b:s1+s17], $0x40, s20, s17, $0xb8;
	[tilespmem:$0x1E000] =	vst v63  }
0x4f: {  	_ = 	snop  }
0x50: {  	[tilespmem:s19], [sflag:$0x2] =	stream.indirect.gather [hbm4b:s1+s17], $0x40, s17, s17, $0xb8;
	[tilespmem:$0x1E000] =	vst v63  }
0x51: {  	s22 =	simm.s32 $0x100  }
0x52: {  	[tilespmem:s21], [sflag:$0x3] =	stream.indirect.gather [hbm4b:s1+s17], $0x40, s22, s17, $0xb8;
	[tilespmem:$0x1E000] =	vst v63  }
0x53: {  	s20 =	simm.s32 $0x180  }
0x54: {  	[tilespmem:s23], [sflag:$0x4] =	stream.indirect.gather [hbm4b:s1+s17], $0x40, s20, s17, $0xb8;
	[tilespmem:$0x1E000] =	vst v63  }
0x55: {  	_ =	swait.ge [sflag:s24], $0x2000  }
0x56: {  	[sflag:s24] =	ssyncset.done $0x0  }
0x57: {  	s22 =	simm.s32 $0x5000;
	[sflag:s24] =	ssyncadd.s32 $0xFFFFE000  }
0x58: {  	[spmem:s3] =	stream.indirect.scatter.add.bf16 [tilespmem:s18], [sflag:$0x5], $0x40, s22, s17, $0xb8;
	[tilespmem:$0x1E000] =	vst v63  }
0x59: {  	_ =	swait.ge [sflag:s25], $0x2000  }
0x5a: {  	[sflag:s25] =	ssyncset.done $0x0  }
0x5b: {  	s20 =	simm.s32 $0x200;
	[sflag:s25] =	ssyncadd.s32 $0xFFFFE000  }
0x5c: {  	[tilespmem:s18], [sflag:$0x1] =	stream.indirect.gather [hbm4b:s1+s17], $0x40, s20, s17, $0xb8;
	[tilespmem:$0x1E000] =	vst v63  }
0x5d: {  	_ =	swait.ge [sflag:s26], $0x2000  }
0x5e: {  	[sflag:s26] =	ssyncset.done $0x0  }
0x5f: {  	s22 =	simm.s32 $0x5080;
	[sflag:s26] =	ssyncadd.s32 $0xFFFFE000  }
0x60: {  	[spmem:s3] =	stream.indirect.scatter.add.bf16 [tilespmem:s19], [sflag:$0x6], $0x40, s22, s17, $0xb8;
	[tilespmem:$0x1E000] =	vst v63  }
0x61: {  	_ =	swait.ge [sflag:s28], $0x2000  }
0x62: {  	[sflag:s28] =	ssyncset.done $0x0  }
0x63: {  	s20 =	simm.s32 $0x280;
	[sflag:s28] =	ssyncadd.s32 $0xFFFFE000  }
0x64: {  	[tilespmem:s19], [sflag:$0x2] =	stream.indirect.gather [hbm4b:s1+s17], $0x40, s20, s17, $0xb8;
	[tilespmem:$0x1E000] =	vst v63  }
0x65: {  	_ =	swait.ge [sflag:s29], $0x2000  }
0x66: {  	[sflag:s29] =	ssyncset.done $0x0  }
0x67: {  	s22 =	simm.s32 $0x5100;
	[sflag:s29] =	ssyncadd.s32 $0xFFFFE000  }
0x68: {  	[spmem:s3] =	stream.indirect.scatter.add.bf16 [tilespmem:s21], [sflag:$0x7], $0x40, s22, s17, $0xb8;
	[tilespmem:$0x1E000] =	vst v63  }
0x69: {  	_ =	swait.ge [sflag:s30], $0x2000  }
0x6a: {  	[sflag:s30] =	ssyncset.done $0x0  }
0x6b: {  	s20 =	simm.s32 $0x300;
	[sflag:s30] =	ssyncadd.s32 $0xFFFFE000  }
0x6c: {  	[tilespmem:s21], [sflag:$0x3] =	stream.indirect.gather [hbm4b:s1+s17], $0x40, s20, s17, $0xb8;
	[tilespmem:$0x1E000] =	vst v63  }
0x6d: {  	_ =	swait.ge [sflag:s31], $0x2000  }
0x6e: {  	[sflag:s31] =	ssyncset.done $0x0  }
0x6f: {  	s22 =	simm.s32 $0x5180;
	[sflag:s31] =	ssyncadd.s32 $0xFFFFE000  }
0x70: {  	[spmem:s3] =	stream.indirect.scatter.add.bf16 [tilespmem:s23], [sflag:$0x8], $0x40, s22, s17, $0xb8;
	[tilespmem:$0x1E000] =	vst v63  }
0x71: {  	_ =	swait.ge [sflag:s2], $0x2000  }
0x72: {  	[sflag:s2] =	ssyncset.done $0x0  }
0x73: {  	s0 =	simm.s32 $0x800;
	s20 =	simm.s32 $0x380;
	[sflag:s2] =	ssyncadd.s32 $0xFFFFE000  }
.LBB2_6:
0x74: {  	[tilespmem:s23], [sflag:$0x4] =	stream.indirect.gather [hbm4b:s1+s17], $0x40, s20, s17, $0xb8;
	[tilespmem:$0x1E000] =	vst v63  }
0x75: {  	s20 =	smov.u32 s0  }
0x76: {  	p0 =	sne.s32 s0, $0x13000;
	s0 =	sadd.s32 $0x800, s0;
	_ =	swait.ge [sflag:s24], $0x2000  }
0x77: {  	s20 =	sshra.s32 s20, $0x2;
	[sflag:s24] =	ssyncset.done $0x0  }
0x78: {  	s22 =	sadd.s32 $0x5000, s20;
	[sflag:s24] =	ssyncadd.s32 $0xFFFFE000  }
0x79: {  	[spmem:s3] =	stream.indirect.scatter.add.bf16 [tilespmem:s18], [sflag:$0x5], $0x40, s22, s17, $0xb8;
	[tilespmem:$0x1E000] =	vst v63  }
0x7a: {  	_ =	swait.ge [sflag:s25], $0x2000  }
0x7b: {  	[sflag:s25] =	ssyncset.done $0x0  }
0x7c: {  	s22 =	sadd.s32 $0x200, s20;
	[sflag:s25] =	ssyncadd.s32 $0xFFFFE000  }
0x7d: {  	[tilespmem:s18], [sflag:$0x1] =	stream.indirect.gather [hbm4b:s1+s17], $0x40, s22, s17, $0xb8;
	[tilespmem:$0x1E000] =	vst v63  }
0x7e: {  	_ =	swait.ge [sflag:s26], $0x2000  }
0x7f: {  	[sflag:s26] =	ssyncset.done $0x0  }
0x80: {  	s22 =	sadd.s32 $0x5080, s20;
	[sflag:s26] =	ssyncadd.s32 $0xFFFFE000  }
0x81: {  	[spmem:s3] =	stream.indirect.scatter.add.bf16 [tilespmem:s19], [sflag:$0x6], $0x40, s22, s17, $0xb8;
	[tilespmem:$0x1E000] =	vst v63  }
0x82: {  	_ =	swait.ge [sflag:s28], $0x2000  }
0x83: {  	[sflag:s28] =	ssyncset.done $0x0  }
0x84: {  	s22 =	sadd.s32 $0x280, s20;
	[sflag:s28] =	ssyncadd.s32 $0xFFFFE000  }
0x85: {  	[tilespmem:s19], [sflag:$0x2] =	stream.indirect.gather [hbm4b:s1+s17], $0x40, s22, s17, $0xb8;
	[tilespmem:$0x1E000] =	vst v63  }
0x86: {  	_ =	swait.ge [sflag:s29], $0x2000  }
0x87: {  	[sflag:s29] =	ssyncset.done $0x0  }
0x88: {  	s22 =	sadd.s32 $0x5100, s20;
	[sflag:s29] =	ssyncadd.s32 $0xFFFFE000  }
0x89: {  	[spmem:s3] =	stream.indirect.scatter.add.bf16 [tilespmem:s21], [sflag:$0x7], $0x40, s22, s17, $0xb8;
	[tilespmem:$0x1E000] =	vst v63  }
0x8a: {  	_ =	swait.ge [sflag:s30], $0x2000  }
0x8b: {  	[sflag:s30] =	ssyncset.done $0x0  }
0x8c: {  	s22 =	sadd.s32 $0x300, s20;
	[sflag:s30] =	ssyncadd.s32 $0xFFFFE000  }
0x8d: {  	[tilespmem:s21], [sflag:$0x3] =	stream.indirect.gather [hbm4b:s1+s17], $0x40, s22, s17, $0xb8;
	[tilespmem:$0x1E000] =	vst v63  }
0x8e: {  	_ =	swait.ge [sflag:s31], $0x2000  }
0x8f: {  	[sflag:s31] =	ssyncset.done $0x0  }
.Ltmp2:
0x90: {  	s22 =	sadd.s32 $0x5180, s20;
	[sflag:s31] =	ssyncadd.s32 $0xFFFFE000;
	(pc) =	sbr.rel @p0 .LBB2_6-.Ltmp2, $4  }
0x91: {  	[spmem:s3] =	stream.indirect.scatter.add.bf16 [tilespmem:s23], [sflag:$0x8], $0x40, s22, s17, $0xb8;
	[tilespmem:$0x1E000] =	vst v63  }
0x92: {  	_ =	swait.ge [sflag:s2], $0x2000  }
0x93: {  	[sflag:s2] =	ssyncset.done $0x0  }
0x94: {  	s20 =	sadd.s32 $0x380, s20;
	[sflag:s2] =	ssyncadd.s32 $0xFFFFE000  }
0x95: {  	[tilespmem:s23], [sflag:$0x4] =	stream.indirect.gather [hbm4b:s1+s17], $0x40, s20, s17, $0xb8;
	[tilespmem:$0x1E000] =	vst v63  }
0x96: {  	_ =	swait.ge [sflag:s24], $0x2000  }
0x97: {  	[sflag:s24] =	ssyncset.done $0x0  }
0x98: {  	s0 =	simm.s32 $0x9E00;
	[sflag:s24] =	ssyncadd.s32 $0xFFFFE000  }
0x99: {  	[spmem:s3] =	stream.indirect.scatter.add.bf16 [tilespmem:s18], [sflag:$0x5], $0x40, s0, s17, $0xb8;
	[tilespmem:$0x1E000] =	vst v63  }
0x9a: {  	_ =	swait.ge [sflag:s25], $0x2000  }
0x9b: {  	[sflag:s25] =	ssyncset.done $0x0  }
0x9c: {  	[sflag:s25] =	ssyncadd.s32 $0xFFFFE000  }
0x9d: {  	_ =	swait.ge [sflag:s26], $0x2000  }
0x9e: {  	[sflag:s26] =	ssyncset.done $0x0  }
0x9f: {  	s22 =	simm.s32 $0x9E80;
	[sflag:s26] =	ssyncadd.s32 $0xFFFFE000  }
0xa0: {  	[spmem:s3] =	stream.indirect.scatter.add.bf16 [tilespmem:s19], [sflag:$0x6], $0x40, s22, s17, $0xb8;
	[tilespmem:$0x1E000] =	vst v63  }
0xa1: {  	_ =	swait.ge [sflag:s28], $0x2000  }
0xa2: {  	[sflag:s28] =	ssyncset.done $0x0  }
0xa3: {  	[sflag:s28] =	ssyncadd.s32 $0xFFFFE000  }
0xa4: {  	_ =	swait.ge [sflag:s29], $0x2000  }
0xa5: {  	[sflag:s29] =	ssyncset.done $0x0  }
0xa6: {  	s20 =	simm.s32 $0x9F00;
	[sflag:s29] =	ssyncadd.s32 $0xFFFFE000  }
0xa7: {  	[spmem:s3] =	stream.indirect.scatter.add.bf16 [tilespmem:s21], [sflag:$0x7], $0x40, s20, s17, $0xb8;
	[tilespmem:$0x1E000] =	vst v63  }
0xa8: {  	_ =	swait.ge [sflag:s30], $0x2000  }
0xa9: {  	[sflag:s30] =	ssyncset.done $0x0  }
0xaa: {  	[sflag:s30] =	ssyncadd.s32 $0xFFFFE000  }
0xab: {  	_ =	swait.ge [sflag:s31], $0x2000  }
0xac: {  	[sflag:s31] =	ssyncset.done $0x0  }
0xad: {  	s22 =	simm.s32 $0x9F80;
	[sflag:s31] =	ssyncadd.s32 $0xFFFFE000  }
0xae: {  	[spmem:s3] =	stream.indirect.scatter.add.bf16 [tilespmem:s23], [sflag:$0x8], $0x40, s22, s17, $0xb8;
	[tilespmem:$0x1E000] =	vst v63  }
0xaf: {  	s20 =	stileid.u32;
	_ =	swait.ge [sflag:s2], $0x2000  }
0xb0: {  	s15 =	sadd.s32 $0x1, s15;
	s0 =	sshll.u32 s20, $0x6;
	[sflag:s2] =	ssyncset.done $0x0  }
0xb1: {  	p0 =	sne.s32 s15, s13;
	s0 =	sor.u32 $0x1C09, s0;
	[sflag:s2] =	ssyncadd.s32 $0xFFFFE000  }
.Ltmp3:
0xb2: {  	s22 =	sshrl.u32 s7, $0x3;
	[bflag:$0x0] =	sbarrier.arrive $0xFFFF;
	(pc) =	sbr.rel @p0 .LBB2_1-.Ltmp3, $4  }
0xb3: {  	[hbm:s12], [sflag:s0] =	dma.local [spmem:s22], $0x1400  }
0xb4: {  	_ =	swait.ge [sflag:s14], $0x1400  }
0xb5: {  	[sflag:s14] =	ssyncset.done $0x0  }
0xb6: {  	[sflag:s14] =	ssyncadd.s32 $0xFFFFEC00  }
0xb7: {  	_ =	sfence.sel $0x180000  }
0xb8: {  	[bflag:$0x0] =	sbarrier.arrive $0xFFFF  }
0xb9: {  	_ =	strace $0x9000004D  }
0xba: {  	s0 =	stileid.u32;
	[bflag:$0x2] =	sbarrier.arrive $0xFFFF  }
0xbb: {  	p0 =	sne.s32 s0, $0x0;
	s0 =	rddreg [dreg:$0x3]  }
0xbc: {  	s0 =	sadd.s32 @!p0 $0x100000, s0  }
0xbd: {  	[sflag:s0] =	ssyncadd.tile.s32 @!p0 $0x1;
	_ =	shalt  }
.Lfunc_end2:
_tile_overlayer_lowered:
.L_overlay_start_2:
0xbe: {  	(tag) =	ssettag $0x2  }
0xbf: {  	s0 =	rddreg [dreg:$0x0];
	s2 =	stileid.u32  }
0xc0: {  	s1 =	rddreg [dreg:$0x1];
	p0 =	sne.s32 s2, $0x0  }
0xc1: {  	s3 =	rddreg [dreg:$0x2];
	[bflag:$0x3] =	sbarrier.arrive $0xFFFF;
	s2 =	simm.s32 @!p0 $0x1C09  }
0xc2: {  	[timem:s3], [sflag:s2] =	dma.local @!p0 [hbm:s0], s1  }
0xc3: {  	s0 =	simm.s32 @!p0 $0x9  }
0xc4: {  	_ =	swait.ge @!p0 [sflag:s0], s1  }
0xc5: {  	s1 =	ssub.s32 @!p0 $0x0, s1;
	[sflag:s0] =	ssyncset.done @!p0 $0x0  }
0xc6: {  	[sflag:s0] =	ssyncadd.s32 @!p0 s1  }
0xc7: {  	[bflag:$0x3] =	sbarrier.arrive $0xFFFF  }
0xc8: {  	_ =	shalt  }

// kernel: kernel.9.cloned.1.call-start
scs
__scs_entry_jumppad:
0x0: {  	(pc) =	sbr.rel $0x88, $3  }
0x1: {  	(tag) =	ssettag $0x0;
	lr =	simm.s32 $0x1  }
0x2: {  	[smem:$0x3F99] =	sst lr;
	_ =	strace $0xD0000000  }
0x3: {  	_ = 	snop  }
0x4: {  	_ = 	snop  }
0x5: {  	_ = 	snop  }
0x6: {  	_ = 	snop  }
0x7: {  	_ = 	snop  }
__scs_overlays_trampoline_lowered:
0x8: {  	[smem:$0x3FA8] =	sst s0  }
0x9: {  	[smem:$0x3FA9] =	sst s1  }
0xa: {  	[smem:$0x3FAA] =	sst s2  }
0xb: {  	[smem:$0x3FAB] =	sst s3  }
0xc: {  	[smem:$0x3FAC] =	sst s4  }
0xd: {  	[smem:$0x3FAD] =	sst s5  }
0xe: {  	[smem:$0x3FAE] =	sst s6  }
0xf: {  	[smem:$0x3FAF] =	sst s7  }
0x10: {  	[smem:$0x3FB0] =	sst s8  }
0x11: {  	[smem:$0x3FB1] =	sst s9;
	s0 =	simm.s32 @!p0 $0x0  }
0x12: {  	s1 =	sld [smem:$0x3F97];
	s0 =	simm.s32 @p0 $0x1  }
0x13: {  	[smem:$0x3FB2] =	sst s0;
	s0 =	simm.s32 @!p1 $0x0  }
0x14: {  	s2 =	sld [smem:$0x3F96];
	s0 =	simm.s32 @p1 $0x1  }
0x15: {  	[smem:$0x3FB3] =	sst s0;
	s0 =	simm.s32 @!p2 $0x0  }
0x16: {  	s3 =	sld [smem:$0x3FDB];
	s0 =	simm.s32 @p2 $0x1  }
0x17: {  	s4 =	simm.s32 $0x1BF5;
	[smem:$0x3FB5] =	sst s0  }
0x18: {  	s0 =	sld [smem:$0x3F98];
	_ =	swait.ge [sflag:s4], $0x0  }
0x19: {  	s7 =	sld [smem:$0x3F99]  }
0x1a: {  	s8 =	sadd.s32 $0xFFFFE003, lr  }
0x1b: {  	s9 =	sadd.s32 $0xFFFFFEF7, lr;
	s5 =	simm.s32 $0xFFFFFFFF;
	p2 =	slt.u32 s8, $0xFFFFF086  }
0x1c: {  	p1 =	slt.u32 s9, $0xF7A;
	s5 =	simm.s32 @!p2 $0x0  }
0x1d: {  	s5 =	simm.s32 @p1 $0x1;
	p0 =	seq.s32 s7, s2  }
0x1e: {  	s7 =	smul.u32 @!p0 $0xF7A, s2;
	p2 =	seq.s32 @!p0 s5, $0x0  }
0x1f: {  	s9 =	smul.u32 $0xF7A, s1;
	s8 =	simm.s32 @!p0 $0x1BF5;
	p2 =	por !p2, p0  }
0x20: {  	[sflag:s8] =	ssyncset.s32 @!p0 $0xFFFFF086;
	s6 =	sadd.s32 @!p0 s3, s7;
	s7 =	simm.s32 @!p0 $0x108  }
0x21: {  	s3 =	sadd.s32 s3, s9;
	s6 =	sadd.s32 @!p0 $0x88, s6;
	s7 =	simm.s32 @p2 $0x1082  }
0x22: {  	[simem:s7], [sflag:s8] =	dma.local @!p0 [hbm:s6], $0xF7A  }
0x23: {  	s9 =	sor.u32 $0xD0000000, s2;
	s6 =	simm.s32 $0x108;
	_ =	swait.ge @!p0 [sflag:s8], $0x0  }
0x24: {  	s3 =	sadd.s32 $0x88, s3;
	s6 =	simm.s32 @!p1 $0x1082;
	[sflag:s4] =	ssyncset.s32 $0xFFFFF086  }
0x25: {  	[simem:s6], [sflag:s4] =	dma.local [hbm:s3], $0xF7A  }
0x26: {  	[smem:$0x3F99] =	sst s1;
	(tag) =	ssettag s2;
	_ =	strace s9  }
0x27: {  	s1 =	sld [smem:$0x3FA9]  }
0x28: {  	s2 =	sld [smem:$0x3FAA]  }
0x29: {  	s4 =	sld [smem:$0x3FAC]  }
0x2a: {  	p0 =	seq.s32 s5, $0x0;
	s5 =	sld [smem:$0x3FAD]  }
0x2b: {  	s6 =	sld [smem:$0x3FAE]  }
0x2c: {  	s7 =	sld [smem:$0x3FAF]  }
0x2d: {  	s3 =	simm.s32 $0x108;
	s8 =	sld [smem:$0x3FB0]  }
0x2e: {  	s3 =	simm.s32 @!p0 $0x1082;
	s9 =	sld [smem:$0x3FB1]  }
0x2f: {  	lr =	sadd.s32 s0, s3;
	s0 =	sld [smem:$0x3FA8]  }
0x30: {  	s3 =	sld [smem:$0x3FAB]  }
0x31: {  	[smem:$0x3FB4] =	sst s10  }
0x32: {  	s10 =	sld [smem:$0x3FB2];
	_ =	sdelay $0x3  }
0x33: {  	p0 =	seq.s32 s10, $0x1;
	s10 =	sld [smem:$0x3FB4];
	_ =	sdelay $0x3  }
0x34: {  	[smem:$0x3FB4] =	sst s10  }
0x35: {  	s10 =	sld [smem:$0x3FB3];
	_ =	sdelay $0x3  }
0x36: {  	p1 =	seq.s32 s10, $0x1;
	s10 =	sld [smem:$0x3FB4];
	_ =	sdelay $0x3  }
0x37: {  	[smem:$0x3FB4] =	sst s10  }
0x38: {  	s10 =	sld [smem:$0x3FB5]  }
0x39: {  	_ = 	snop;
	(pc) =	sbr.ind lr, $3  }
0x3a: {  	_ = 	snop  }
0x3b: {  	_ = 	snop  }
0x3c: {  	p2 =	seq.s32 s10, $0x1;
	s10 =	sld [smem:$0x3FB4]  }
0x3d: {  	_ =	shalt  }
0x3e: {  	_ =	shalt  }
0x3f: {  	_ =	shalt  }
0x40: {  	_ =	shalt  }
0x41: {  	_ =	shalt  }
0x42: {  	_ =	shalt  }
0x43: {  	_ =	shalt  }
0x44: {  	_ =	shalt  }
0x45: {  	_ =	shalt  }
0x46: {  	_ =	shalt  }
0x47: {  	_ =	shalt  }
0x48: {  	_ =	shalt  }
0x49: {  	_ =	shalt  }
0x4a: {  	_ =	shalt  }
0x4b: {  	_ =	shalt  }
0x4c: {  	_ =	shalt  }
0x4d: {  	_ =	shalt  }
0x4e: {  	_ =	shalt  }
0x4f: {  	_ =	shalt  }
0x50: {  	_ =	shalt  }
0x51: {  	_ =	shalt  }
0x52: {  	_ =	shalt  }
0x53: {  	_ =	shalt  }
0x54: {  	_ =	shalt  }
0x55: {  	_ =	shalt  }
0x56: {  	_ =	shalt  }
0x57: {  	_ =	shalt  }
0x58: {  	_ =	shalt  }
0x59: {  	_ =	shalt  }
0x5a: {  	_ =	shalt  }
0x5b: {  	_ =	shalt  }
0x5c: {  	_ =	shalt  }
0x5d: {  	_ =	shalt  }
0x5e: {  	_ =	shalt  }
0x5f: {  	_ =	shalt  }
0x60: {  	_ =	shalt  }
0x61: {  	_ =	shalt  }
0x62: {  	_ =	shalt  }
0x63: {  	_ =	shalt  }
0x64: {  	_ =	shalt  }
0x65: {  	_ =	shalt  }
0x66: {  	_ =	shalt  }
0x67: {  	_ =	shalt  }
0x68: {  	_ =	shalt  }
0x69: {  	_ =	shalt  }
0x6a: {  	_ =	shalt  }
0x6b: {  	_ =	shalt  }
0x6c: {  	_ =	shalt  }
0x6d: {  	_ =	shalt  }
0x6e: {  	_ =	shalt  }
0x6f: {  	_ =	shalt  }
0x70: {  	_ =	shalt  }
0x71: {  	_ =	shalt  }
0x72: {  	_ =	shalt  }
0x73: {  	_ =	shalt  }
0x74: {  	_ =	shalt  }
0x75: {  	_ =	shalt  }
0x76: {  	_ =	shalt  }
0x77: {  	_ =	shalt  }
0x78: {  	_ =	shalt  }
0x79: {  	_ =	shalt  }
0x7a: {  	_ =	shalt  }
0x7b: {  	_ =	shalt  }
0x7c: {  	_ =	shalt  }
0x7d: {  	_ =	shalt  }
0x7e: {  	_ =	shalt  }
0x7f: {  	_ =	shalt  }
0x80: {  	_ =	shalt  }
0x81: {  	_ =	shalt  }
0x82: {  	_ =	shalt  }
0x83: {  	_ =	shalt  }
0x84: {  	_ =	shalt  }
0x85: {  	_ =	shalt  }
0x86: {  	_ =	shalt  }
0x87: {  	_ =	shalt  }
.Lfunc_end0:
.L_simem_size_0:
called_computation_lowered:
.L_overlay_start_0:
0x88: {  	s2 =	sld [smem:$0x3FD9]  }
0x89: {  	s3 =	sld [smem:$0x3FFE];
	_ =	sdelay $0x1  }
0x8a: {  	s1 =	srdreg.scid  }
0x8b: {  	s0 =	sand.u32 $0x1, s1  }
0x8c: {  	s17 =	sshll.u32 s0, $0xA;
	s2 =	sadd.s32 s3, s2  }
0x8d: {  	s2 =	sadd.s32 s2, s17  }
0x8e: {  	[smem:$0x3FC0] =	sst s2  }
0x8f: {  	_ = 	snop  }
0x90: {  	s2 =	sld [smem:$0x3FD0];
	(tm) =	ssettm $0x1  }
0x91: {  	s18 =	sld [smem:$0x3FFB];
	_ =	sdelay $0x3  }
0x92: {  	_ =	strace s18  }
0x93: {  	s3 =	sld [smem:$0x3FFC];
	_ =	sdelay $0x3  }
0x94: {  	_ =	strace s3  }
0x95: {  	s3 =	sld [smem:$0x3FFD];
	_ =	sdelay $0x3  }
0x96: {  	_ =	strace s3  }
0x97: {  	_ =	strace $0x8FFFFFFF  }
0x98: {  	s19 =	sld [smem:$0x3FDB];
	_ =	sdelay $0x1  }
0x99: {  	s4 =	simm.s32 $_scs_section_size  }
0x9a: {  	s5 =	simm.s32 $_size__tile_overlayer_lowered;
	s6 =	simm.s32 $_tile_overlayer_lowered  }
0x9b: {  	s22 =	simm.s32 $0x1BFF;
	s21 =	sshll.u32 s6, $0x1;
	s3 =	sadd.s32 s4, s19  }
0x9c: {  	s7 =	simm.s32 $0x0;
	s20 =	sshll.u32 s5, $0x1;
	s5 =	sadd.s32 s21, s3  }
0x9d: {  	[timem:s7], [sflag:s22] =	dma.local [hbm:s5], s20  }
0x9e: {  	_ =	swait.ge [sflag:s22], s20  }
0x9f: {  	s4 =	ssub.s32 $0x0, s20;
	[sflag:s22] =	ssyncset.done $0x0  }
0xa0: {  	[sflag:s22] =	ssyncadd.s32 s4;
	_ =	sdelay $0x1  }
0xa1: {  	s23 =	simm.s32 $0x1B8B  }
0xa2: {  	_ =	swait.ge [sflag:s23], $0x1  }
0xa3: {  	[sflag:s23] =	ssyncset.done $0x0  }
0xa4: {  	s25 =	simm.s32 $0x1B8E;
	s24 =	sld [smem:$0x3FFE];
	[sflag:s23] =	ssyncadd.s32 $0xFFFFFFFF  }
0xa5: {  	s26 =	simm.s32 $execute0_lowered;
	[smem:$0x3FD2] =	sst s25  }
0xa6: {  	s5 =	sshll.u32 s26, $0x1;
	_ =	strace $0x80000046;
	[dreg:$0x1] =	wrdreg $0xFFFFFFFF  }
0xa7: {  	s28 =	simm.s32 $_size_execute0_lowered;
	s3 =	sadd.s32 s3, s5;
	[dreg:$0x0] =	wrdreg $0x0  }
0xa8: {  	s5 =	sshll.u32 s28, $0x1;
	[dreg:$0x2] =	wrdreg s3  }
0xa9: {  	[dreg:$0x3] =	wrdreg s5  }
0xaa: {  	[dreg:$0x4] =	wrdreg $0xC0  }
0xab: {  	_ =	task [dreg:s7], $0x5FFFF  }
0xac: {  	[dreg:$0x1] =	wrdreg $0xFFFFFFFF  }
0xad: {  	[dreg:$0x0] =	wrdreg $0x60  }
0xae: {  	[dreg:$0x2] =	wrdreg s2  }
0xaf: {  	[dreg:$0x3] =	wrdreg s24  }
0xb0: {  	[dreg:$0x4] =	wrdreg $0x140000  }
0xb1: {  	[dreg:$0x5] =	wrdreg $0x9  }
0xb2: {  	_ =	task.clear_ibuf [dreg:s7], $0x6FFFF;
	_ =	strace $0x90000046  }
0xb3: {  	s29 =	simm.s32 $0x9;
	_ =	strace $0x80000048  }
0xb4: {  	_ =	swait.ge [sflag:s29], $0x1  }
0xb5: {  	[sflag:s29] =	ssyncadd.s32 $0xFFFFFFFF  }
0xb6: {  	_ =	strace $0x90000048  }
0xb7: {  	_ =	sfence  }
0xb8: {  	s30 =	sld [smem:$0x0];
	_ =	sdelay $0x2  }
0xb9: {  	s31 =	sshll.u32 s1, $0xD;
	s1 =	sshrl.u32 s1, $0x2  }
0xba: {  	s3 =	sand.u32 $0x4000, s31;
	s1 =	sadd.s32 s1, s30  }
0xbb: {  	s0 =	sor.u32 s3, s0;
	s1 =	sshll.u32 s1, $0x11  }
0xbc: {  	s0 =	sor.u32 s1, s0  }
0xbd: {  	s0 =	sadd.s32 $0x8F2B, s0  }
0xbe: {  	[sflag:s0] =	ssyncadd.remote.s32 $0x1  }
0xbf: {  	_ =	sfence.sel $0xFFFF  }
0xc0: {  	[dreg:$0x0] =	wrdreg $0xFFFFFFFF;
	(pc) =	sbr.abs _section_cstart, $3  }
0xc1: {  	[dreg:$0x1] =	wrdreg $0xFFFFFFFF  }
0xc2: {  	_ =	task.clear_ibuf [dreg:s7], $0x2FFFF;
	_ =	strace $0x9FFFFFFF  }
0xc3: {  	(tm) =	ssettm $0x7FFFFFFF  }
tec
execute0_lowered:
.L_overlay_start_1:
0x0: {  	(tag) =	ssettag $0x1  }
0x1: {  	s1 =	rddreg [dreg:$0x0]  }
0x2: {  	s0 =	rddreg [dreg:$0x1];
	s9 =	stileid.u32  }
0x3: {  	s2 =	srdreg.scid;
	s3 =	rddreg [dreg:$0x2];
	s4 =	simm.s32 $0x0  }
0x4: {  	s14 =	simm.s32 $0x9;
	s16 =	simm.s32 $0x12000;
	s17 =	simm.s32 $0x80  }
0x5: {  	s18 =	simm.s32 $0xA000;
	s19 =	simm.s32 $0xC000;
	s21 =	simm.s32 $0xE000  }
0x6: {  	s23 =	simm.s32 $0x10000;
	s24 =	simm.s32 $0x1;
	s28 =	simm.s32 $0x6  }
0x7: {  	s29 =	simm.s32 $0x3;
	s30 =	simm.s32 $0x7;
	s7 =	smul.u32 $0x14000, s9  }
0x8: {  	s31 =	simm.s32 $0x4;
	s15 =	simm.s32 $0x0;
	s6 =	smul.u32 $0xA00, s9  }
0x9: {  	s2 =	sand.u32 $0x1, s2;
	[smem:$0x7FF] =	sst s4;
	s9 =	smul.u32 $0x28000, s9  }
0xa: {  	s5 =	smul.u32 $0x140000, s2;
	_ =	strace $0x80000047;
	s8 =	ssub.s32 $0x2, s2  }
0xb: {  	v0 =	vmov s2;
	s2 =	simm.s32 $0x8;
	s6 =	sadd.s32 s6, s0;
	s25 =	sshrl.u32 s8, $0x1  }
0xc: {  	s26 =	sshrl.u32 s9, $0x2;
	s5 =	sadd.s32 s7, s5;
	s13 =	ssub.s32 s8, s25  }
0xd: {  	s7 =	sshrl.u32 s7, $0x1;
	s11 =	sadd.s32 s26, s3;
	s25 =	simm.s32 $0x5  }
0xe: {  	v0 =	vmul.u32 $0x2800, v0;
	s26 =	simm.s32 $0x2;
	s5 =	sshrl.u32 s5, $0x4;
	s7 =	sadd.s32 s7, s3  }
0xf: {  	s8 =	sadd.s32 $0x2000, s11;
	s9 =	sadd.s32 $0x4000, s11;
	s10 =	sadd.s32 $0x6000, s11  }
0x10: {  	s11 =	sadd.s32 $0x8000, s11;
	s13 =	smax.u32 s13, $0x1;
	v0 =	vbroadcast v0, $0x0;
	s0 =	sadd.s32 s5, s0  }
0x11: {  	v1 =	vimm.bf16 $0.0e+00;
	s5 =	sadd.s32 $0xB800, s6;
	s6 =	sadd.s32 $0x1800, s6;
	s12 =	sadd.s32 $0x15800, s0  }
.LBB2_1:
0x12: {  	[tilespmem:s4], [sflag:$0x9] =	stream.linear.gather [hbm4b:s5+s4], $0x5000, $0x38;
	[tilespmem:$0x1E000] =	vst v63  }
0x13: {  	_ =	swait.ge [sflag:s14], $0x5000  }
0x14: {  	[sflag:s14] =	ssyncset.done $0x0  }
0x15: {  	s0 =	simm.s32 $0x5000;
	[sflag:s14] =	ssyncadd.s32 $0xFFFFB000  }
0x16: {  	[tilespmem:s0], [sflag:$0x9] =	stream.linear.gather [hbm4b:s6+s4], $0x5000, $0x38;
	[tilespmem:$0x1E000] =	vst v63  }
0x17: {  	_ =	swait.ge [sflag:s14], $0x5000  }
0x18: {  	[sflag:s14] =	ssyncset.done $0x0  }
0x19: {  	s0 =	simm.s32 $0x0;
	[sflag:s14] =	ssyncadd.s32 $0xFFFFB000  }
0x1a: {  	v4 =	vld [tilespmem:s0+$0x0]  }
0x1b: {  	v6 =	vld [tilespmem:s0+$0x10]  }
0x1c: {  	v5 =	vld [tilespmem:s0+$0x20]  }
0x1d: {  	v3 =	vld [tilespmem:s0+$0x30]  }
0x1e: {  	v2 =	vld [tilespmem:s0+$0x40]  }
0x1f: {  	v7 =	vadd.s32 v0, v4;
	v4 =	vld [tilespmem:s0+$0x50]  }
0x20: {  	s20 =	simm.s32 $0x200;
	[tilespmem:s0+$0x0] =	vst v7;
	v7 =	vadd.s32 v0, v6;
	v6 =	vld [tilespmem:s0+$0x60]  }
.LBB2_2:
0x21: {  	s22 =	sshra.s32 s20, $0x2;
	p0 =	sne.s32 s20, $0x13E00;
	[tilespmem:s0+$0x10] =	vst v7;
	v5 =	vadd.s32 v0, v5;
	v7 =	vld [tilespmem:s0+$0x70]  }
0x22: {  	v8 =	vld [tilespmem:s22+$0x0];
	[tilespmem:s0+$0x20] =	vst v5;
	v3 =	vadd.s32 v0, v3  }
0x23: {  	v9 =	vld [tilespmem:s22+$0x10];
	[tilespmem:s0+$0x30] =	vst v3;
	v2 =	vadd.s32 v0, v2  }
.Ltmp0:
0x24: {  	v5 =	vld [tilespmem:s22+$0x20];
	[tilespmem:s0+$0x40] =	vst v2;
	v2 =	vadd.s32 v0, v4;
	(pc) =	sbr.rel @p0 .LBB2_2-.Ltmp0, $4  }
0x25: {  	v3 =	vld [tilespmem:s22+$0x30];
	[tilespmem:s0+$0x50] =	vst v2;
	v4 =	vadd.s32 v0, v6  }
0x26: {  	v2 =	vld [tilespmem:s22+$0x40];
	[tilespmem:s0+$0x60] =	vst v4;
	v6 =	vadd.s32 v0, v7  }
0x27: {  	v7 =	vadd.s32 v0, v8;
	v4 =	vld [tilespmem:s22+$0x50];
	[tilespmem:s0+$0x70] =	vst v6;
	s0 =	smov.u32 s22  }
0x28: {  	s20 =	sadd.s32 $0x200, s20;
	[tilespmem:s0+$0x0] =	vst v7;
	v7 =	vadd.s32 v0, v9;
	v6 =	vld [tilespmem:s0+$0x60]  }
0x29: {  	[tilespmem:s0+$0x10] =	vst v7;
	v5 =	vadd.s32 v0, v5;
	v63 =	vld [tilespmem:s0+$0x70]  }
0x2a: {  	[tilespmem:s0+$0x20] =	vst v5;
	v3 =	vadd.s32 v0, v3  }
0x2b: {  	[tilespmem:s0+$0x30] =	vst v3;
	v2 =	vadd.s32 v0, v2  }
0x2c: {  	[tilespmem:s0+$0x40] =	vst v2;
	v2 =	vadd.s32 v0, v4  }
0x2d: {  	[tilespmem:s0+$0x50] =	vst v2;
	v2 =	vadd.s32 v0, v6  }
0x2e: {  	[tilespmem:s0+$0x60] =	vst v2;
	v2 =	vadd.s32 v0, v63  }
0x2f: {  	s20 =	simm.s32 $0x100;
	[tilespmem:s0+$0x70] =	vst v2;
	s0 =	simm.s32 $0x0  }
.LBB2_4:
0x30: {  	p0 =	sne.s32 s20, $0x7F00;
	[tilespmem:s0+$0x12030] =	vst v1;
	s22 =	smov.u32 s20;
	s20 =	sadd.s32 $0x100, s20  }
.Ltmp1:
0x31: {  	[tilespmem:s0+$0x12020] =	vst v1;
	(pc) =	sbr.rel @p0 .LBB2_4-.Ltmp1, $3  }
0x32: {  	[tilespmem:s0+$0x12000] =	vst v1  }
0x33: {  	[tilespmem:s0+$0x12010] =	vst v1;
	_ =	sdelay $0x1  }
0x34: {  	s0 =	sshra.s32 s22, $0x2  }
0x35: {  	[tilespmem:s0+$0x12030] =	vst v1  }
0x36: {  	[tilespmem:s0+$0x12020] =	vst v1  }
0x37: {  	[tilespmem:s0+$0x12000] =	vst v1  }
0x38: {  	[tilespmem:s0+$0x12010] =	vst v1  }
0x39: {  	[spmem:s7] =	stream.linear.scatter [tilespmem:s16], [sflag:$0x9], $0x2000, $0x38;
	[tilespmem:$0x1E000] =	vst v63  }
0x3a: {  	_ =	swait.ge [sflag:s14], $0x2000  }
0x3b: {  	[sflag:s14] =	ssyncset.done $0x0  }
0x3c: {  	[sflag:s14] =	ssyncadd.s32 $0xFFFFE000  }
0x3d: {  	[spmem:s8] =	stream.linear.scatter [tilespmem:s16], [sflag:$0x9], $0x2000, $0x38;
	[tilespmem:$0x1E000] =	vst v63  }
0x3e: {  	_ =	swait.ge [sflag:s14], $0x2000  }
0x3f: {  	[sflag:s14] =	ssyncset.done $0x0  }
0x40: {  	[sflag:s14] =	ssyncadd.s32 $0xFFFFE000  }
0x41: {  	[spmem:s9] =	stream.linear.scatter [tilespmem:s16], [sflag:$0x9], $0x2000, $0x38;
	[tilespmem:$0x1E000] =	vst v63  }
0x42: {  	_ =	swait.ge [sflag:s14], $0x2000  }
0x43: {  	[sflag:s14] =	ssyncset.done $0x0  }
0x44: {  	[sflag:s14] =	ssyncadd.s32 $0xFFFFE000  }
0x45: {  	[spmem:s10] =	stream.linear.scatter [tilespmem:s16], [sflag:$0x9], $0x2000, $0x38;
	[tilespmem:$0x1E000] =	vst v63  }
0x46: {  	_ =	swait.ge [sflag:s14], $0x2000  }
0x47: {  	[sflag:s14] =	ssyncset.done $0x0  }
0x48: {  	[sflag:s14] =	ssyncadd.s32 $0xFFFFE000  }
0x49: {  	[spmem:s11] =	stream.linear.scatter [tilespmem:s16], [sflag:$0x9], $0x2000, $0x38;
	[tilespmem:$0x1E000] =	vst v63  }
0x4a: {  	_ =	swait.ge [sflag:s14], $0x2000  }
0x4b: {  	[sflag:s14] =	ssyncset.done $0x0  }
0x4c: {  	[sflag:s14] =	ssyncadd.s32 $0xFFFFE000  }
0x4d: {  	s20 =	simm.s32 $0x0;
	[bflag:$0x0] =	sbarrier.arrive $0xFFFF  }
0x4e: {  	[tilespmem:s18], [sflag:$0x1] =	stream.indirect.gather [hbm4b:s1+s17], $0x40, s20, s17, $0xb8;
	[tilespmem:$0x1E000] =	vst v63  }
0x4f: {  	_ = 	snop  }
0x50: {  	[tilespmem:s19], [sflag:$0x2] =	stream.indirect.gather [hbm4b:s1+s17], $0x40, s17, s17, $0xb8;
	[tilespmem:$0x1E000] =	vst v63  }
0x51: {  	s22 =	simm.s32 $0x100  }
0x52: {  	[tilespmem:s21], [sflag:$0x3] =	stream.indirect.gather [hbm4b:s1+s17], $0x40, s22, s17, $0xb8;
	[tilespmem:$0x1E000] =	vst v63  }
0x53: {  	s20 =	simm.s32 $0x180  }
0x54: {  	[tilespmem:s23], [sflag:$0x4] =	stream.indirect.gather [hbm4b:s1+s17], $0x40, s20, s17, $0xb8;
	[tilespmem:$0x1E000] =	vst v63  }
0x55: {  	_ =	swait.ge [sflag:s24], $0x2000  }
0x56: {  	[sflag:s24] =	ssyncset.done $0x0  }
0x57: {  	s22 =	simm.s32 $0x5000;
	[sflag:s24] =	ssyncadd.s32 $0xFFFFE000  }
0x58: {  	[spmem:s3] =	stream.indirect.scatter.add.bf16 [tilespmem:s18], [sflag:$0x5], $0x40, s22, s17, $0xb8;
	[tilespmem:$0x1E000] =	vst v63  }
0x59: {  	_ =	swait.ge [sflag:s25], $0x2000  }
0x5a: {  	[sflag:s25] =	ssyncset.done $0x0  }
0x5b: {  	s20 =	simm.s32 $0x200;
	[sflag:s25] =	ssyncadd.s32 $0xFFFFE000  }
0x5c: {  	[tilespmem:s18], [sflag:$0x1] =	stream.indirect.gather [hbm4b:s1+s17], $0x40, s20, s17, $0xb8;
	[tilespmem:$0x1E000] =	vst v63  }
0x5d: {  	_ =	swait.ge [sflag:s26], $0x2000  }
0x5e: {  	[sflag:s26] =	ssyncset.done $0x0  }
0x5f: {  	s22 =	simm.s32 $0x5080;
	[sflag:s26] =	ssyncadd.s32 $0xFFFFE000  }
0x60: {  	[spmem:s3] =	stream.indirect.scatter.add.bf16 [tilespmem:s19], [sflag:$0x6], $0x40, s22, s17, $0xb8;
	[tilespmem:$0x1E000] =	vst v63  }
0x61: {  	_ =	swait.ge [sflag:s28], $0x2000  }
0x62: {  	[sflag:s28] =	ssyncset.done $0x0  }
0x63: {  	s20 =	simm.s32 $0x280;
	[sflag:s28] =	ssyncadd.s32 $0xFFFFE000  }
0x64: {  	[tilespmem:s19], [sflag:$0x2] =	stream.indirect.gather [hbm4b:s1+s17], $0x40, s20, s17, $0xb8;
	[tilespmem:$0x1E000] =	vst v63  }
0x65: {  	_ =	swait.ge [sflag:s29], $0x2000  }
0x66: {  	[sflag:s29] =	ssyncset.done $0x0  }
0x67: {  	s22 =	simm.s32 $0x5100;
	[sflag:s29] =	ssyncadd.s32 $0xFFFFE000  }
0x68: {  	[spmem:s3] =	stream.indirect.scatter.add.bf16 [tilespmem:s21], [sflag:$0x7], $0x40, s22, s17, $0xb8;
	[tilespmem:$0x1E000] =	vst v63  }
0x69: {  	_ =	swait.ge [sflag:s30], $0x2000  }
0x6a: {  	[sflag:s30] =	ssyncset.done $0x0  }
0x6b: {  	s20 =	simm.s32 $0x300;
	[sflag:s30] =	ssyncadd.s32 $0xFFFFE000  }
0x6c: {  	[tilespmem:s21], [sflag:$0x3] =	stream.indirect.gather [hbm4b:s1+s17], $0x40, s20, s17, $0xb8;
	[tilespmem:$0x1E000] =	vst v63  }
0x6d: {  	_ =	swait.ge [sflag:s31], $0x2000  }
0x6e: {  	[sflag:s31] =	ssyncset.done $0x0  }
0x6f: {  	s22 =	simm.s32 $0x5180;
	[sflag:s31] =	ssyncadd.s32 $0xFFFFE000  }
0x70: {  	[spmem:s3] =	stream.indirect.scatter.add.bf16 [tilespmem:s23], [sflag:$0x8], $0x40, s22, s17, $0xb8;
	[tilespmem:$0x1E000] =	vst v63  }
0x71: {  	_ =	swait.ge [sflag:s2], $0x2000  }
0x72: {  	[sflag:s2] =	ssyncset.done $0x0  }
0x73: {  	s0 =	simm.s32 $0x800;
	s20 =	simm.s32 $0x380;
	[sflag:s2] =	ssyncadd.s32 $0xFFFFE000  }
.LBB2_6:
0x74: {  	[tilespmem:s23], [sflag:$0x4] =	stream.indirect.gather [hbm4b:s1+s17], $0x40, s20, s17, $0xb8;
	[tilespmem:$0x1E000] =	vst v63  }
0x75: {  	s20 =	smov.u32 s0  }
0x76: {  	p0 =	sne.s32 s0, $0x13000;
	s0 =	sadd.s32 $0x800, s0;
	_ =	swait.ge [sflag:s24], $0x2000  }
0x77: {  	s20 =	sshra.s32 s20, $0x2;
	[sflag:s24] =	ssyncset.done $0x0  }
0x78: {  	s22 =	sadd.s32 $0x5000, s20;
	[sflag:s24] =	ssyncadd.s32 $0xFFFFE000  }
0x79: {  	[spmem:s3] =	stream.indirect.scatter.add.bf16 [tilespmem:s18], [sflag:$0x5], $0x40, s22, s17, $0xb8;
	[tilespmem:$0x1E000] =	vst v63  }
0x7a: {  	_ =	swait.ge [sflag:s25], $0x2000  }
0x7b: {  	[sflag:s25] =	ssyncset.done $0x0  }
0x7c: {  	s22 =	sadd.s32 $0x200, s20;
	[sflag:s25] =	ssyncadd.s32 $0xFFFFE000  }
0x7d: {  	[tilespmem:s18], [sflag:$0x1] =	stream.indirect.gather [hbm4b:s1+s17], $0x40, s22, s17, $0xb8;
	[tilespmem:$0x1E000] =	vst v63  }
0x7e: {  	_ =	swait.ge [sflag:s26], $0x2000  }
0x7f: {  	[sflag:s26] =	ssyncset.done $0x0  }
0x80: {  	s22 =	sadd.s32 $0x5080, s20;
	[sflag:s26] =	ssyncadd.s32 $0xFFFFE000  }
0x81: {  	[spmem:s3] =	stream.indirect.scatter.add.bf16 [tilespmem:s19], [sflag:$0x6], $0x40, s22, s17, $0xb8;
	[tilespmem:$0x1E000] =	vst v63  }
0x82: {  	_ =	swait.ge [sflag:s28], $0x2000  }
0x83: {  	[sflag:s28] =	ssyncset.done $0x0  }
0x84: {  	s22 =	sadd.s32 $0x280, s20;
	[sflag:s28] =	ssyncadd.s32 $0xFFFFE000  }
0x85: {  	[tilespmem:s19], [sflag:$0x2] =	stream.indirect.gather [hbm4b:s1+s17], $0x40, s22, s17, $0xb8;
	[tilespmem:$0x1E000] =	vst v63  }
0x86: {  	_ =	swait.ge [sflag:s29], $0x2000  }
0x87: {  	[sflag:s29] =	ssyncset.done $0x0  }
0x88: {  	s22 =	sadd.s32 $0x5100, s20;
	[sflag:s29] =	ssyncadd.s32 $0xFFFFE000  }
0x89: {  	[spmem:s3] =	stream.indirect.scatter.add.bf16 [tilespmem:s21], [sflag:$0x7], $0x40, s22, s17, $0xb8;
	[tilespmem:$0x1E000] =	vst v63  }
0x8a: {  	_ =	swait.ge [sflag:s30], $0x2000  }
0x8b: {  	[sflag:s30] =	ssyncset.done $0x0  }
0x8c: {  	s22 =	sadd.s32 $0x300, s20;
	[sflag:s30] =	ssyncadd.s32 $0xFFFFE000  }
0x8d: {  	[tilespmem:s21], [sflag:$0x3] =	stream.indirect.gather [hbm4b:s1+s17], $0x40, s22, s17, $0xb8;
	[tilespmem:$0x1E000] =	vst v63  }
0x8e: {  	_ =	swait.ge [sflag:s31], $0x2000  }
0x8f: {  	[sflag:s31] =	ssyncset.done $0x0  }
.Ltmp2:
0x90: {  	s22 =	sadd.s32 $0x5180, s20;
	[sflag:s31] =	ssyncadd.s32 $0xFFFFE000;
	(pc) =	sbr.rel @p0 .LBB2_6-.Ltmp2, $4  }
0x91: {  	[spmem:s3] =	stream.indirect.scatter.add.bf16 [tilespmem:s23], [sflag:$0x8], $0x40, s22, s17, $0xb8;
	[tilespmem:$0x1E000] =	vst v63  }
0x92: {  	_ =	swait.ge [sflag:s2], $0x2000  }
0x93: {  	[sflag:s2] =	ssyncset.done $0x0  }
0x94: {  	s20 =	sadd.s32 $0x380, s20;
	[sflag:s2] =	ssyncadd.s32 $0xFFFFE000  }
0x95: {  	[tilespmem:s23], [sflag:$0x4] =	stream.indirect.gather [hbm4b:s1+s17], $0x40, s20, s17, $0xb8;
	[tilespmem:$0x1E000] =	vst v63  }
0x96: {  	_ =	swait.ge [sflag:s24], $0x2000  }
0x97: {  	[sflag:s24] =	ssyncset.done $0x0  }
0x98: {  	s0 =	simm.s32 $0x9E00;
	[sflag:s24] =	ssyncadd.s32 $0xFFFFE000  }
0x99: {  	[spmem:s3] =	stream.indirect.scatter.add.bf16 [tilespmem:s18], [sflag:$0x5], $0x40, s0, s17, $0xb8;
	[tilespmem:$0x1E000] =	vst v63  }
0x9a: {  	_ =	swait.ge [sflag:s25], $0x2000  }
0x9b: {  	[sflag:s25] =	ssyncset.done $0x0  }
0x9c: {  	[sflag:s25] =	ssyncadd.s32 $0xFFFFE000  }
0x9d: {  	_ =	swait.ge [sflag:s26], $0x2000  }
0x9e: {  	[sflag:s26] =	ssyncset.done $0x0  }
0x9f: {  	s22 =	simm.s32 $0x9E80;
	[sflag:s26] =	ssyncadd.s32 $0xFFFFE000  }
0xa0: {  	[spmem:s3] =	stream.indirect.scatter.add.bf16 [tilespmem:s19], [sflag:$0x6], $0x40, s22, s17, $0xb8;
	[tilespmem:$0x1E000] =	vst v63  }
0xa1: {  	_ =	swait.ge [sflag:s28], $0x2000  }
0xa2: {  	[sflag:s28] =	ssyncset.done $0x0  }
0xa3: {  	[sflag:s28] =	ssyncadd.s32 $0xFFFFE000  }
0xa4: {  	_ =	swait.ge [sflag:s29], $0x2000  }
0xa5: {  	[sflag:s29] =	ssyncset.done $0x0  }
0xa6: {  	s20 =	simm.s32 $0x9F00;
	[sflag:s29] =	ssyncadd.s32 $0xFFFFE000  }
0xa7: {  	[spmem:s3] =	stream.indirect.scatter.add.bf16 [tilespmem:s21], [sflag:$0x7], $0x40, s20, s17, $0xb8;
	[tilespmem:$0x1E000] =	vst v63  }
0xa8: {  	_ =	swait.ge [sflag:s30], $0x2000  }
0xa9: {  	[sflag:s30] =	ssyncset.done $0x0  }
0xaa: {  	[sflag:s30] =	ssyncadd.s32 $0xFFFFE000  }
0xab: {  	_ =	swait.ge [sflag:s31], $0x2000  }
0xac: {  	[sflag:s31] =	ssyncset.done $0x0  }
0xad: {  	s22 =	simm.s32 $0x9F80;
	[sflag:s31] =	ssyncadd.s32 $0xFFFFE000  }
0xae: {  	[spmem:s3] =	stream.indirect.scatter.add.bf16 [tilespmem:s23], [sflag:$0x8], $0x40, s22, s17, $0xb8;
	[tilespmem:$0x1E000] =	vst v63  }
0xaf: {  	s20 =	stileid.u32;
	_ =	swait.ge [sflag:s2], $0x2000  }
0xb0: {  	s15 =	sadd.s32 $0x1, s15;
	s0 =	sshll.u32 s20, $0x6;
	[sflag:s2] =	ssyncset.done $0x0  }
0xb1: {  	p0 =	sne.s32 s15, s13;
	s0 =	sor.u32 $0x1C09, s0;
	[sflag:s2] =	ssyncadd.s32 $0xFFFFE000  }
.Ltmp3:
0xb2: {  	s22 =	sshrl.u32 s7, $0x3;
	[bflag:$0x0] =	sbarrier.arrive $0xFFFF;
	(pc) =	sbr.rel @p0 .LBB2_1-.Ltmp3, $4  }
0xb3: {  	[hbm:s12], [sflag:s0] =	dma.local [spmem:s22], $0x1400  }
0xb4: {  	_ =	swait.ge [sflag:s14], $0x1400  }
0xb5: {  	[sflag:s14] =	ssyncset.done $0x0  }
0xb6: {  	[sflag:s14] =	ssyncadd.s32 $0xFFFFEC00  }
0xb7: {  	_ =	sfence.sel $0x180000  }
0xb8: {  	[bflag:$0x0] =	sbarrier.arrive $0xFFFF  }
0xb9: {  	_ =	strace $0x90000047  }
0xba: {  	s0 =	stileid.u32;
	[bflag:$0x2] =	sbarrier.arrive $0xFFFF  }
0xbb: {  	p0 =	sne.s32 s0, $0x0;
	s0 =	rddreg [dreg:$0x3]  }
0xbc: {  	s0 =	sadd.s32 @!p0 $0x100000, s0  }
0xbd: {  	[sflag:s0] =	ssyncadd.tile.s32 @!p0 $0x1;
	_ =	shalt  }
.Lfunc_end2:
_tile_overlayer_lowered:
.L_overlay_start_2:
0xbe: {  	(tag) =	ssettag $0x2  }
0xbf: {  	s0 =	rddreg [dreg:$0x0];
	s2 =	stileid.u32  }
0xc0: {  	s1 =	rddreg [dreg:$0x1];
	p0 =	sne.s32 s2, $0x0  }
0xc1: {  	s3 =	rddreg [dreg:$0x2];
	[bflag:$0x3] =	sbarrier.arrive $0xFFFF;
	s2 =	simm.s32 @!p0 $0x1C09  }
0xc2: {  	[timem:s3], [sflag:s2] =	dma.local @!p0 [hbm:s0], s1  }
0xc3: {  	s0 =	simm.s32 @!p0 $0x9  }
0xc4: {  	_ =	swait.ge @!p0 [sflag:s0], s1  }
0xc5: {  	s1 =	ssub.s32 @!p0 $0x0, s1;
	[sflag:s0] =	ssyncset.done @!p0 $0x0  }
0xc6: {  	[sflag:s0] =	ssyncadd.s32 @!p0 s1  }
0xc7: {  	[bflag:$0x3] =	sbarrier.arrive $0xFFFF  }
0xc8: {  	_ =	shalt  }

</sc_bundles>
